<compile_context>
chip_gen: v7x
topology: tpu7x:2x2x1
jax: 0.10.2.dev20260603
libtpu: 0.0.44.dev20260713+nightly
codegen_flags: <defaults>
</compile_context>

<pallas_src>
import functools

import jax
import jax.numpy as jnp
from jax import lax
from jax.experimental import pallas as pl
from jax.experimental.pallas import tpu as pltpu
from jax.experimental.pallas import tpu_sc as plsc

N = 10000
E = 320000
H = 128
NC, NS = 2, 16
NW = NC * NS
CH = 80
NCHUNK = 128
EPW = NCHUNK * CH
ROWA = 640
ROWB = N - (NS - 1) * ROWA
HH = H // 4
BLK = 400

_mesh = plsc.VectorSubcoreMesh(core_axis_name="c", subcore_axis_name="s")


def _zero_acc(sid, z_hbm, acc):
    @pl.when(sid < NS - 1)
    def _():
        pltpu.sync_copy(z_hbm, acc.at[pl.ds(sid * ROWA, ROWA)])

    @pl.when(sid == NS - 1)
    def _():
        pltpu.sync_copy(z_hbm.at[pl.ds(0, ROWB)], acc.at[pl.ds(sid * ROWA, ROWB)])


def _stage_tbl(sid, src_hbm, tbl):
    @pl.when(sid < NS - 1)
    def _():
        pltpu.sync_copy(src_hbm.at[pl.ds(sid * ROWA, ROWA)],
                        tbl.at[pl.ds(sid * ROWA, ROWA)])

    @pl.when(sid == NS - 1)
    def _():
        pltpu.sync_copy(src_hbm.at[pl.ds(sid * ROWA, ROWB)],
                        tbl.at[pl.ds(sid * ROWA, ROWB)])


def _write_acc(cid, sid, acc, out_hbm):
    @pl.when(sid < NS - 1)
    def _():
        pltpu.sync_copy(acc.at[pl.ds(sid * ROWA, ROWA)],
                        out_hbm.at[cid].at[pl.ds(sid * ROWA, ROWA)])

    @pl.when(sid == NS - 1)
    def _():
        pltpu.sync_copy(acc.at[pl.ds(sid * ROWA, ROWB)],
                        out_hbm.at[cid].at[pl.ds(sid * ROWA, ROWB)])


def _stage_edges(cid, sid, src2, dst2, w2, sidx_all, didx_all, w_all):
    wbase = (cid * NS + sid) * NCHUNK
    if src2 is not None:
        pltpu.sync_copy(src2.at[pl.ds(wbase, NCHUNK)], sidx_all)
    pltpu.sync_copy(dst2.at[pl.ds(wbase, NCHUNK)], didx_all)
    pltpu.sync_copy(w2.at[pl.ds(wbase, NCHUNK)], w_all)


def _bcast16(x):
    return jax.lax.broadcast_in_dim(x, (16,), ())



def _sc_deg(dst2, w2, z16):

    @functools.partial(
        pl.kernel,
        out_type=jax.ShapeDtypeStruct((NC, N, 16), jnp.float32),
        mesh=_mesh,
        scratch_types=[
            pltpu.VMEM((NCHUNK, CH), jnp.int32),
            pltpu.VMEM((NCHUNK, CH), jnp.float32),
            pltpu.VMEM((CH, 16), jnp.float32),
            pltpu.VMEM_SHARED((N, 16), jnp.float32),
        ],
    )
    def k(dst_hbm, w_hbm, z_hbm, out_hbm, didx_all, w_all, val_v, acc):
        cid = lax.axis_index("c")
        sid = lax.axis_index("s")
        _stage_edges(cid, sid, None, dst_hbm, w_hbm, None, didx_all, w_all)
        _zero_acc(sid, z_hbm, acc)
        plsc.subcore_barrier()

        @pl.loop(0, NCHUNK)
        def _(j):
            @pl.loop(0, CH, step=16)
            def _(e0):
                w16 = w_all[j, pl.ds(e0, 16)]
                for i in range(16):
                    val_v[e0 + i] = _bcast16(w16[i])

            pltpu.sync_copy(val_v, acc.at[didx_all.at[j]], add=True)

        plsc.subcore_barrier()
        _write_acc(cid, sid, acc, out_hbm)

    return k(dst2, w2, z16)


def _sc_scatter(dst2, vals_list, zrows, width):
    st = jax.ShapeDtypeStruct((NC, N, width), jnp.float32)

    @functools.partial(
        pl.kernel,
        out_type=[st] * len(vals_list),
        mesh=_mesh,
        scratch_types=[
            pltpu.VMEM((NCHUNK, CH), jnp.int32),
            pltpu.VMEM((CH, width), jnp.float32),
            pltpu.VMEM_SHARED((N, width), jnp.float32),
        ],
    )
    def k(dst_hbm, *rest):
        nv = len(vals_list)
        vals = rest[:nv]
        z_hbm = rest[nv]
        outs = rest[nv + 1:2 * nv + 1]
        didx_all, g_v, acc = rest[2 * nv + 1:]
        cid = lax.axis_index("c")
        sid = lax.axis_index("s")
        wid = cid * NS + sid
        pltpu.sync_copy(dst_hbm.at[pl.ds(wid * NCHUNK, NCHUNK)], didx_all)
        for vi, v_hbm in enumerate(vals):
            out = outs[vi]
            _zero_acc(sid, z_hbm, acc)
            plsc.subcore_barrier()

            @pl.loop(0, NCHUNK)
            def _(j, v_hbm=v_hbm):
                pltpu.sync_copy(v_hbm.at[pl.ds((wid * NCHUNK + j) * CH, CH)],
                                g_v)
                pltpu.sync_copy(g_v, acc.at[didx_all.at[j]], add=True)

            plsc.subcore_barrier()
            _write_acc(cid, sid, acc, out)
            plsc.subcore_barrier()

    return k(dst2, *vals_list, zrows)



def _relu(x):
    return jnp.maximum(x, 0.0)


def _dot(a, b):
    return jnp.dot(a, b, preferred_element_type=jnp.float32)


def _tc_prep(degp, x0):

    def body(degp_ref, x0_ref, xs_ref, dinv_ref):
        deg = 1.0 + degp_ref[0, :, 0:1] + degp_ref[1, :, 0:1]
        dinv = lax.rsqrt(deg)
        dinv_ref[...] = jnp.broadcast_to(dinv, (BLK, 8))
        cols = [dinv * x0_ref[t] for t in range(3)]
        cols.append(jnp.zeros((BLK, H - 6), jnp.float32))
        xs_ref[...] = jnp.concatenate(cols, axis=1)

    return pl.pallas_call(
        body,
        grid=(N // BLK,),
        in_specs=[pl.BlockSpec((2, BLK, 16), lambda i: (0, i, 0)),
                  pl.BlockSpec((3, BLK, 2), lambda i: (0, i, 0))],
        out_specs=[pl.BlockSpec((BLK, H), lambda i: (i, 0)),
                   pl.BlockSpec((BLK, 8), lambda i: (i, 0))],
        out_shape=[jax.ShapeDtypeStruct((N, H), jnp.float32),
                   jax.ShapeDtypeStruct((N, 8), jnp.float32)],
    )(degp, x0)


def _tc_q(agg1, xs, dinv8, Wg1, bg1r):

    def body(a_ref, xs_ref, dv_ref, w_ref, b_ref, h0_ref, h1_ref, h2_ref):
        dv = dv_ref[:, 0:1]
        outs = (h0_ref, h1_ref, h2_ref)
        for t in range(3):
            p = dv * (a_ref[0, :, 2 * t:2 * t + 2] + a_ref[1, :, 2 * t:2 * t + 2]
                      + xs_ref[:, 2 * t:2 * t + 2])
            q = _relu(_dot(p, w_ref[...]) + b_ref[...])
            outs[t][...] = dv * q

    st = jax.ShapeDtypeStruct((N, H), jnp.float32)
    return pl.pallas_call(
        body,
        grid=(N // BLK,),
        in_specs=[pl.BlockSpec((2, BLK, 16), lambda i: (0, i, 0)),
                  pl.BlockSpec((BLK, H), lambda i: (i, 0)),
                  pl.BlockSpec((BLK, 8), lambda i: (i, 0)),
                  pl.BlockSpec((2, H), lambda i: (0, 0)),
                  pl.BlockSpec((1, H), lambda i: (0, 0))],
        out_specs=[pl.BlockSpec((BLK, H), lambda i: (i, 0))] * 3,
        out_shape=[st] * 3,
    )(agg1, xs, dinv8, Wg1, bg1r)


def _tail(h2s, wc1_ref, bc1_ref, wc2_ref, bc2_ref, wout_ref, bout_ref):
    v = [wc1_ref[k] for k in range(3)]
    u = [wc2_ref[k] for k in range(2)]
    bc1 = bc1_ref[...]
    g10 = _relu(_dot(h2s[0], v[0]) + _dot(h2s[1], v[1]) + _dot(h2s[2], v[2]) + bc1)
    g11 = _relu(_dot(h2s[1], v[0]) + _dot(h2s[2], v[1]) + bc1)
    f = _relu(_dot(g10, u[0]) + _dot(g11, u[1]) + bc2_ref[...])
    return jnp.sum(f * wout_ref[...], axis=1, keepdims=True) + bout_ref[...]


_W_SPECS = [
    pl.BlockSpec((H, H), lambda i: (0, 0)),
    pl.BlockSpec((1, H), lambda i: (0, 0)),
    pl.BlockSpec((3, H, H), lambda i: (0, 0, 0)),
    pl.BlockSpec((1, H), lambda i: (0, 0)),
    pl.BlockSpec((3, H, H), lambda i: (0, 0, 0)),
    pl.BlockSpec((1, H), lambda i: (0, 0)),
    pl.BlockSpec((1, H), lambda i: (0, 0)),
    pl.BlockSpec((1, 1), lambda i: (0, 0)),
]


def _tc_final(a_parts, hs_parts, dinv8, wg2, bg2r, vw, bc1r, uw, bc2r,
              woutr, boutr):
    HF = H // 2

    def body(*refs):
        a = refs[0:6]
        hs = refs[6:9]
        dv_ref, wg2_ref, bg2_ref, wc1_ref, bc1_ref, wc2_ref, bc2_ref, \
            wout_ref, bout_ref, out_ref = refs[9:]
        dv = dv_ref[:, 0:1]
        h2s = []
        for t in range(3):
            lo = a[2 * t][0] + a[2 * t][1] + hs[t][:, :HF]
            hi = a[2 * t + 1][0] + a[2 * t + 1][1] + hs[t][:, HF:]
            r = dv * jnp.concatenate([lo, hi], axis=1)
            h2s.append(_relu(_dot(r, wg2_ref[...]) + bg2_ref[...]))
        out_ref[...] = _tail(h2s, wc1_ref, bc1_ref, wc2_ref, bc2_ref,
                             wout_ref, bout_ref)

    ab = pl.BlockSpec((2, BLK, HF), lambda i: (0, i, 0))
    hb = pl.BlockSpec((BLK, H), lambda i: (i, 0))
    return pl.pallas_call(
        body,
        grid=(N // BLK,),
        in_specs=[ab] * 6 + [hb] * 3 +
                 [pl.BlockSpec((BLK, 8), lambda i: (i, 0))] + _W_SPECS,
        out_specs=pl.BlockSpec((BLK, 1), lambda i: (i, 0)),
        out_shape=jax.ShapeDtypeStruct((N, 1), jnp.float32),
    )(*a_parts, *hs_parts, dinv8, wg2, bg2r, vw, bc1r, uw, bc2r,
      woutr, boutr)


def _tc_rest(xrest, wg1, bg1r, wg2, bg2r, vw, bc1r, uw, bc2r, woutr, boutr):
    rows = xrest.shape[1]

    def body(x_ref, wg1_ref, bg1_ref, wg2_ref, bg2_ref,
             wc1_ref, bc1_ref, wc2_ref, bc2_ref, wout_ref, bout_ref, out_ref):
        h2s = []
        for t in range(3):
            q = _relu(_dot(x_ref[t], wg1_ref[...]) + bg1_ref[...])
            h2s.append(_relu(_dot(q, wg2_ref[...]) + bg2_ref[...]))
        out_ref[...] = _tail(h2s, wc1_ref, bc1_ref, wc2_ref, bc2_ref,
                             wout_ref, bout_ref)

    return pl.pallas_call(
        body,
        grid=(rows // BLK,),
        in_specs=[pl.BlockSpec((3, BLK, 2), lambda i: (0, i, 0)),
                  pl.BlockSpec((2, H), lambda i: (0, 0)),
                  pl.BlockSpec((1, H), lambda i: (0, 0))] + _W_SPECS,
        out_specs=pl.BlockSpec((BLK, 1), lambda i: (i, 0)),
        out_shape=jax.ShapeDtypeStruct((rows, 1), jnp.float32),
    )(xrest, wg1, bg1r, wg2, bg2r, vw, bc1r, uw, bc2r, woutr, boutr)





def kernel(X, edge_index, edge_weight, Wg1, bg1, Wg2, bg2, Wc1, bc1, Wc2, bc2,
           Wout, bout):
    B_, T_, N_, F_ = X.shape
    pad = NW * EPW - E

    def _edges2d(a):
        ap = jnp.pad(a.reshape(NW, E // NW), ((0, 0), (0, pad // NW)))
        return ap.reshape(NW * NCHUNK, CH)

    src2 = _edges2d(edge_index[0])
    dst2 = _edges2d(edge_index[1])
    w2 = _edges2d(edge_weight)
    z16 = jnp.zeros((ROWA, 16), jnp.float32)
    z128 = jnp.zeros((ROWA, H), jnp.float32)

    x0 = X[0, T_ - 3:T_]
    xrest = jnp.transpose(X[1:, T_ - 3:T_], (1, 0, 2, 3)).reshape(3, (B_ - 1) * N_, F_)

    bg1r, bg2r = bg1.reshape(1, H), bg2.reshape(1, H)
    bc1r, bc2r = bc1.reshape(1, H), bc2.reshape(1, H)
    vw = jnp.transpose(Wc1, (2, 1, 0))
    uw = jnp.transpose(Wc2, (2, 1, 0))
    woutr = Wout.reshape(1, H)
    boutr = bout.reshape(1, 1)

    degp = _sc_deg(dst2, w2, z16)
    xs, dinv8 = _tc_prep(degp, x0)
    _s = edge_index[0]
    _wcol = edge_weight[:, None]

    def _padrows(v):
        return jnp.pad(v.reshape(NW, E // NW, v.shape[-1]),
                       ((0, 0), (0, pad // NW), (0, 0))).reshape(NW * EPW, -1)

    v1 = _padrows(xs[_s, :16] * _wcol)
    (agg1,) = _sc_scatter(dst2, [v1], z16, width=16)
    hs_parts = _tc_q(agg1, xs, dinv8, Wg1, bg1r)
    z64 = jnp.zeros((ROWA, H // 2), jnp.float32)
    v2 = []
    for t in range(3):
        ge = hs_parts[t][_s] * _wcol
        v2.append(_padrows(ge[:, :64]))
        v2.append(_padrows(ge[:, 64:]))
    a_parts = _sc_scatter(dst2, v2, z64, width=H // 2)
    out_b0 = _tc_final(a_parts, hs_parts, dinv8, Wg2, bg2r, vw, bc1r,
                       uw, bc2r, woutr, boutr)
    out_rest = _tc_rest(xrest, Wg1, bg1r, Wg2, bg2r, vw, bc1r, uw, bc2r,
                        woutr, boutr)

    out = jnp.concatenate([out_b0, out_rest], axis=0)
    return out.reshape(B_, N_, 1)[:, None, :, :]

# --- scband reference (transcript-rebuilt; emitter-appended) ---
"""Pipeline reference for scband-stgcnmodel-19275813224639 (READ-ONLY COPY).

The authoritative reference and input builder live on the scoring server;
editing this copy changes nothing except your own understanding.
"""

import jax, jax.numpy as jnp
import numpy as np

B, T, N, F_IN = 4, 12, 10000, 2
H = 128
OUT = 1
E = 320000


def setup_inputs(seed: int = 0) -> dict:
    key = jax.random.key(seed)
    ks = jax.random.split(key, 16)
    X = jax.random.normal(ks[0], (B, T, N, F_IN), dtype=jnp.float32)
    edge_index = jax.random.randint(ks[1], (2, E), 0, N, dtype=jnp.int32)
    edge_weight = jax.random.uniform(ks[2], (E,), dtype=jnp.float32)
    Wg1 = jax.random.normal(ks[3], (F_IN, H), dtype=jnp.float32) * np.float32(1.0 / np.sqrt(F_IN))
    bg1 = jnp.zeros((H,), dtype=jnp.float32)
    Wg2 = jax.random.normal(ks[4], (H, H), dtype=jnp.float32) * np.float32(1.0 / np.sqrt(H))
    bg2 = jnp.zeros((H,), dtype=jnp.float32)
    Wc1 = jax.random.normal(ks[5], (H, H, 3), dtype=jnp.float32) * np.float32(1.0 / np.sqrt(3 * H))
    bc1 = jnp.zeros((H,), dtype=jnp.float32)
    Wc2 = jax.random.normal(ks[6], (H, H, 3), dtype=jnp.float32) * np.float32(1.0 / np.sqrt(3 * H))
    bc2 = jnp.zeros((H,), dtype=jnp.float32)
    Wout = jax.random.normal(ks[7], (H, OUT), dtype=jnp.float32) * np.float32(1.0 / np.sqrt(H))
    bout = jnp.zeros((OUT,), dtype=jnp.float32)
    return {"X": X, "edge_index": edge_index, "edge_weight": edge_weight,
            "Wg1": Wg1, "bg1": bg1, "Wg2": Wg2, "bg2": bg2,
            "Wc1": Wc1, "bc1": bc1, "Wc2": Wc2, "bc2": bc2,
            "Wout": Wout, "bout": bout}


def gcn_conv(x, src, dst, w, W, bias):
    # Faithful to PyG GCNConv: add self-loops over all x.shape[0] rows
    # (PyG infers num_nodes from x.size(0) == batch*num_nodes here),
    # symmetric normalization, weighted scatter-add aggregation, then bias.
    M = x.shape[0]
    loop = jnp.arange(M, dtype=src.dtype)
    s = jnp.concatenate([src, loop])
    d = jnp.concatenate([dst, loop])
    ww = jnp.concatenate([w, jnp.ones((M,), dtype=w.dtype)])
    deg = jnp.zeros((M,), dtype=w.dtype).at[d].add(ww)
    dinv = jnp.where(deg > 0, jax.lax.rsqrt(jnp.maximum(deg, 1e-12)), 0.0)
    norm = dinv[s] * ww * dinv[d]
    h = x @ W
    out = jnp.zeros((M, W.shape[1]), dtype=x.dtype).at[d].add(h[s] * norm[:, None])
    return out + bias


def reference(X, edge_index, edge_weight, Wg1, bg1, Wg2, bg2, Wc1, bc1, Wc2, bc2, Wout, bout):
    B_, T_, N_, F_ = X.shape
    src, dst = edge_index[0], edge_index[1]
    feats = []
    for t in range(T_):
        xt = X[:, t, :, :].reshape(-1, F_)
        h = jax.nn.relu(gcn_conv(xt, src, dst, edge_weight, Wg1, bg1))
        h = jax.nn.relu(gcn_conv(h, src, dst, edge_weight, Wg2, bg2))
        feats.append(h.reshape(B_, N_, -1))
    sf = jnp.stack(feats, axis=1)  # [B, T, N, H]
    Hd = sf.shape[-1]
    # vectorized per-node temporal conv (same math as the per-node torch loop)
    nf = jnp.transpose(sf, (0, 2, 3, 1)).reshape(B_ * N_, Hd, T_)  # [B*N, H, T]
    c1 = jax.lax.conv_general_dilated(nf, Wc1, (1,), [(1, 1)],
                                      dimension_numbers=("NCH", "OIH", "NCH"))
    c1 = jax.nn.relu(c1 + bc1[None, :, None])
    c2 = jax.lax.conv_general_dilated(c1, Wc2, (1,), [(1, 1)],
                                      dimension_numbers=("NCH", "OIH", "NCH"))
    c2 = jax.nn.relu(c2 + bc2[None, :, None])
    last = c2[:, :, -1]  # [B*N, H]
    node_out = last @ Wout + bout  # [B*N, OUT]
    out = node_out.reshape(B_, N_, -1)[:, None, :, :]  # [B, 1, N, OUT]
    return out

if __name__ == "__main__":
    import jax
    _d = setup_inputs()
    print(jax.jit(kernel)(*tuple(_d.values())))

</pallas_src>

<mosaic_0001>
#map = affine_map<(d0, d1) -> (0, 0)>
#map1 = affine_map<(d0, d1) -> (0, 0, 0)>
module attributes {stable_mosaic.version = 14 : i64} {
  func.func @k(%arg0: i32, %arg1: i32, %arg2: memref<4096x80xi32, #tpu.memory_space<hbm>>, %arg3: memref<4096x80xf32, #tpu.memory_space<hbm>>, %arg4: memref<640x16xf32, #tpu.memory_space<hbm>>, %arg5: memref<2x10000x16xf32, #tpu.memory_space<hbm>>, %arg6: memref<128x80xi32, #tpu.memory_space<vmem>>, %arg7: memref<128x80xf32, #tpu.memory_space<vmem>>, %arg8: memref<80x16xf32, #tpu.memory_space<vmem>>, %arg9: memref<10000x16xf32, #tpu.memory_space<vmem_shared>>) attributes {dimension_semantics = [#tpu.dimension_semantics<core_parallel>, #tpu.dimension_semantics<subcore_parallel>], iteration_bounds = array<i64: 2, 16>, scalar_prefetch = 0 : i64, scratch_operands = 4 : i64, tpu.core_type = #tpu.core_type<sc_vector_subcore>, window_params = [{transform_indices = #map}, {transform_indices = #map}, {transform_indices = #map}, {transform_indices = #map1}]} {
    %mul3A = arith.constant 16 : i32
    %mul3A_0 = arith.muli %arg0, %mul3A : i32
    %add3A = arith.addi %mul3A_0, %arg1 : i32
    %mul3A_1 = arith.constant 128 : i32
    %mul3A_2 = arith.muli %add3A, %mul3A_1 : i32
    "tpu.region"() ({
      %run_scoped3A = tpu.sem_alloc : memref<!tpu.dma_semaphore, #tpu.memory_space<semaphore_mem>>
      %dma_start3A = arith.constant 0 : i32
      %dma_start3A_24 = tpu.memref_slice %arg2[%mul3A_2, %dma_start3A] : memref<4096x80xi32, #tpu.memory_space<hbm>> -> memref<128x80xi32, #tpu.memory_space<hbm>>
      %dma_start3A_25 = arith.constant 0 : i32
      %dma_start3A_26 = tpu.memref_slice %arg2[%mul3A_2, %dma_start3A_25] : memref<4096x80xi32, #tpu.memory_space<hbm>> -> memref<128x80xi32, #tpu.memory_space<hbm>>
      tpu.enqueue_dma source(%dma_start3A_26 : memref<128x80xi32, #tpu.memory_space<hbm>>) target(%arg6 : memref<128x80xi32, #tpu.memory_space<vmem>>) target_semaphore(%run_scoped3A : memref<!tpu.dma_semaphore, #tpu.memory_space<semaphore_mem>>)
      %dma_wait3A = arith.constant 0 : i32
      %dma_wait3A_27 = tpu.memref_slice %arg2[%mul3A_2, %dma_wait3A] : memref<4096x80xi32, #tpu.memory_space<hbm>> -> memref<128x80xi32, #tpu.memory_space<hbm>>
      %dma_wait3A_28 = arith.constant 0 : i32
      %dma_wait3A_29 = tpu.memref_slice %arg2[%mul3A_2, %dma_wait3A_28] : memref<4096x80xi32, #tpu.memory_space<hbm>> -> memref<128x80xi32, #tpu.memory_space<hbm>>
      tpu.wait_dma2 semaphore(%run_scoped3A : memref<!tpu.dma_semaphore, #tpu.memory_space<semaphore_mem>>) src(%dma_wait3A_29 : memref<128x80xi32, #tpu.memory_space<hbm>>) dst(%arg6 : memref<128x80xi32, #tpu.memory_space<vmem>>)
      tpu.yield
    }) : () -> ()
    "tpu.region"() ({
      %run_scoped3A = tpu.sem_alloc : memref<!tpu.dma_semaphore, #tpu.memory_space<semaphore_mem>>
      %dma_start3A = arith.constant 0 : i32
      %dma_start3A_24 = tpu.memref_slice %arg3[%mul3A_2, %dma_start3A] : memref<4096x80xf32, #tpu.memory_space<hbm>> -> memref<128x80xf32, #tpu.memory_space<hbm>>
      %dma_start3A_25 = arith.constant 0 : i32
      %dma_start3A_26 = tpu.memref_slice %arg3[%mul3A_2, %dma_start3A_25] : memref<4096x80xf32, #tpu.memory_space<hbm>> -> memref<128x80xf32, #tpu.memory_space<hbm>>
      tpu.enqueue_dma source(%dma_start3A_26 : memref<128x80xf32, #tpu.memory_space<hbm>>) target(%arg7 : memref<128x80xf32, #tpu.memory_space<vmem>>) target_semaphore(%run_scoped3A : memref<!tpu.dma_semaphore, #tpu.memory_space<semaphore_mem>>)
      %dma_wait3A = arith.constant 0 : i32
      %dma_wait3A_27 = tpu.memref_slice %arg3[%mul3A_2, %dma_wait3A] : memref<4096x80xf32, #tpu.memory_space<hbm>> -> memref<128x80xf32, #tpu.memory_space<hbm>>
      %dma_wait3A_28 = arith.constant 0 : i32
      %dma_wait3A_29 = tpu.memref_slice %arg3[%mul3A_2, %dma_wait3A_28] : memref<4096x80xf32, #tpu.memory_space<hbm>> -> memref<128x80xf32, #tpu.memory_space<hbm>>
      tpu.wait_dma2 semaphore(%run_scoped3A : memref<!tpu.dma_semaphore, #tpu.memory_space<semaphore_mem>>) src(%dma_wait3A_29 : memref<128x80xf32, #tpu.memory_space<hbm>>) dst(%arg7 : memref<128x80xf32, #tpu.memory_space<vmem>>)
      tpu.yield
    }) : () -> ()
    %lt3A = arith.constant 15 : i32
    %lt3A_3 = arith.cmpi slt, %arg1, %lt3A : i32
    %convert_element_type3A = arith.extui %lt3A_3 : i1 to i32
    %cond3A = arith.constant 0 : i32
    %cond3A_4 = arith.cmpi ne, %convert_element_type3A, %cond3A : i32
    scf.if %cond3A_4 {
      %mul3A_24 = arith.constant 640 : i32
      %mul3A_25 = arith.muli %arg1, %mul3A_24 : i32
      "tpu.region"() ({
        %run_scoped3A = tpu.sem_alloc : memref<!tpu.dma_semaphore, #tpu.memory_space<semaphore_mem>>
        %dma_start3A = arith.constant 0 : i32
        %dma_start3A_26 = tpu.memref_slice %arg9[%mul3A_25, %dma_start3A] : memref<10000x16xf32, #tpu.memory_space<vmem_shared>> -> memref<640x16xf32, #tpu.memory_space<vmem_shared>>
        tpu.enqueue_dma source(%arg4 : memref<640x16xf32, #tpu.memory_space<hbm>>) target(%dma_start3A_26 : memref<640x16xf32, #tpu.memory_space<vmem_shared>>) target_semaphore(%run_scoped3A : memref<!tpu.dma_semaphore, #tpu.memory_space<semaphore_mem>>)
        %dma_wait3A = arith.constant 0 : i32
        %dma_wait3A_27 = tpu.memref_slice %arg9[%mul3A_25, %dma_wait3A] : memref<10000x16xf32, #tpu.memory_space<vmem_shared>> -> memref<640x16xf32, #tpu.memory_space<vmem_shared>>
        tpu.wait_dma2 semaphore(%run_scoped3A : memref<!tpu.dma_semaphore, #tpu.memory_space<semaphore_mem>>) src(%arg4 : memref<640x16xf32, #tpu.memory_space<hbm>>) dst(%dma_wait3A_27 : memref<640x16xf32, #tpu.memory_space<vmem_shared>>)
        tpu.yield
      }) : () -> ()
    } else {
    }
    %eq3A = arith.constant 15 : i32
    %eq3A_5 = arith.cmpi eq, %arg1, %eq3A : i32
    %convert_element_type3A_6 = arith.extui %eq3A_5 : i1 to i32
    %cond3A_7 = arith.constant 0 : i32
    %cond3A_8 = arith.cmpi ne, %convert_element_type3A_6, %cond3A_7 : i32
    scf.if %cond3A_8 {
      %mul3A_24 = arith.constant 640 : i32
      %mul3A_25 = arith.muli %arg1, %mul3A_24 : i32
      "tpu.region"() ({
        %run_scoped3A = tpu.sem_alloc : memref<!tpu.dma_semaphore, #tpu.memory_space<semaphore_mem>>
        %dma_start3A = arith.constant 0 : i32
        %dma_start3A_26 = tpu.memref_slice %arg9[%mul3A_25, %dma_start3A] : memref<10000x16xf32, #tpu.memory_space<vmem_shared>> -> memref<400x16xf32, #tpu.memory_space<vmem_shared>>
        %dma_start3A_27 = arith.constant 0 : i32
        %dma_start3A_28 = arith.constant 0 : i32
        %dma_start3A_29 = tpu.memref_slice %arg4[%dma_start3A_27, %dma_start3A_28] : memref<640x16xf32, #tpu.memory_space<hbm>> -> memref<400x16xf32, #tpu.memory_space<hbm>>
        tpu.enqueue_dma source(%dma_start3A_29 : memref<400x16xf32, #tpu.memory_space<hbm>>) target(%dma_start3A_26 : memref<400x16xf32, #tpu.memory_space<vmem_shared>>) target_semaphore(%run_scoped3A : memref<!tpu.dma_semaphore, #tpu.memory_space<semaphore_mem>>)
        %dma_wait3A = arith.constant 0 : i32
        %dma_wait3A_30 = tpu.memref_slice %arg9[%mul3A_25, %dma_wait3A] : memref<10000x16xf32, #tpu.memory_space<vmem_shared>> -> memref<400x16xf32, #tpu.memory_space<vmem_shared>>
        %dma_wait3A_31 = arith.constant 0 : i32
        %dma_wait3A_32 = arith.constant 0 : i32
        %dma_wait3A_33 = tpu.memref_slice %arg4[%dma_wait3A_31, %dma_wait3A_32] : memref<640x16xf32, #tpu.memory_space<hbm>> -> memref<400x16xf32, #tpu.memory_space<hbm>>
        tpu.wait_dma2 semaphore(%run_scoped3A : memref<!tpu.dma_semaphore, #tpu.memory_space<semaphore_mem>>) src(%dma_wait3A_33 : memref<400x16xf32, #tpu.memory_space<hbm>>) dst(%dma_wait3A_30 : memref<400x16xf32, #tpu.memory_space<vmem_shared>>)
        tpu.yield
      }) : () -> ()
    } else {
    }
    %barrier3A = arith.constant 0 : index
    tpu.barrier barrier_id(%barrier3A)
    %scan3A = arith.constant 0 : i32
    %scan3A_9 = arith.constant 128 : i32
    %scan3A_10 = arith.addi %scan3A, %scan3A_9 : i32
    %scan3A_11 = arith.constant 1 : i32
    scf.for %scan3A_24 = %scan3A to %scan3A_10 step %scan3A_11  : i32 {
      %mul3A_25 = arith.constant 1 : i32
      %mul3A_26 = arith.muli %scan3A_24, %mul3A_25 : i32
      %add3A_27 = arith.constant 0 : i32
      %add3A_28 = arith.addi %add3A_27, %mul3A_26 : i32
      %scan3A_29 = arith.constant 0 : i32
      %scan3A_30 = arith.constant 5 : i32
      %scan3A_31 = arith.addi %scan3A_29, %scan3A_30 : i32
      %scan3A_32 = arith.constant 1 : i32
      scf.for %scan3A_34 = %scan3A_29 to %scan3A_31 step %scan3A_32  : i32 {
        %mul3A_35 = arith.constant 16 : i32
        %mul3A_36 = arith.muli %scan3A_34, %mul3A_35 : i32
        %add3A_37 = arith.constant 0 : i32
        %add3A_38 = arith.addi %add3A_37, %mul3A_36 : i32
        %get3A = arith.index_cast %add3A_28 : i32 to index
        %get3A_39 = arith.index_cast %add3A_38 : i32 to index
        %get3A_40 = tpu.vector_load %arg7[%get3A, %get3A_39] {strides = array<i32>} : memref<128x80xf32, #tpu.memory_space<vmem>>, vector<1x16xf32>,
        %get3A_41 = vector.shape_cast %get3A_40 : vector<1x16xf32> to vector<16xf32>
        %slice3A = vector.extract_strided_slice %get3A_41 {offsets = [0], sizes = [1], strides = [1]} : vector<16xf32> to vector<1xf32>
        %squeeze3A = vector.extract %slice3A[0] : f32 from vector<1xf32>
        %broadcast_in_dim3A = vector.broadcast %squeeze3A : f32 to vector<16xf32>
        %add3A_42 = arith.constant 0 : i32
        %add3A_43 = arith.addi %add3A_38, %add3A_42 : i32
        %swap3A = arith.index_cast %add3A_43 : i32 to index
        %swap3A_44 = arith.constant 0 : index
        %swap3A_45 = tpu.vector_load %arg8[%swap3A, %swap3A_44] {strides = array<i32>} : memref<80x16xf32, #tpu.memory_space<vmem>>, vector<1x16xf32>,
        %swap3A_46 = vector.shape_cast %swap3A_45 : vector<1x16xf32> to vector<16xf32>
        %swap3A_47 = vector.shape_cast %broadcast_in_dim3A : vector<16xf32> to vector<1x16xf32>
        tpu.vector_store %arg8[%swap3A, %swap3A_44], %swap3A_47 {strides = array<i32>} : memref<80x16xf32, #tpu.memory_space<vmem>>, vector<1x16xf32>,
        %slice3A_48 = vector.extract_strided_slice %get3A_41 {offsets = [1], sizes = [1], strides = [1]} : vector<16xf32> to vector<1xf32>
        %squeeze3A_49 = vector.extract %slice3A_48[0] : f32 from vector<1xf32>
        %broadcast_in_dim3A_50 = vector.broadcast %squeeze3A_49 : f32 to vector<16xf32>
        %add3A_51 = arith.constant 1 : i32
        %add3A_52 = arith.addi %add3A_38, %add3A_51 : i32
        %swap3A_53 = arith.index_cast %add3A_52 : i32 to index
        %swap3A_54 = arith.constant 0 : index
        %swap3A_55 = tpu.vector_load %arg8[%swap3A_53, %swap3A_54] {strides = array<i32>} : memref<80x16xf32, #tpu.memory_space<vmem>>, vector<1x16xf32>,
        %swap3A_56 = vector.shape_cast %swap3A_55 : vector<1x16xf32> to vector<16xf32>
        %swap3A_57 = vector.shape_cast %broadcast_in_dim3A_50 : vector<16xf32> to vector<1x16xf32>
        tpu.vector_store %arg8[%swap3A_53, %swap3A_54], %swap3A_57 {strides = array<i32>} : memref<80x16xf32, #tpu.memory_space<vmem>>, vector<1x16xf32>,
        %slice3A_58 = vector.extract_strided_slice %get3A_41 {offsets = [2], sizes = [1], strides = [1]} : vector<16xf32> to vector<1xf32>
        %squeeze3A_59 = vector.extract %slice3A_58[0] : f32 from vector<1xf32>
        %broadcast_in_dim3A_60 = vector.broadcast %squeeze3A_59 : f32 to vector<16xf32>
        %add3A_61 = arith.constant 2 : i32
        %add3A_62 = arith.addi %add3A_38, %add3A_61 : i32
        %swap3A_63 = arith.index_cast %add3A_62 : i32 to index
        %swap3A_64 = arith.constant 0 : index
        %swap3A_65 = tpu.vector_load %arg8[%swap3A_63, %swap3A_64] {strides = array<i32>} : memref<80x16xf32, #tpu.memory_space<vmem>>, vector<1x16xf32>,
        %swap3A_66 = vector.shape_cast %swap3A_65 : vector<1x16xf32> to vector<16xf32>
        %swap3A_67 = vector.shape_cast %broadcast_in_dim3A_60 : vector<16xf32> to vector<1x16xf32>
        tpu.vector_store %arg8[%swap3A_63, %swap3A_64], %swap3A_67 {strides = array<i32>} : memref<80x16xf32, #tpu.memory_space<vmem>>, vector<1x16xf32>,
        %slice3A_68 = vector.extract_strided_slice %get3A_41 {offsets = [3], sizes = [1], strides = [1]} : vector<16xf32> to vector<1xf32>
        %squeeze3A_69 = vector.extract %slice3A_68[0] : f32 from vector<1xf32>
        %broadcast_in_dim3A_70 = vector.broadcast %squeeze3A_69 : f32 to vector<16xf32>
        %add3A_71 = arith.constant 3 : i32
        %add3A_72 = arith.addi %add3A_38, %add3A_71 : i32
        %swap3A_73 = arith.index_cast %add3A_72 : i32 to index
        %swap3A_74 = arith.constant 0 : index
        %swap3A_75 = tpu.vector_load %arg8[%swap3A_73, %swap3A_74] {strides = array<i32>} : memref<80x16xf32, #tpu.memory_space<vmem>>, vector<1x16xf32>,
        %swap3A_76 = vector.shape_cast %swap3A_75 : vector<1x16xf32> to vector<16xf32>
        %swap3A_77 = vector.shape_cast %broadcast_in_dim3A_70 : vector<16xf32> to vector<1x16xf32>
        tpu.vector_store %arg8[%swap3A_73, %swap3A_74], %swap3A_77 {strides = array<i32>} : memref<80x16xf32, #tpu.memory_space<vmem>>, vector<1x16xf32>,
        %slice3A_78 = vector.extract_strided_slice %get3A_41 {offsets = [4], sizes = [1], strides = [1]} : vector<16xf32> to vector<1xf32>
        %squeeze3A_79 = vector.extract %slice3A_78[0] : f32 from vector<1xf32>
        %broadcast_in_dim3A_80 = vector.broadcast %squeeze3A_79 : f32 to vector<16xf32>
        %add3A_81 = arith.constant 4 : i32
        %add3A_82 = arith.addi %add3A_38, %add3A_81 : i32
        %swap3A_83 = arith.index_cast %add3A_82 : i32 to index
        %swap3A_84 = arith.constant 0 : index
        %swap3A_85 = tpu.vector_load %arg8[%swap3A_83, %swap3A_84] {strides = array<i32>} : memref<80x16xf32, #tpu.memory_space<vmem>>, vector<1x16xf32>,
        %swap3A_86 = vector.shape_cast %swap3A_85 : vector<1x16xf32> to vector<16xf32>
        %swap3A_87 = vector.shape_cast %broadcast_in_dim3A_80 : vector<16xf32> to vector<1x16xf32>
        tpu.vector_store %arg8[%swap3A_83, %swap3A_84], %swap3A_87 {strides = array<i32>} : memref<80x16xf32, #tpu.memory_space<vmem>>, vector<1x16xf32>,
        %slice3A_88 = vector.extract_strided_slice %get3A_41 {offsets = [5], sizes = [1], strides = [1]} : vector<16xf32> to vector<1xf32>
        %squeeze3A_89 = vector.extract %slice3A_88[0] : f32 from vector<1xf32>
        %broadcast_in_dim3A_90 = vector.broadcast %squeeze3A_89 : f32 to vector<16xf32>
        %add3A_91 = arith.constant 5 : i32
        %add3A_92 = arith.addi %add3A_38, %add3A_91 : i32
        %swap3A_93 = arith.index_cast %add3A_92 : i32 to index
        %swap3A_94 = arith.constant 0 : index
        %swap3A_95 = tpu.vector_load %arg8[%swap3A_93, %swap3A_94] {strides = array<i32>} : memref<80x16xf32, #tpu.memory_space<vmem>>, vector<1x16xf32>,
        %swap3A_96 = vector.shape_cast %swap3A_95 : vector<1x16xf32> to vector<16xf32>
        %swap3A_97 = vector.shape_cast %broadcast_in_dim3A_90 : vector<16xf32> to vector<1x16xf32>
        tpu.vector_store %arg8[%swap3A_93, %swap3A_94], %swap3A_97 {strides = array<i32>} : memref<80x16xf32, #tpu.memory_space<vmem>>, vector<1x16xf32>,
        %slice3A_98 = vector.extract_strided_slice %get3A_41 {offsets = [6], sizes = [1], strides = [1]} : vector<16xf32> to vector<1xf32>
        %squeeze3A_99 = vector.extract %slice3A_98[0] : f32 from vector<1xf32>
        %broadcast_in_dim3A_100 = vector.broadcast %squeeze3A_99 : f32 to vector<16xf32>
        %add3A_101 = arith.constant 6 : i32
        %add3A_102 = arith.addi %add3A_38, %add3A_101 : i32
        %swap3A_103 = arith.index_cast %add3A_102 : i32 to index
        %swap3A_104 = arith.constant 0 : index
        %swap3A_105 = tpu.vector_load %arg8[%swap3A_103, %swap3A_104] {strides = array<i32>} : memref<80x16xf32, #tpu.memory_space<vmem>>, vector<1x16xf32>,
        %swap3A_106 = vector.shape_cast %swap3A_105 : vector<1x16xf32> to vector<16xf32>
        %swap3A_107 = vector.shape_cast %broadcast_in_dim3A_100 : vector<16xf32> to vector<1x16xf32>
        tpu.vector_store %arg8[%swap3A_103, %swap3A_104], %swap3A_107 {strides = array<i32>} : memref<80x16xf32, #tpu.memory_space<vmem>>, vector<1x16xf32>,
        %slice3A_108 = vector.extract_strided_slice %get3A_41 {offsets = [7], sizes = [1], strides = [1]} : vector<16xf32> to vector<1xf32>
        %squeeze3A_109 = vector.extract %slice3A_108[0] : f32 from vector<1xf32>
        %broadcast_in_dim3A_110 = vector.broadcast %squeeze3A_109 : f32 to vector<16xf32>
        %add3A_111 = arith.constant 7 : i32
        %add3A_112 = arith.addi %add3A_38, %add3A_111 : i32
        %swap3A_113 = arith.index_cast %add3A_112 : i32 to index
        %swap3A_114 = arith.constant 0 : index
        %swap3A_115 = tpu.vector_load %arg8[%swap3A_113, %swap3A_114] {strides = array<i32>} : memref<80x16xf32, #tpu.memory_space<vmem>>, vector<1x16xf32>,
        %swap3A_116 = vector.shape_cast %swap3A_115 : vector<1x16xf32> to vector<16xf32>
        %swap3A_117 = vector.shape_cast %broadcast_in_dim3A_110 : vector<16xf32> to vector<1x16xf32>
        tpu.vector_store %arg8[%swap3A_113, %swap3A_114], %swap3A_117 {strides = array<i32>} : memref<80x16xf32, #tpu.memory_space<vmem>>, vector<1x16xf32>,
        %slice3A_118 = vector.extract_strided_slice %get3A_41 {offsets = [8], sizes = [1], strides = [1]} : vector<16xf32> to vector<1xf32>
        %squeeze3A_119 = vector.extract %slice3A_118[0] : f32 from vector<1xf32>
        %broadcast_in_dim3A_120 = vector.broadcast %squeeze3A_119 : f32 to vector<16xf32>
        %add3A_121 = arith.constant 8 : i32
        %add3A_122 = arith.addi %add3A_38, %add3A_121 : i32
        %swap3A_123 = arith.index_cast %add3A_122 : i32 to index
        %swap3A_124 = arith.constant 0 : index
        %swap3A_125 = tpu.vector_load %arg8[%swap3A_123, %swap3A_124] {strides = array<i32>} : memref<80x16xf32, #tpu.memory_space<vmem>>, vector<1x16xf32>,
        %swap3A_126 = vector.shape_cast %swap3A_125 : vector<1x16xf32> to vector<16xf32>
        %swap3A_127 = vector.shape_cast %broadcast_in_dim3A_120 : vector<16xf32> to vector<1x16xf32>
        tpu.vector_store %arg8[%swap3A_123, %swap3A_124], %swap3A_127 {strides = array<i32>} : memref<80x16xf32, #tpu.memory_space<vmem>>, vector<1x16xf32>,
        %slice3A_128 = vector.extract_strided_slice %get3A_41 {offsets = [9], sizes = [1], strides = [1]} : vector<16xf32> to vector<1xf32>
        %squeeze3A_129 = vector.extract %slice3A_128[0] : f32 from vector<1xf32>
        %broadcast_in_dim3A_130 = vector.broadcast %squeeze3A_129 : f32 to vector<16xf32>
        %add3A_131 = arith.constant 9 : i32
        %add3A_132 = arith.addi %add3A_38, %add3A_131 : i32
        %swap3A_133 = arith.index_cast %add3A_132 : i32 to index
        %swap3A_134 = arith.constant 0 : index
        %swap3A_135 = tpu.vector_load %arg8[%swap3A_133, %swap3A_134] {strides = array<i32>} : memref<80x16xf32, #tpu.memory_space<vmem>>, vector<1x16xf32>,
        %swap3A_136 = vector.shape_cast %swap3A_135 : vector<1x16xf32> to vector<16xf32>
        %swap3A_137 = vector.shape_cast %broadcast_in_dim3A_130 : vector<16xf32> to vector<1x16xf32>
        tpu.vector_store %arg8[%swap3A_133, %swap3A_134], %swap3A_137 {strides = array<i32>} : memref<80x16xf32, #tpu.memory_space<vmem>>, vector<1x16xf32>,
        %slice3A_138 = vector.extract_strided_slice %get3A_41 {offsets = [10], sizes = [1], strides = [1]} : vector<16xf32> to vector<1xf32>
        %squeeze3A_139 = vector.extract %slice3A_138[0] : f32 from vector<1xf32>
        %broadcast_in_dim3A_140 = vector.broadcast %squeeze3A_139 : f32 to vector<16xf32>
        %add3A_141 = arith.constant 10 : i32
        %add3A_142 = arith.addi %add3A_38, %add3A_141 : i32
        %swap3A_143 = arith.index_cast %add3A_142 : i32 to index
        %swap3A_144 = arith.constant 0 : index
        %swap3A_145 = tpu.vector_load %arg8[%swap3A_143, %swap3A_144] {strides = array<i32>} : memref<80x16xf32, #tpu.memory_space<vmem>>, vector<1x16xf32>,
        %swap3A_146 = vector.shape_cast %swap3A_145 : vector<1x16xf32> to vector<16xf32>
        %swap3A_147 = vector.shape_cast %broadcast_in_dim3A_140 : vector<16xf32> to vector<1x16xf32>
        tpu.vector_store %arg8[%swap3A_143, %swap3A_144], %swap3A_147 {strides = array<i32>} : memref<80x16xf32, #tpu.memory_space<vmem>>, vector<1x16xf32>,
        %slice3A_148 = vector.extract_strided_slice %get3A_41 {offsets = [11], sizes = [1], strides = [1]} : vector<16xf32> to vector<1xf32>
        %squeeze3A_149 = vector.extract %slice3A_148[0] : f32 from vector<1xf32>
        %broadcast_in_dim3A_150 = vector.broadcast %squeeze3A_149 : f32 to vector<16xf32>
        %add3A_151 = arith.constant 11 : i32
        %add3A_152 = arith.addi %add3A_38, %add3A_151 : i32
        %swap3A_153 = arith.index_cast %add3A_152 : i32 to index
        %swap3A_154 = arith.constant 0 : index
        %swap3A_155 = tpu.vector_load %arg8[%swap3A_153, %swap3A_154] {strides = array<i32>} : memref<80x16xf32, #tpu.memory_space<vmem>>, vector<1x16xf32>,
        %swap3A_156 = vector.shape_cast %swap3A_155 : vector<1x16xf32> to vector<16xf32>
        %swap3A_157 = vector.shape_cast %broadcast_in_dim3A_150 : vector<16xf32> to vector<1x16xf32>
        tpu.vector_store %arg8[%swap3A_153, %swap3A_154], %swap3A_157 {strides = array<i32>} : memref<80x16xf32, #tpu.memory_space<vmem>>, vector<1x16xf32>,
        %slice3A_158 = vector.extract_strided_slice %get3A_41 {offsets = [12], sizes = [1], strides = [1]} : vector<16xf32> to vector<1xf32>
        %squeeze3A_159 = vector.extract %slice3A_158[0] : f32 from vector<1xf32>
        %broadcast_in_dim3A_160 = vector.broadcast %squeeze3A_159 : f32 to vector<16xf32>
        %add3A_161 = arith.constant 12 : i32
        %add3A_162 = arith.addi %add3A_38, %add3A_161 : i32
        %swap3A_163 = arith.index_cast %add3A_162 : i32 to index
        %swap3A_164 = arith.constant 0 : index
        %swap3A_165 = tpu.vector_load %arg8[%swap3A_163, %swap3A_164] {strides = array<i32>} : memref<80x16xf32, #tpu.memory_space<vmem>>, vector<1x16xf32>,
        %swap3A_166 = vector.shape_cast %swap3A_165 : vector<1x16xf32> to vector<16xf32>
        %swap3A_167 = vector.shape_cast %broadcast_in_dim3A_160 : vector<16xf32> to vector<1x16xf32>
        tpu.vector_store %arg8[%swap3A_163, %swap3A_164], %swap3A_167 {strides = array<i32>} : memref<80x16xf32, #tpu.memory_space<vmem>>, vector<1x16xf32>,
        %slice3A_168 = vector.extract_strided_slice %get3A_41 {offsets = [13], sizes = [1], strides = [1]} : vector<16xf32> to vector<1xf32>
        %squeeze3A_169 = vector.extract %slice3A_168[0] : f32 from vector<1xf32>
        %broadcast_in_dim3A_170 = vector.broadcast %squeeze3A_169 : f32 to vector<16xf32>
        %add3A_171 = arith.constant 13 : i32
        %add3A_172 = arith.addi %add3A_38, %add3A_171 : i32
        %swap3A_173 = arith.index_cast %add3A_172 : i32 to index
        %swap3A_174 = arith.constant 0 : index
        %swap3A_175 = tpu.vector_load %arg8[%swap3A_173, %swap3A_174] {strides = array<i32>} : memref<80x16xf32, #tpu.memory_space<vmem>>, vector<1x16xf32>,
        %swap3A_176 = vector.shape_cast %swap3A_175 : vector<1x16xf32> to vector<16xf32>
        %swap3A_177 = vector.shape_cast %broadcast_in_dim3A_170 : vector<16xf32> to vector<1x16xf32>
        tpu.vector_store %arg8[%swap3A_173, %swap3A_174], %swap3A_177 {strides = array<i32>} : memref<80x16xf32, #tpu.memory_space<vmem>>, vector<1x16xf32>,
        %slice3A_178 = vector.extract_strided_slice %get3A_41 {offsets = [14], sizes = [1], strides = [1]} : vector<16xf32> to vector<1xf32>
        %squeeze3A_179 = vector.extract %slice3A_178[0] : f32 from vector<1xf32>
        %broadcast_in_dim3A_180 = vector.broadcast %squeeze3A_179 : f32 to vector<16xf32>
        %add3A_181 = arith.constant 14 : i32
        %add3A_182 = arith.addi %add3A_38, %add3A_181 : i32
        %swap3A_183 = arith.index_cast %add3A_182 : i32 to index
        %swap3A_184 = arith.constant 0 : index
        %swap3A_185 = tpu.vector_load %arg8[%swap3A_183, %swap3A_184] {strides = array<i32>} : memref<80x16xf32, #tpu.memory_space<vmem>>, vector<1x16xf32>,
        %swap3A_186 = vector.shape_cast %swap3A_185 : vector<1x16xf32> to vector<16xf32>
        %swap3A_187 = vector.shape_cast %broadcast_in_dim3A_180 : vector<16xf32> to vector<1x16xf32>
        tpu.vector_store %arg8[%swap3A_183, %swap3A_184], %swap3A_187 {strides = array<i32>} : memref<80x16xf32, #tpu.memory_space<vmem>>, vector<1x16xf32>,
        %slice3A_188 = vector.extract_strided_slice %get3A_41 {offsets = [15], sizes = [1], strides = [1]} : vector<16xf32> to vector<1xf32>
        %squeeze3A_189 = vector.extract %slice3A_188[0] : f32 from vector<1xf32>
        %broadcast_in_dim3A_190 = vector.broadcast %squeeze3A_189 : f32 to vector<16xf32>
        %add3A_191 = arith.constant 15 : i32
        %add3A_192 = arith.addi %add3A_38, %add3A_191 : i32
        %swap3A_193 = arith.index_cast %add3A_192 : i32 to index
        %swap3A_194 = arith.constant 0 : index
        %swap3A_195 = tpu.vector_load %arg8[%swap3A_193, %swap3A_194] {strides = array<i32>} : memref<80x16xf32, #tpu.memory_space<vmem>>, vector<1x16xf32>,
        %swap3A_196 = vector.shape_cast %swap3A_195 : vector<1x16xf32> to vector<16xf32>
        %swap3A_197 = vector.shape_cast %broadcast_in_dim3A_190 : vector<16xf32> to vector<1x16xf32>
        tpu.vector_store %arg8[%swap3A_193, %swap3A_194], %swap3A_197 {strides = array<i32>} : memref<80x16xf32, #tpu.memory_space<vmem>>, vector<1x16xf32>,
      }
      %scan3A_33 = arith.constant 5 : i32
      "tpu.region"() ({
        %run_scoped3A = tpu.sem_alloc : memref<!tpu.dma_semaphore, #tpu.memory_space<semaphore_mem>>
        %dma_start3A = arith.constant 0 : i32
        %dma_start3A_34 = tpu.memref_slice %arg6[%add3A_28, %dma_start3A] : memref<128x80xi32, #tpu.memory_space<vmem>> -> memref<1x80xi32, #tpu.memory_space<vmem>>
        %dma_start3A_35 = tpu.memref_squeeze %dma_start3A_34 : memref<1x80xi32, #tpu.memory_space<vmem>> -> memref<80xi32, #tpu.memory_space<vmem>>
        %dma_start3A_36 = arith.constant 0 : i32
        %dma_start3A_37 = arith.constant 0 : i32
        %dma_start3A_38 = tpu.memref_slice %arg9[%dma_start3A_36, %dma_start3A_37] : memref<10000x16xf32, #tpu.memory_space<vmem_shared>> -> memref<10000x16xf32, #tpu.memory_space<vmem_shared>>
        tpu.enqueue_indirect_dma source(%arg8 : memref<80x16xf32, #tpu.memory_space<vmem>>) target(%dma_start3A_38 : memref<10000x16xf32, #tpu.memory_space<vmem_shared>>) offsets(%dma_start3A_35 : memref<80xi32, #tpu.memory_space<vmem>>) semaphore(%run_scoped3A : memref<!tpu.dma_semaphore, #tpu.memory_space<semaphore_mem>>) {add = true}
        %dma_wait3A = arith.constant 0 : i32
        %dma_wait3A_39 = tpu.memref_slice %arg6[%add3A_28, %dma_wait3A] : memref<128x80xi32, #tpu.memory_space<vmem>> -> memref<1x80xi32, #tpu.memory_space<vmem>>
        %dma_wait3A_40 = tpu.memref_squeeze %dma_wait3A_39 : memref<1x80xi32, #tpu.memory_space<vmem>> -> memref<80xi32, #tpu.memory_space<vmem>>
        %dma_wait3A_41 = arith.constant 0 : i32
        %dma_wait3A_42 = arith.constant 0 : i32
        %dma_wait3A_43 = tpu.memref_slice %arg9[%dma_wait3A_41, %dma_wait3A_42] : memref<10000x16xf32, #tpu.memory_space<vmem_shared>> -> memref<10000x16xf32, #tpu.memory_space<vmem_shared>>
        tpu.wait_indirect_dma semaphore(%run_scoped3A : memref<!tpu.dma_semaphore, #tpu.memory_space<semaphore_mem>>) src(%arg8 : memref<80x16xf32, #tpu.memory_space<vmem>>) dst(%dma_wait3A_43 : memref<10000x16xf32, #tpu.memory_space<vmem_shared>>)
        tpu.yield
      }) : () -> ()
    }
    %scan3A_12 = arith.constant 128 : i32
    %barrier3A_13 = arith.constant 0 : index
    tpu.barrier barrier_id(%barrier3A_13)
    %lt3A_14 = arith.constant 15 : i32
    %lt3A_15 = arith.cmpi slt, %arg1, %lt3A_14 : i32
    %convert_element_type3A_16 = arith.extui %lt3A_15 : i1 to i32
    %cond3A_17 = arith.constant 0 : i32
    %cond3A_18 = arith.cmpi ne, %convert_element_type3A_16, %cond3A_17 : i32
    scf.if %cond3A_18 {
      %mul3A_24 = arith.constant 640 : i32
      %mul3A_25 = arith.muli %arg1, %mul3A_24 : i32
      %mul3A_26 = arith.constant 640 : i32
      %mul3A_27 = arith.muli %arg1, %mul3A_26 : i32
      "tpu.region"() ({
        %run_scoped3A = tpu.sem_alloc : memref<!tpu.dma_semaphore, #tpu.memory_space<semaphore_mem>>
        %dma_start3A = arith.constant 0 : i32
        %dma_start3A_28 = arith.constant 0 : i32
        %dma_start3A_29 = tpu.memref_slice %arg5[%arg0, %dma_start3A, %dma_start3A_28] : memref<2x10000x16xf32, #tpu.memory_space<hbm>> -> memref<1x10000x16xf32, #tpu.memory_space<hbm>>
        %dma_start3A_30 = tpu.memref_squeeze %dma_start3A_29 : memref<1x10000x16xf32, #tpu.memory_space<hbm>> -> memref<10000x16xf32, #tpu.memory_space<hbm>>
        %dma_start3A_31 = arith.constant 0 : i32
        %dma_start3A_32 = tpu.memref_slice %dma_start3A_30[%mul3A_27, %dma_start3A_31] : memref<10000x16xf32, #tpu.memory_space<hbm>> -> memref<640x16xf32, #tpu.memory_space<hbm>>
        %dma_start3A_33 = arith.constant 0 : i32
        %dma_start3A_34 = tpu.memref_slice %arg9[%mul3A_25, %dma_start3A_33] : memref<10000x16xf32, #tpu.memory_space<vmem_shared>> -> memref<640x16xf32, #tpu.memory_space<vmem_shared>>
        tpu.enqueue_dma source(%dma_start3A_34 : memref<640x16xf32, #tpu.memory_space<vmem_shared>>) target(%dma_start3A_32 : memref<640x16xf32, #tpu.memory_space<hbm>>) target_semaphore(%run_scoped3A : memref<!tpu.dma_semaphore, #tpu.memory_space<semaphore_mem>>)
        %dma_wait3A = arith.constant 0 : i32
        %dma_wait3A_35 = arith.constant 0 : i32
        %dma_wait3A_36 = tpu.memref_slice %arg5[%arg0, %dma_wait3A, %dma_wait3A_35] : memref<2x10000x16xf32, #tpu.memory_space<hbm>> -> memref<1x10000x16xf32, #tpu.memory_space<hbm>>
        %dma_wait3A_37 = tpu.memref_squeeze %dma_wait3A_36 : memref<1x10000x16xf32, #tpu.memory_space<hbm>> -> memref<10000x16xf32, #tpu.memory_space<hbm>>
        %dma_wait3A_38 = arith.constant 0 : i32
        %dma_wait3A_39 = tpu.memref_slice %dma_wait3A_37[%mul3A_27, %dma_wait3A_38] : memref<10000x16xf32, #tpu.memory_space<hbm>> -> memref<640x16xf32, #tpu.memory_space<hbm>>
        %dma_wait3A_40 = arith.constant 0 : i32
        %dma_wait3A_41 = tpu.memref_slice %arg9[%mul3A_25, %dma_wait3A_40] : memref<10000x16xf32, #tpu.memory_space<vmem_shared>> -> memref<640x16xf32, #tpu.memory_space<vmem_shared>>
        tpu.wait_dma2 semaphore(%run_scoped3A : memref<!tpu.dma_semaphore, #tpu.memory_space<semaphore_mem>>) src(%dma_wait3A_41 : memref<640x16xf32, #tpu.memory_space<vmem_shared>>) dst(%dma_wait3A_39 : memref<640x16xf32, #tpu.memory_space<hbm>>)
        tpu.yield
      }) : () -> ()
    } else {
    }
    %eq3A_19 = arith.constant 15 : i32
    %eq3A_20 = arith.cmpi eq, %arg1, %eq3A_19 : i32
    %convert_element_type3A_21 = arith.extui %eq3A_20 : i1 to i32
    %cond3A_22 = arith.constant 0 : i32
    %cond3A_23 = arith.cmpi ne, %convert_element_type3A_21, %cond3A_22 : i32
    scf.if %cond3A_23 {
      %mul3A_24 = arith.constant 640 : i32
      %mul3A_25 = arith.muli %arg1, %mul3A_24 : i32
      %mul3A_26 = arith.constant 640 : i32
      %mul3A_27 = arith.muli %arg1, %mul3A_26 : i32
      "tpu.region"() ({
        %run_scoped3A = tpu.sem_alloc : memref<!tpu.dma_semaphore, #tpu.memory_space<semaphore_mem>>
        %dma_start3A = arith.constant 0 : i32
        %dma_start3A_28 = arith.constant 0 : i32
        %dma_start3A_29 = tpu.memref_slice %arg5[%arg0, %dma_start3A, %dma_start3A_28] : memref<2x10000x16xf32, #tpu.memory_space<hbm>> -> memref<1x10000x16xf32, #tpu.memory_space<hbm>>
        %dma_start3A_30 = tpu.memref_squeeze %dma_start3A_29 : memref<1x10000x16xf32, #tpu.memory_space<hbm>> -> memref<10000x16xf32, #tpu.memory_space<hbm>>
        %dma_start3A_31 = arith.constant 0 : i32
        %dma_start3A_32 = tpu.memref_slice %dma_start3A_30[%mul3A_27, %dma_start3A_31] : memref<10000x16xf32, #tpu.memory_space<hbm>> -> memref<400x16xf32, #tpu.memory_space<hbm>>
        %dma_start3A_33 = arith.constant 0 : i32
        %dma_start3A_34 = tpu.memref_slice %arg9[%mul3A_25, %dma_start3A_33] : memref<10000x16xf32, #tpu.memory_space<vmem_shared>> -> memref<400x16xf32, #tpu.memory_space<vmem_shared>>
        tpu.enqueue_dma source(%dma_start3A_34 : memref<400x16xf32, #tpu.memory_space<vmem_shared>>) target(%dma_start3A_32 : memref<400x16xf32, #tpu.memory_space<hbm>>) target_semaphore(%run_scoped3A : memref<!tpu.dma_semaphore, #tpu.memory_space<semaphore_mem>>)
        %dma_wait3A = arith.constant 0 : i32
        %dma_wait3A_35 = arith.constant 0 : i32
        %dma_wait3A_36 = tpu.memref_slice %arg5[%arg0, %dma_wait3A, %dma_wait3A_35] : memref<2x10000x16xf32, #tpu.memory_space<hbm>> -> memref<1x10000x16xf32, #tpu.memory_space<hbm>>
        %dma_wait3A_37 = tpu.memref_squeeze %dma_wait3A_36 : memref<1x10000x16xf32, #tpu.memory_space<hbm>> -> memref<10000x16xf32, #tpu.memory_space<hbm>>
        %dma_wait3A_38 = arith.constant 0 : i32
        %dma_wait3A_39 = tpu.memref_slice %dma_wait3A_37[%mul3A_27, %dma_wait3A_38] : memref<10000x16xf32, #tpu.memory_space<hbm>> -> memref<400x16xf32, #tpu.memory_space<hbm>>
        %dma_wait3A_40 = arith.constant 0 : i32
        %dma_wait3A_41 = tpu.memref_slice %arg9[%mul3A_25, %dma_wait3A_40] : memref<10000x16xf32, #tpu.memory_space<vmem_shared>> -> memref<400x16xf32, #tpu.memory_space<vmem_shared>>
        tpu.wait_dma2 semaphore(%run_scoped3A : memref<!tpu.dma_semaphore, #tpu.memory_space<semaphore_mem>>) src(%dma_wait3A_41 : memref<400x16xf32, #tpu.memory_space<vmem_shared>>) dst(%dma_wait3A_39 : memref<400x16xf32, #tpu.memory_space<hbm>>)
        tpu.yield
      }) : () -> ()
    } else {
    }
    return
  }
}

#map = affine_map<(d0, d1) -> (0, 0)>
#map1 = affine_map<(d0, d1) -> (0, 0, 0)>
module attributes {stable_mosaic.version = 14 : i64} {
  func.func @k(%arg0: i32, %arg1: i32, %arg2: memref<4096x80xi32, #tpu.memory_space<hbm>>, %arg3: memref<327680x64xf32, #tpu.memory_space<hbm>>, %arg4: memref<327680x64xf32, #tpu.memory_space<hbm>>, %arg5: memref<327680x64xf32, #tpu.memory_space<hbm>>, %arg6: memref<327680x64xf32, #tpu.memory_space<hbm>>, %arg7: memref<327680x64xf32, #tpu.memory_space<hbm>>, %arg8: memref<327680x64xf32, #tpu.memory_space<hbm>>, %arg9: memref<640x64xf32, #tpu.memory_space<hbm>>, %arg10: memref<2x10000x64xf32, #tpu.memory_space<hbm>>, %arg11: memref<2x10000x64xf32, #tpu.memory_space<hbm>>, %arg12: memref<2x10000x64xf32, #tpu.memory_space<hbm>>, %arg13: memref<2x10000x64xf32, #tpu.memory_space<hbm>>, %arg14: memref<2x10000x64xf32, #tpu.memory_space<hbm>>, %arg15: memref<2x10000x64xf32, #tpu.memory_space<hbm>>, %arg16: memref<128x80xi32, #tpu.memory_space<vmem>>, %arg17: memref<80x64xf32, #tpu.memory_space<vmem>>, %arg18: memref<10000x64xf32, #tpu.memory_space<vmem_shared>>) attributes {dimension_semantics = [#tpu.dimension_semantics<core_parallel>, #tpu.dimension_semantics<subcore_parallel>], iteration_bounds = array<i64: 2, 16>, scalar_prefetch = 0 : i64, scratch_operands = 3 : i64, tpu.core_type = #tpu.core_type<sc_vector_subcore>, window_params = [{transform_indices = #map}, {transform_indices = #map}, {transform_indices = #map}, {transform_indices = #map}, {transform_indices = #map}, {transform_indices = #map}, {transform_indices = #map}, {transform_indices = #map}, {transform_indices = #map1}, {transform_indices = #map1}, {transform_indices = #map1}, {transform_indices = #map1}, {transform_indices = #map1}, {transform_indices = #map1}]} {
    %mul3A = arith.constant 16 : i32
    %mul3A_0 = arith.muli %arg0, %mul3A : i32
    %add3A = arith.addi %mul3A_0, %arg1 : i32
    %mul3A_1 = arith.constant 128 : i32
    %mul3A_2 = arith.muli %add3A, %mul3A_1 : i32
    "tpu.region"() ({
      %run_scoped3A = tpu.sem_alloc : memref<!tpu.dma_semaphore, #tpu.memory_space<semaphore_mem>>
      %dma_start3A = arith.constant 0 : i32
      %dma_start3A_165 = tpu.memref_slice %arg2[%mul3A_2, %dma_start3A] : memref<4096x80xi32, #tpu.memory_space<hbm>> -> memref<128x80xi32, #tpu.memory_space<hbm>>
      %dma_start3A_166 = arith.constant 0 : i32
      %dma_start3A_167 = tpu.memref_slice %arg2[%mul3A_2, %dma_start3A_166] : memref<4096x80xi32, #tpu.memory_space<hbm>> -> memref<128x80xi32, #tpu.memory_space<hbm>>
      tpu.enqueue_dma source(%dma_start3A_167 : memref<128x80xi32, #tpu.memory_space<hbm>>) target(%arg16 : memref<128x80xi32, #tpu.memory_space<vmem>>) target_semaphore(%run_scoped3A : memref<!tpu.dma_semaphore, #tpu.memory_space<semaphore_mem>>)
      %dma_wait3A = arith.constant 0 : i32
      %dma_wait3A_168 = tpu.memref_slice %arg2[%mul3A_2, %dma_wait3A] : memref<4096x80xi32, #tpu.memory_space<hbm>> -> memref<128x80xi32, #tpu.memory_space<hbm>>
      %dma_wait3A_169 = arith.constant 0 : i32
      %dma_wait3A_170 = tpu.memref_slice %arg2[%mul3A_2, %dma_wait3A_169] : memref<4096x80xi32, #tpu.memory_space<hbm>> -> memref<128x80xi32, #tpu.memory_space<hbm>>
      tpu.wait_dma2 semaphore(%run_scoped3A : memref<!tpu.dma_semaphore, #tpu.memory_space<semaphore_mem>>) src(%dma_wait3A_170 : memref<128x80xi32, #tpu.memory_space<hbm>>) dst(%arg16 : memref<128x80xi32, #tpu.memory_space<vmem>>)
      tpu.yield
    }) : () -> ()
    %lt3A = arith.constant 15 : i32
    %lt3A_3 = arith.cmpi slt, %arg1, %lt3A : i32
    %convert_element_type3A = arith.extui %lt3A_3 : i1 to i32
    %cond3A = arith.constant 0 : i32
    %cond3A_4 = arith.cmpi ne, %convert_element_type3A, %cond3A : i32
    scf.if %cond3A_4 {
      %mul3A_165 = arith.constant 640 : i32
      %mul3A_166 = arith.muli %arg1, %mul3A_165 : i32
      "tpu.region"() ({
        %run_scoped3A = tpu.sem_alloc : memref<!tpu.dma_semaphore, #tpu.memory_space<semaphore_mem>>
        %dma_start3A = arith.constant 0 : i32
        %dma_start3A_167 = tpu.memref_slice %arg18[%mul3A_166, %dma_start3A] : memref<10000x64xf32, #tpu.memory_space<vmem_shared>> -> memref<640x64xf32, #tpu.memory_space<vmem_shared>>
        tpu.enqueue_dma source(%arg9 : memref<640x64xf32, #tpu.memory_space<hbm>>) target(%dma_start3A_167 : memref<640x64xf32, #tpu.memory_space<vmem_shared>>) target_semaphore(%run_scoped3A : memref<!tpu.dma_semaphore, #tpu.memory_space<semaphore_mem>>)
        %dma_wait3A = arith.constant 0 : i32
        %dma_wait3A_168 = tpu.memref_slice %arg18[%mul3A_166, %dma_wait3A] : memref<10000x64xf32, #tpu.memory_space<vmem_shared>> -> memref<640x64xf32, #tpu.memory_space<vmem_shared>>
        tpu.wait_dma2 semaphore(%run_scoped3A : memref<!tpu.dma_semaphore, #tpu.memory_space<semaphore_mem>>) src(%arg9 : memref<640x64xf32, #tpu.memory_space<hbm>>) dst(%dma_wait3A_168 : memref<640x64xf32, #tpu.memory_space<vmem_shared>>)
        tpu.yield
      }) : () -> ()
    } else {
    }
    %eq3A = arith.constant 15 : i32
    %eq3A_5 = arith.cmpi eq, %arg1, %eq3A : i32
    %convert_element_type3A_6 = arith.extui %eq3A_5 : i1 to i32
    %cond3A_7 = arith.constant 0 : i32
    %cond3A_8 = arith.cmpi ne, %convert_element_type3A_6, %cond3A_7 : i32
    scf.if %cond3A_8 {
      %mul3A_165 = arith.constant 640 : i32
      %mul3A_166 = arith.muli %arg1, %mul3A_165 : i32
      "tpu.region"() ({
        %run_scoped3A = tpu.sem_alloc : memref<!tpu.dma_semaphore, #tpu.memory_space<semaphore_mem>>
        %dma_start3A = arith.constant 0 : i32
        %dma_start3A_167 = tpu.memref_slice %arg18[%mul3A_166, %dma_start3A] : memref<10000x64xf32, #tpu.memory_space<vmem_shared>> -> memref<400x64xf32, #tpu.memory_space<vmem_shared>>
        %dma_start3A_168 = arith.constant 0 : i32
        %dma_start3A_169 = arith.constant 0 : i32
        %dma_start3A_170 = tpu.memref_slice %arg9[%dma_start3A_168, %dma_start3A_169] : memref<640x64xf32, #tpu.memory_space<hbm>> -> memref<400x64xf32, #tpu.memory_space<hbm>>
        tpu.enqueue_dma source(%dma_start3A_170 : memref<400x64xf32, #tpu.memory_space<hbm>>) target(%dma_start3A_167 : memref<400x64xf32, #tpu.memory_space<vmem_shared>>) target_semaphore(%run_scoped3A : memref<!tpu.dma_semaphore, #tpu.memory_space<semaphore_mem>>)
        %dma_wait3A = arith.constant 0 : i32
        %dma_wait3A_171 = tpu.memref_slice %arg18[%mul3A_166, %dma_wait3A] : memref<10000x64xf32, #tpu.memory_space<vmem_shared>> -> memref<400x64xf32, #tpu.memory_space<vmem_shared>>
        %dma_wait3A_172 = arith.constant 0 : i32
        %dma_wait3A_173 = arith.constant 0 : i32
        %dma_wait3A_174 = tpu.memref_slice %arg9[%dma_wait3A_172, %dma_wait3A_173] : memref<640x64xf32, #tpu.memory_space<hbm>> -> memref<400x64xf32, #tpu.memory_space<hbm>>
        tpu.wait_dma2 semaphore(%run_scoped3A : memref<!tpu.dma_semaphore, #tpu.memory_space<semaphore_mem>>) src(%dma_wait3A_174 : memref<400x64xf32, #tpu.memory_space<hbm>>) dst(%dma_wait3A_171 : memref<400x64xf32, #tpu.memory_space<vmem_shared>>)
        tpu.yield
      }) : () -> ()
    } else {
    }
    %barrier3A = arith.constant 0 : index
    tpu.barrier barrier_id(%barrier3A)
    %scan3A = arith.constant 0 : i32
    %scan3A_9 = arith.constant 128 : i32
    %scan3A_10 = arith.addi %scan3A, %scan3A_9 : i32
    %scan3A_11 = arith.constant 1 : i32
    scf.for %scan3A_165 = %scan3A to %scan3A_10 step %scan3A_11  : i32 {
      %mul3A_166 = arith.constant 1 : i32
      %mul3A_167 = arith.muli %scan3A_165, %mul3A_166 : i32
      %add3A_168 = arith.constant 0 : i32
      %add3A_169 = arith.addi %add3A_168, %mul3A_167 : i32
      %mul3A_170 = arith.constant 128 : i32
      %mul3A_171 = arith.muli %add3A, %mul3A_170 : i32
      %add3A_172 = arith.addi %mul3A_171, %add3A_169 : i32
      %mul3A_173 = arith.constant 80 : i32
      %mul3A_174 = arith.muli %add3A_172, %mul3A_173 : i32
      "tpu.region"() ({
        %run_scoped3A = tpu.sem_alloc : memref<!tpu.dma_semaphore, #tpu.memory_space<semaphore_mem>>
        %dma_start3A = arith.constant 0 : i32
        %dma_start3A_175 = tpu.memref_slice %arg3[%mul3A_174, %dma_start3A] : memref<327680x64xf32, #tpu.memory_space<hbm>> -> memref<80x64xf32, #tpu.memory_space<hbm>>
        %dma_start3A_176 = arith.constant 0 : i32
        %dma_start3A_177 = tpu.memref_slice %arg3[%mul3A_174, %dma_start3A_176] : memref<327680x64xf32, #tpu.memory_space<hbm>> -> memref<80x64xf32, #tpu.memory_space<hbm>>
        tpu.enqueue_dma source(%dma_start3A_177 : memref<80x64xf32, #tpu.memory_space<hbm>>) target(%arg17 : memref<80x64xf32, #tpu.memory_space<vmem>>) target_semaphore(%run_scoped3A : memref<!tpu.dma_semaphore, #tpu.memory_space<semaphore_mem>>)
        %dma_wait3A = arith.constant 0 : i32
        %dma_wait3A_178 = tpu.memref_slice %arg3[%mul3A_174, %dma_wait3A] : memref<327680x64xf32, #tpu.memory_space<hbm>> -> memref<80x64xf32, #tpu.memory_space<hbm>>
        %dma_wait3A_179 = arith.constant 0 : i32
        %dma_wait3A_180 = tpu.memref_slice %arg3[%mul3A_174, %dma_wait3A_179] : memref<327680x64xf32, #tpu.memory_space<hbm>> -> memref<80x64xf32, #tpu.memory_space<hbm>>
        tpu.wait_dma2 semaphore(%run_scoped3A : memref<!tpu.dma_semaphore, #tpu.memory_space<semaphore_mem>>) src(%dma_wait3A_180 : memref<80x64xf32, #tpu.memory_space<hbm>>) dst(%arg17 : memref<80x64xf32, #tpu.memory_space<vmem>>)
        tpu.yield
      }) : () -> ()
      "tpu.region"() ({
        %run_scoped3A = tpu.sem_alloc : memref<!tpu.dma_semaphore, #tpu.memory_space<semaphore_mem>>
        %dma_start3A = arith.constant 0 : i32
        %dma_start3A_175 = tpu.memref_slice %arg16[%add3A_169, %dma_start3A] : memref<128x80xi32, #tpu.memory_space<vmem>> -> memref<1x80xi32, #tpu.memory_space<vmem>>
        %dma_start3A_176 = tpu.memref_squeeze %dma_start3A_175 : memref<1x80xi32, #tpu.memory_space<vmem>> -> memref<80xi32, #tpu.memory_space<vmem>>
        %dma_start3A_177 = arith.constant 0 : i32
        %dma_start3A_178 = arith.constant 0 : i32
        %dma_start3A_179 = tpu.memref_slice %arg18[%dma_start3A_177, %dma_start3A_178] : memref<10000x64xf32, #tpu.memory_space<vmem_shared>> -> memref<10000x64xf32, #tpu.memory_space<vmem_shared>>
        tpu.enqueue_indirect_dma source(%arg17 : memref<80x64xf32, #tpu.memory_space<vmem>>) target(%dma_start3A_179 : memref<10000x64xf32, #tpu.memory_space<vmem_shared>>) offsets(%dma_start3A_176 : memref<80xi32, #tpu.memory_space<vmem>>) semaphore(%run_scoped3A : memref<!tpu.dma_semaphore, #tpu.memory_space<semaphore_mem>>) {add = true}
        %dma_wait3A = arith.constant 0 : i32
        %dma_wait3A_180 = tpu.memref_slice %arg16[%add3A_169, %dma_wait3A] : memref<128x80xi32, #tpu.memory_space<vmem>> -> memref<1x80xi32, #tpu.memory_space<vmem>>
        %dma_wait3A_181 = tpu.memref_squeeze %dma_wait3A_180 : memref<1x80xi32, #tpu.memory_space<vmem>> -> memref<80xi32, #tpu.memory_space<vmem>>
        %dma_wait3A_182 = arith.constant 0 : i32
        %dma_wait3A_183 = arith.constant 0 : i32
        %dma_wait3A_184 = tpu.memref_slice %arg18[%dma_wait3A_182, %dma_wait3A_183] : memref<10000x64xf32, #tpu.memory_space<vmem_shared>> -> memref<10000x64xf32, #tpu.memory_space<vmem_shared>>
        tpu.wait_indirect_dma semaphore(%run_scoped3A : memref<!tpu.dma_semaphore, #tpu.memory_space<semaphore_mem>>) src(%arg17 : memref<80x64xf32, #tpu.memory_space<vmem>>) dst(%dma_wait3A_184 : memref<10000x64xf32, #tpu.memory_space<vmem_shared>>)
        tpu.yield
      }) : () -> ()
    }
    %scan3A_12 = arith.constant 128 : i32
    %barrier3A_13 = arith.constant 0 : index
    tpu.barrier barrier_id(%barrier3A_13)
    %lt3A_14 = arith.constant 15 : i32
    %lt3A_15 = arith.cmpi slt, %arg1, %lt3A_14 : i32
    %convert_element_type3A_16 = arith.extui %lt3A_15 : i1 to i32
    %cond3A_17 = arith.constant 0 : i32
    %cond3A_18 = arith.cmpi ne, %convert_element_type3A_16, %cond3A_17 : i32
    scf.if %cond3A_18 {
      %mul3A_165 = arith.constant 640 : i32
      %mul3A_166 = arith.muli %arg1, %mul3A_165 : i32
      %mul3A_167 = arith.constant 640 : i32
      %mul3A_168 = arith.muli %arg1, %mul3A_167 : i32
      "tpu.region"() ({
        %run_scoped3A = tpu.sem_alloc : memref<!tpu.dma_semaphore, #tpu.memory_space<semaphore_mem>>
        %dma_start3A = arith.constant 0 : i32
        %dma_start3A_169 = arith.constant 0 : i32
        %dma_start3A_170 = tpu.memref_slice %arg10[%arg0, %dma_start3A, %dma_start3A_169] : memref<2x10000x64xf32, #tpu.memory_space<hbm>> -> memref<1x10000x64xf32, #tpu.memory_space<hbm>>
        %dma_start3A_171 = tpu.memref_squeeze %dma_start3A_170 : memref<1x10000x64xf32, #tpu.memory_space<hbm>> -> memref<10000x64xf32, #tpu.memory_space<hbm>>
        %dma_start3A_172 = arith.constant 0 : i32
        %dma_start3A_173 = tpu.memref_slice %dma_start3A_171[%mul3A_168, %dma_start3A_172] : memref<10000x64xf32, #tpu.memory_space<hbm>> -> memref<640x64xf32, #tpu.memory_space<hbm>>
        %dma_start3A_174 = arith.constant 0 : i32
        %dma_start3A_175 = tpu.memref_slice %arg18[%mul3A_166, %dma_start3A_174] : memref<10000x64xf32, #tpu.memory_space<vmem_shared>> -> memref<640x64xf32, #tpu.memory_space<vmem_shared>>
        tpu.enqueue_dma source(%dma_start3A_175 : memref<640x64xf32, #tpu.memory_space<vmem_shared>>) target(%dma_start3A_173 : memref<640x64xf32, #tpu.memory_space<hbm>>) target_semaphore(%run_scoped3A : memref<!tpu.dma_semaphore, #tpu.memory_space<semaphore_mem>>)
        %dma_wait3A = arith.constant 0 : i32
        %dma_wait3A_176 = arith.constant 0 : i32
        %dma_wait3A_177 = tpu.memref_slice %arg10[%arg0, %dma_wait3A, %dma_wait3A_176] : memref<2x10000x64xf32, #tpu.memory_space<hbm>> -> memref<1x10000x64xf32, #tpu.memory_space<hbm>>
        %dma_wait3A_178 = tpu.memref_squeeze %dma_wait3A_177 : memref<1x10000x64xf32, #tpu.memory_space<hbm>> -> memref<10000x64xf32, #tpu.memory_space<hbm>>
        %dma_wait3A_179 = arith.constant 0 : i32
        %dma_wait3A_180 = tpu.memref_slice %dma_wait3A_178[%mul3A_168, %dma_wait3A_179] : memref<10000x64xf32, #tpu.memory_space<hbm>> -> memref<640x64xf32, #tpu.memory_space<hbm>>
        %dma_wait3A_181 = arith.constant 0 : i32
        %dma_wait3A_182 = tpu.memref_slice %arg18[%mul3A_166, %dma_wait3A_181] : memref<10000x64xf32, #tpu.memory_space<vmem_shared>> -> memref<640x64xf32, #tpu.memory_space<vmem_shared>>
        tpu.wait_dma2 semaphore(%run_scoped3A : memref<!tpu.dma_semaphore, #tpu.memory_space<semaphore_mem>>) src(%dma_wait3A_182 : memref<640x64xf32, #tpu.memory_space<vmem_shared>>) dst(%dma_wait3A_180 : memref<640x64xf32, #tpu.memory_space<hbm>>)
        tpu.yield
      }) : () -> ()
    } else {
    }
    %eq3A_19 = arith.constant 15 : i32
    %eq3A_20 = arith.cmpi eq, %arg1, %eq3A_19 : i32
    %convert_element_type3A_21 = arith.extui %eq3A_20 : i1 to i32
    %cond3A_22 = arith.constant 0 : i32
    %cond3A_23 = arith.cmpi ne, %convert_element_type3A_21, %cond3A_22 : i32
    scf.if %cond3A_23 {
      %mul3A_165 = arith.constant 640 : i32
      %mul3A_166 = arith.muli %arg1, %mul3A_165 : i32
      %mul3A_167 = arith.constant 640 : i32
      %mul3A_168 = arith.muli %arg1, %mul3A_167 : i32
      "tpu.region"() ({
        %run_scoped3A = tpu.sem_alloc : memref<!tpu.dma_semaphore, #tpu.memory_space<semaphore_mem>>
        %dma_start3A = arith.constant 0 : i32
        %dma_start3A_169 = arith.constant 0 : i32
        %dma_start3A_170 = tpu.memref_slice %arg10[%arg0, %dma_start3A, %dma_start3A_169] : memref<2x10000x64xf32, #tpu.memory_space<hbm>> -> memref<1x10000x64xf32, #tpu.memory_space<hbm>>
        %dma_start3A_171 = tpu.memref_squeeze %dma_start3A_170 : memref<1x10000x64xf32, #tpu.memory_space<hbm>> -> memref<10000x64xf32, #tpu.memory_space<hbm>>
        %dma_start3A_172 = arith.constant 0 : i32
        %dma_start3A_173 = tpu.memref_slice %dma_start3A_171[%mul3A_168, %dma_start3A_172] : memref<10000x64xf32, #tpu.memory_space<hbm>> -> memref<400x64xf32, #tpu.memory_space<hbm>>
        %dma_start3A_174 = arith.constant 0 : i32
        %dma_start3A_175 = tpu.memref_slice %arg18[%mul3A_166, %dma_start3A_174] : memref<10000x64xf32, #tpu.memory_space<vmem_shared>> -> memref<400x64xf32, #tpu.memory_space<vmem_shared>>
        tpu.enqueue_dma source(%dma_start3A_175 : memref<400x64xf32, #tpu.memory_space<vmem_shared>>) target(%dma_start3A_173 : memref<400x64xf32, #tpu.memory_space<hbm>>) target_semaphore(%run_scoped3A : memref<!tpu.dma_semaphore, #tpu.memory_space<semaphore_mem>>)
        %dma_wait3A = arith.constant 0 : i32
        %dma_wait3A_176 = arith.constant 0 : i32
        %dma_wait3A_177 = tpu.memref_slice %arg10[%arg0, %dma_wait3A, %dma_wait3A_176] : memref<2x10000x64xf32, #tpu.memory_space<hbm>> -> memref<1x10000x64xf32, #tpu.memory_space<hbm>>
        %dma_wait3A_178 = tpu.memref_squeeze %dma_wait3A_177 : memref<1x10000x64xf32, #tpu.memory_space<hbm>> -> memref<10000x64xf32, #tpu.memory_space<hbm>>
        %dma_wait3A_179 = arith.constant 0 : i32
        %dma_wait3A_180 = tpu.memref_slice %dma_wait3A_178[%mul3A_168, %dma_wait3A_179] : memref<10000x64xf32, #tpu.memory_space<hbm>> -> memref<400x64xf32, #tpu.memory_space<hbm>>
        %dma_wait3A_181 = arith.constant 0 : i32
        %dma_wait3A_182 = tpu.memref_slice %arg18[%mul3A_166, %dma_wait3A_181] : memref<10000x64xf32, #tpu.memory_space<vmem_shared>> -> memref<400x64xf32, #tpu.memory_space<vmem_shared>>
        tpu.wait_dma2 semaphore(%run_scoped3A : memref<!tpu.dma_semaphore, #tpu.memory_space<semaphore_mem>>) src(%dma_wait3A_182 : memref<400x64xf32, #tpu.memory_space<vmem_shared>>) dst(%dma_wait3A_180 : memref<400x64xf32, #tpu.memory_space<hbm>>)
        tpu.yield
      }) : () -> ()
    } else {
    }
    %barrier3A_24 = arith.constant 0 : index
    tpu.barrier barrier_id(%barrier3A_24)
    %lt3A_25 = arith.constant 15 : i32
    %lt3A_26 = arith.cmpi slt, %arg1, %lt3A_25 : i32
    %convert_element_type3A_27 = arith.extui %lt3A_26 : i1 to i32
    %cond3A_28 = arith.constant 0 : i32
    %cond3A_29 = arith.cmpi ne, %convert_element_type3A_27, %cond3A_28 : i32
    scf.if %cond3A_29 {
      %mul3A_165 = arith.constant 640 : i32
      %mul3A_166 = arith.muli %arg1, %mul3A_165 : i32
      "tpu.region"() ({
        %run_scoped3A = tpu.sem_alloc : memref<!tpu.dma_semaphore, #tpu.memory_space<semaphore_mem>>
        %dma_start3A = arith.constant 0 : i32
        %dma_start3A_167 = tpu.memref_slice %arg18[%mul3A_166, %dma_start3A] : memref<10000x64xf32, #tpu.memory_space<vmem_shared>> -> memref<640x64xf32, #tpu.memory_space<vmem_shared>>
        tpu.enqueue_dma source(%arg9 : memref<640x64xf32, #tpu.memory_space<hbm>>) target(%dma_start3A_167 : memref<640x64xf32, #tpu.memory_space<vmem_shared>>) target_semaphore(%run_scoped3A : memref<!tpu.dma_semaphore, #tpu.memory_space<semaphore_mem>>)
        %dma_wait3A = arith.constant 0 : i32
        %dma_wait3A_168 = tpu.memref_slice %arg18[%mul3A_166, %dma_wait3A] : memref<10000x64xf32, #tpu.memory_space<vmem_shared>> -> memref<640x64xf32, #tpu.memory_space<vmem_shared>>
        tpu.wait_dma2 semaphore(%run_scoped3A : memref<!tpu.dma_semaphore, #tpu.memory_space<semaphore_mem>>) src(%arg9 : memref<640x64xf32, #tpu.memory_space<hbm>>) dst(%dma_wait3A_168 : memref<640x64xf32, #tpu.memory_space<vmem_shared>>)
        tpu.yield
      }) : () -> ()
    } else {
    }
    %eq3A_30 = arith.constant 15 : i32
    %eq3A_31 = arith.cmpi eq, %arg1, %eq3A_30 : i32
    %convert_element_type3A_32 = arith.extui %eq3A_31 : i1 to i32
    %cond3A_33 = arith.constant 0 : i32
    %cond3A_34 = arith.cmpi ne, %convert_element_type3A_32, %cond3A_33 : i32
    scf.if %cond3A_34 {
      %mul3A_165 = arith.constant 640 : i32
      %mul3A_166 = arith.muli %arg1, %mul3A_165 : i32
      "tpu.region"() ({
        %run_scoped3A = tpu.sem_alloc : memref<!tpu.dma_semaphore, #tpu.memory_space<semaphore_mem>>
        %dma_start3A = arith.constant 0 : i32
        %dma_start3A_167 = tpu.memref_slice %arg18[%mul3A_166, %dma_start3A] : memref<10000x64xf32, #tpu.memory_space<vmem_shared>> -> memref<400x64xf32, #tpu.memory_space<vmem_shared>>
        %dma_start3A_168 = arith.constant 0 : i32
        %dma_start3A_169 = arith.constant 0 : i32
        %dma_start3A_170 = tpu.memref_slice %arg9[%dma_start3A_168, %dma_start3A_169] : memref<640x64xf32, #tpu.memory_space<hbm>> -> memref<400x64xf32, #tpu.memory_space<hbm>>
        tpu.enqueue_dma source(%dma_start3A_170 : memref<400x64xf32, #tpu.memory_space<hbm>>) target(%dma_start3A_167 : memref<400x64xf32, #tpu.memory_space<vmem_shared>>) target_semaphore(%run_scoped3A : memref<!tpu.dma_semaphore, #tpu.memory_space<semaphore_mem>>)
        %dma_wait3A = arith.constant 0 : i32
        %dma_wait3A_171 = tpu.memref_slice %arg18[%mul3A_166, %dma_wait3A] : memref<10000x64xf32, #tpu.memory_space<vmem_shared>> -> memref<400x64xf32, #tpu.memory_space<vmem_shared>>
        %dma_wait3A_172 = arith.constant 0 : i32
        %dma_wait3A_173 = arith.constant 0 : i32
        %dma_wait3A_174 = tpu.memref_slice %arg9[%dma_wait3A_172, %dma_wait3A_173] : memref<640x64xf32, #tpu.memory_space<hbm>> -> memref<400x64xf32, #tpu.memory_space<hbm>>
        tpu.wait_dma2 semaphore(%run_scoped3A : memref<!tpu.dma_semaphore, #tpu.memory_space<semaphore_mem>>) src(%dma_wait3A_174 : memref<400x64xf32, #tpu.memory_space<hbm>>) dst(%dma_wait3A_171 : memref<400x64xf32, #tpu.memory_space<vmem_shared>>)
        tpu.yield
      }) : () -> ()
    } else {
    }
    %barrier3A_35 = arith.constant 0 : index
    tpu.barrier barrier_id(%barrier3A_35)
    %scan3A_36 = arith.constant 0 : i32
    %scan3A_37 = arith.constant 128 : i32
    %scan3A_38 = arith.addi %scan3A_36, %scan3A_37 : i32
    %scan3A_39 = arith.constant 1 : i32
    scf.for %scan3A_165 = %scan3A_36 to %scan3A_38 step %scan3A_39  : i32 {
      %mul3A_166 = arith.constant 1 : i32
      %mul3A_167 = arith.muli %scan3A_165, %mul3A_166 : i32
      %add3A_168 = arith.constant 0 : i32
      %add3A_169 = arith.addi %add3A_168, %mul3A_167 : i32
      %mul3A_170 = arith.constant 128 : i32
      %mul3A_171 = arith.muli %add3A, %mul3A_170 : i32
      %add3A_172 = arith.addi %mul3A_171, %add3A_169 : i32
      %mul3A_173 = arith.constant 80 : i32
      %mul3A_174 = arith.muli %add3A_172, %mul3A_173 : i32
      "tpu.region"() ({
        %run_scoped3A = tpu.sem_alloc : memref<!tpu.dma_semaphore, #tpu.memory_space<semaphore_mem>>
        %dma_start3A = arith.constant 0 : i32
        %dma_start3A_175 = tpu.memref_slice %arg4[%mul3A_174, %dma_start3A] : memref<327680x64xf32, #tpu.memory_space<hbm>> -> memref<80x64xf32, #tpu.memory_space<hbm>>
        %dma_start3A_176 = arith.constant 0 : i32
        %dma_start3A_177 = tpu.memref_slice %arg4[%mul3A_174, %dma_start3A_176] : memref<327680x64xf32, #tpu.memory_space<hbm>> -> memref<80x64xf32, #tpu.memory_space<hbm>>
        tpu.enqueue_dma source(%dma_start3A_177 : memref<80x64xf32, #tpu.memory_space<hbm>>) target(%arg17 : memref<80x64xf32, #tpu.memory_space<vmem>>) target_semaphore(%run_scoped3A : memref<!tpu.dma_semaphore, #tpu.memory_space<semaphore_mem>>)
        %dma_wait3A = arith.constant 0 : i32
        %dma_wait3A_178 = tpu.memref_slice %arg4[%mul3A_174, %dma_wait3A] : memref<327680x64xf32, #tpu.memory_space<hbm>> -> memref<80x64xf32, #tpu.memory_space<hbm>>
        %dma_wait3A_179 = arith.constant 0 : i32
        %dma_wait3A_180 = tpu.memref_slice %arg4[%mul3A_174, %dma_wait3A_179] : memref<327680x64xf32, #tpu.memory_space<hbm>> -> memref<80x64xf32, #tpu.memory_space<hbm>>
        tpu.wait_dma2 semaphore(%run_scoped3A : memref<!tpu.dma_semaphore, #tpu.memory_space<semaphore_mem>>) src(%dma_wait3A_180 : memref<80x64xf32, #tpu.memory_space<hbm>>) dst(%arg17 : memref<80x64xf32, #tpu.memory_space<vmem>>)
        tpu.yield
      }) : () -> ()
      "tpu.region"() ({
        %run_scoped3A = tpu.sem_alloc : memref<!tpu.dma_semaphore, #tpu.memory_space<semaphore_mem>>
        %dma_start3A = arith.constant 0 : i32
        %dma_start3A_175 = tpu.memref_slice %arg16[%add3A_169, %dma_start3A] : memref<128x80xi32, #tpu.memory_space<vmem>> -> memref<1x80xi32, #tpu.memory_space<vmem>>
        %dma_start3A_176 = tpu.memref_squeeze %dma_start3A_175 : memref<1x80xi32, #tpu.memory_space<vmem>> -> memref<80xi32, #tpu.memory_space<vmem>>
        %dma_start3A_177 = arith.constant 0 : i32
        %dma_start3A_178 = arith.constant 0 : i32
        %dma_start3A_179 = tpu.memref_slice %arg18[%dma_start3A_177, %dma_start3A_178] : memref<10000x64xf32, #tpu.memory_space<vmem_shared>> -> memref<10000x64xf32, #tpu.memory_space<vmem_shared>>
        tpu.enqueue_indirect_dma source(%arg17 : memref<80x64xf32, #tpu.memory_space<vmem>>) target(%dma_start3A_179 : memref<10000x64xf32, #tpu.memory_space<vmem_shared>>) offsets(%dma_start3A_176 : memref<80xi32, #tpu.memory_space<vmem>>) semaphore(%run_scoped3A : memref<!tpu.dma_semaphore, #tpu.memory_space<semaphore_mem>>) {add = true}
        %dma_wait3A = arith.constant 0 : i32
        %dma_wait3A_180 = tpu.memref_slice %arg16[%add3A_169, %dma_wait3A] : memref<128x80xi32, #tpu.memory_space<vmem>> -> memref<1x80xi32, #tpu.memory_space<vmem>>
        %dma_wait3A_181 = tpu.memref_squeeze %dma_wait3A_180 : memref<1x80xi32, #tpu.memory_space<vmem>> -> memref<80xi32, #tpu.memory_space<vmem>>
        %dma_wait3A_182 = arith.constant 0 : i32
        %dma_wait3A_183 = arith.constant 0 : i32
        %dma_wait3A_184 = tpu.memref_slice %arg18[%dma_wait3A_182, %dma_wait3A_183] : memref<10000x64xf32, #tpu.memory_space<vmem_shared>> -> memref<10000x64xf32, #tpu.memory_space<vmem_shared>>
        tpu.wait_indirect_dma semaphore(%run_scoped3A : memref<!tpu.dma_semaphore, #tpu.memory_space<semaphore_mem>>) src(%arg17 : memref<80x64xf32, #tpu.memory_space<vmem>>) dst(%dma_wait3A_184 : memref<10000x64xf32, #tpu.memory_space<vmem_shared>>)
        tpu.yield
      }) : () -> ()
    }
    %scan3A_40 = arith.constant 128 : i32
    %barrier3A_41 = arith.constant 0 : index
    tpu.barrier barrier_id(%barrier3A_41)
    %lt3A_42 = arith.constant 15 : i32
    %lt3A_43 = arith.cmpi slt, %arg1, %lt3A_42 : i32
    %convert_element_type3A_44 = arith.extui %lt3A_43 : i1 to i32
    %cond3A_45 = arith.constant 0 : i32
    %cond3A_46 = arith.cmpi ne, %convert_element_type3A_44, %cond3A_45 : i32
    scf.if %cond3A_46 {
      %mul3A_165 = arith.constant 640 : i32
      %mul3A_166 = arith.muli %arg1, %mul3A_165 : i32
      %mul3A_167 = arith.constant 640 : i32
      %mul3A_168 = arith.muli %arg1, %mul3A_167 : i32
      "tpu.region"() ({
        %run_scoped3A = tpu.sem_alloc : memref<!tpu.dma_semaphore, #tpu.memory_space<semaphore_mem>>
        %dma_start3A = arith.constant 0 : i32
        %dma_start3A_169 = arith.constant 0 : i32
        %dma_start3A_170 = tpu.memref_slice %arg11[%arg0, %dma_start3A, %dma_start3A_169] : memref<2x10000x64xf32, #tpu.memory_space<hbm>> -> memref<1x10000x64xf32, #tpu.memory_space<hbm>>
        %dma_start3A_171 = tpu.memref_squeeze %dma_start3A_170 : memref<1x10000x64xf32, #tpu.memory_space<hbm>> -> memref<10000x64xf32, #tpu.memory_space<hbm>>
        %dma_start3A_172 = arith.constant 0 : i32
        %dma_start3A_173 = tpu.memref_slice %dma_start3A_171[%mul3A_168, %dma_start3A_172] : memref<10000x64xf32, #tpu.memory_space<hbm>> -> memref<640x64xf32, #tpu.memory_space<hbm>>
        %dma_start3A_174 = arith.constant 0 : i32
        %dma_start3A_175 = tpu.memref_slice %arg18[%mul3A_166, %dma_start3A_174] : memref<10000x64xf32, #tpu.memory_space<vmem_shared>> -> memref<640x64xf32, #tpu.memory_space<vmem_shared>>
        tpu.enqueue_dma source(%dma_start3A_175 : memref<640x64xf32, #tpu.memory_space<vmem_shared>>) target(%dma_start3A_173 : memref<640x64xf32, #tpu.memory_space<hbm>>) target_semaphore(%run_scoped3A : memref<!tpu.dma_semaphore, #tpu.memory_space<semaphore_mem>>)
        %dma_wait3A = arith.constant 0 : i32
        %dma_wait3A_176 = arith.constant 0 : i32
        %dma_wait3A_177 = tpu.memref_slice %arg11[%arg0, %dma_wait3A, %dma_wait3A_176] : memref<2x10000x64xf32, #tpu.memory_space<hbm>> -> memref<1x10000x64xf32, #tpu.memory_space<hbm>>
        %dma_wait3A_178 = tpu.memref_squeeze %dma_wait3A_177 : memref<1x10000x64xf32, #tpu.memory_space<hbm>> -> memref<10000x64xf32, #tpu.memory_space<hbm>>
        %dma_wait3A_179 = arith.constant 0 : i32
        %dma_wait3A_180 = tpu.memref_slice %dma_wait3A_178[%mul3A_168, %dma_wait3A_179] : memref<10000x64xf32, #tpu.memory_space<hbm>> -> memref<640x64xf32, #tpu.memory_space<hbm>>
        %dma_wait3A_181 = arith.constant 0 : i32
        %dma_wait3A_182 = tpu.memref_slice %arg18[%mul3A_166, %dma_wait3A_181] : memref<10000x64xf32, #tpu.memory_space<vmem_shared>> -> memref<640x64xf32, #tpu.memory_space<vmem_shared>>
        tpu.wait_dma2 semaphore(%run_scoped3A : memref<!tpu.dma_semaphore, #tpu.memory_space<semaphore_mem>>) src(%dma_wait3A_182 : memref<640x64xf32, #tpu.memory_space<vmem_shared>>) dst(%dma_wait3A_180 : memref<640x64xf32, #tpu.memory_space<hbm>>)
        tpu.yield
      }) : () -> ()
    } else {
    }
    %eq3A_47 = arith.constant 15 : i32
    %eq3A_48 = arith.cmpi eq, %arg1, %eq3A_47 : i32
    %convert_element_type3A_49 = arith.extui %eq3A_48 : i1 to i32
    %cond3A_50 = arith.constant 0 : i32
    %cond3A_51 = arith.cmpi ne, %convert_element_type3A_49, %cond3A_50 : i32
    scf.if %cond3A_51 {
      %mul3A_165 = arith.constant 640 : i32
      %mul3A_166 = arith.muli %arg1, %mul3A_165 : i32
      %mul3A_167 = arith.constant 640 : i32
      %mul3A_168 = arith.muli %arg1, %mul3A_167 : i32
      "tpu.region"() ({
        %run_scoped3A = tpu.sem_alloc : memref<!tpu.dma_semaphore, #tpu.memory_space<semaphore_mem>>
        %dma_start3A = arith.constant 0 : i32
        %dma_start3A_169 = arith.constant 0 : i32
        %dma_start3A_170 = tpu.memref_slice %arg11[%arg0, %dma_start3A, %dma_start3A_169] : memref<2x10000x64xf32, #tpu.memory_space<hbm>> -> memref<1x10000x64xf32, #tpu.memory_space<hbm>>
        %dma_start3A_171 = tpu.memref_squeeze %dma_start3A_170 : memref<1x10000x64xf32, #tpu.memory_space<hbm>> -> memref<10000x64xf32, #tpu.memory_space<hbm>>
        %dma_start3A_172 = arith.constant 0 : i32
        %dma_start3A_173 = tpu.memref_slice %dma_start3A_171[%mul3A_168, %dma_start3A_172] : memref<10000x64xf32, #tpu.memory_space<hbm>> -> memref<400x64xf32, #tpu.memory_space<hbm>>
        %dma_start3A_174 = arith.constant 0 : i32
        %dma_start3A_175 = tpu.memref_slice %arg18[%mul3A_166, %dma_start3A_174] : memref<10000x64xf32, #tpu.memory_space<vmem_shared>> -> memref<400x64xf32, #tpu.memory_space<vmem_shared>>
        tpu.enqueue_dma source(%dma_start3A_175 : memref<400x64xf32, #tpu.memory_space<vmem_shared>>) target(%dma_start3A_173 : memref<400x64xf32, #tpu.memory_space<hbm>>) target_semaphore(%run_scoped3A : memref<!tpu.dma_semaphore, #tpu.memory_space<semaphore_mem>>)
        %dma_wait3A = arith.constant 0 : i32
        %dma_wait3A_176 = arith.constant 0 : i32
        %dma_wait3A_177 = tpu.memref_slice %arg11[%arg0, %dma_wait3A, %dma_wait3A_176] : memref<2x10000x64xf32, #tpu.memory_space<hbm>> -> memref<1x10000x64xf32, #tpu.memory_space<hbm>>
        %dma_wait3A_178 = tpu.memref_squeeze %dma_wait3A_177 : memref<1x10000x64xf32, #tpu.memory_space<hbm>> -> memref<10000x64xf32, #tpu.memory_space<hbm>>
        %dma_wait3A_179 = arith.constant 0 : i32
        %dma_wait3A_180 = tpu.memref_slice %dma_wait3A_178[%mul3A_168, %dma_wait3A_179] : memref<10000x64xf32, #tpu.memory_space<hbm>> -> memref<400x64xf32, #tpu.memory_space<hbm>>
        %dma_wait3A_181 = arith.constant 0 : i32
        %dma_wait3A_182 = tpu.memref_slice %arg18[%mul3A_166, %dma_wait3A_181] : memref<10000x64xf32, #tpu.memory_space<vmem_shared>> -> memref<400x64xf32, #tpu.memory_space<vmem_shared>>
        tpu.wait_dma2 semaphore(%run_scoped3A : memref<!tpu.dma_semaphore, #tpu.memory_space<semaphore_mem>>) src(%dma_wait3A_182 : memref<400x64xf32, #tpu.memory_space<vmem_shared>>) dst(%dma_wait3A_180 : memref<400x64xf32, #tpu.memory_space<hbm>>)
        tpu.yield
      }) : () -> ()
    } else {
    }
    %barrier3A_52 = arith.constant 0 : index
    tpu.barrier barrier_id(%barrier3A_52)
    %lt3A_53 = arith.constant 15 : i32
    %lt3A_54 = arith.cmpi slt, %arg1, %lt3A_53 : i32
    %convert_element_type3A_55 = arith.extui %lt3A_54 : i1 to i32
    %cond3A_56 = arith.constant 0 : i32
    %cond3A_57 = arith.cmpi ne, %convert_element_type3A_55, %cond3A_56 : i32
    scf.if %cond3A_57 {
      %mul3A_165 = arith.constant 640 : i32
      %mul3A_166 = arith.muli %arg1, %mul3A_165 : i32
      "tpu.region"() ({
        %run_scoped3A = tpu.sem_alloc : memref<!tpu.dma_semaphore, #tpu.memory_space<semaphore_mem>>
        %dma_start3A = arith.constant 0 : i32
        %dma_start3A_167 = tpu.memref_slice %arg18[%mul3A_166, %dma_start3A] : memref<10000x64xf32, #tpu.memory_space<vmem_shared>> -> memref<640x64xf32, #tpu.memory_space<vmem_shared>>
        tpu.enqueue_dma source(%arg9 : memref<640x64xf32, #tpu.memory_space<hbm>>) target(%dma_start3A_167 : memref<640x64xf32, #tpu.memory_space<vmem_shared>>) target_semaphore(%run_scoped3A : memref<!tpu.dma_semaphore, #tpu.memory_space<semaphore_mem>>)
        %dma_wait3A = arith.constant 0 : i32
        %dma_wait3A_168 = tpu.memref_slice %arg18[%mul3A_166, %dma_wait3A] : memref<10000x64xf32, #tpu.memory_space<vmem_shared>> -> memref<640x64xf32, #tpu.memory_space<vmem_shared>>
        tpu.wait_dma2 semaphore(%run_scoped3A : memref<!tpu.dma_semaphore, #tpu.memory_space<semaphore_mem>>) src(%arg9 : memref<640x64xf32, #tpu.memory_space<hbm>>) dst(%dma_wait3A_168 : memref<640x64xf32, #tpu.memory_space<vmem_shared>>)
        tpu.yield
      }) : () -> ()
    } else {
    }
    %eq3A_58 = arith.constant 15 : i32
    %eq3A_59 = arith.cmpi eq, %arg1, %eq3A_58 : i32
    %convert_element_type3A_60 = arith.extui %eq3A_59 : i1 to i32
    %cond3A_61 = arith.constant 0 : i32
    %cond3A_62 = arith.cmpi ne, %convert_element_type3A_60, %cond3A_61 : i32
    scf.if %cond3A_62 {
      %mul3A_165 = arith.constant 640 : i32
      %mul3A_166 = arith.muli %arg1, %mul3A_165 : i32
      "tpu.region"() ({
        %run_scoped3A = tpu.sem_alloc : memref<!tpu.dma_semaphore, #tpu.memory_space<semaphore_mem>>
        %dma_start3A = arith.constant 0 : i32
        %dma_start3A_167 = tpu.memref_slice %arg18[%mul3A_166, %dma_start3A] : memref<10000x64xf32, #tpu.memory_space<vmem_shared>> -> memref<400x64xf32, #tpu.memory_space<vmem_shared>>
        %dma_start3A_168 = arith.constant 0 : i32
        %dma_start3A_169 = arith.constant 0 : i32
        %dma_start3A_170 = tpu.memref_slice %arg9[%dma_start3A_168, %dma_start3A_169] : memref<640x64xf32, #tpu.memory_space<hbm>> -> memref<400x64xf32, #tpu.memory_space<hbm>>
        tpu.enqueue_dma source(%dma_start3A_170 : memref<400x64xf32, #tpu.memory_space<hbm>>) target(%dma_start3A_167 : memref<400x64xf32, #tpu.memory_space<vmem_shared>>) target_semaphore(%run_scoped3A : memref<!tpu.dma_semaphore, #tpu.memory_space<semaphore_mem>>)
        %dma_wait3A = arith.constant 0 : i32
        %dma_wait3A_171 = tpu.memref_slice %arg18[%mul3A_166, %dma_wait3A] : memref<10000x64xf32, #tpu.memory_space<vmem_shared>> -> memref<400x64xf32, #tpu.memory_space<vmem_shared>>
        %dma_wait3A_172 = arith.constant 0 : i32
        %dma_wait3A_173 = arith.constant 0 : i32
        %dma_wait3A_174 = tpu.memref_slice %arg9[%dma_wait3A_172, %dma_wait3A_173] : memref<640x64xf32, #tpu.memory_space<hbm>> -> memref<400x64xf32, #tpu.memory_space<hbm>>
        tpu.wait_dma2 semaphore(%run_scoped3A : memref<!tpu.dma_semaphore, #tpu.memory_space<semaphore_mem>>) src(%dma_wait3A_174 : memref<400x64xf32, #tpu.memory_space<hbm>>) dst(%dma_wait3A_171 : memref<400x64xf32, #tpu.memory_space<vmem_shared>>)
        tpu.yield
      }) : () -> ()
    } else {
    }
    %barrier3A_63 = arith.constant 0 : index
    tpu.barrier barrier_id(%barrier3A_63)
    %scan3A_64 = arith.constant 0 : i32
    %scan3A_65 = arith.constant 128 : i32
    %scan3A_66 = arith.addi %scan3A_64, %scan3A_65 : i32
    %scan3A_67 = arith.constant 1 : i32
    scf.for %scan3A_165 = %scan3A_64 to %scan3A_66 step %scan3A_67  : i32 {
      %mul3A_166 = arith.constant 1 : i32
      %mul3A_167 = arith.muli %scan3A_165, %mul3A_166 : i32
      %add3A_168 = arith.constant 0 : i32
      %add3A_169 = arith.addi %add3A_168, %mul3A_167 : i32
      %mul3A_170 = arith.constant 128 : i32
      %mul3A_171 = arith.muli %add3A, %mul3A_170 : i32
      %add3A_172 = arith.addi %mul3A_171, %add3A_169 : i32
      %mul3A_173 = arith.constant 80 : i32
      %mul3A_174 = arith.muli %add3A_172, %mul3A_173 : i32
      "tpu.region"() ({
        %run_scoped3A = tpu.sem_alloc : memref<!tpu.dma_semaphore, #tpu.memory_space<semaphore_mem>>
        %dma_start3A = arith.constant 0 : i32
        %dma_start3A_175 = tpu.memref_slice %arg5[%mul3A_174, %dma_start3A] : memref<327680x64xf32, #tpu.memory_space<hbm>> -> memref<80x64xf32, #tpu.memory_space<hbm>>
        %dma_start3A_176 = arith.constant 0 : i32
        %dma_start3A_177 = tpu.memref_slice %arg5[%mul3A_174, %dma_start3A_176] : memref<327680x64xf32, #tpu.memory_space<hbm>> -> memref<80x64xf32, #tpu.memory_space<hbm>>
        tpu.enqueue_dma source(%dma_start3A_177 : memref<80x64xf32, #tpu.memory_space<hbm>>) target(%arg17 : memref<80x64xf32, #tpu.memory_space<vmem>>) target_semaphore(%run_scoped3A : memref<!tpu.dma_semaphore, #tpu.memory_space<semaphore_mem>>)
        %dma_wait3A = arith.constant 0 : i32
        %dma_wait3A_178 = tpu.memref_slice %arg5[%mul3A_174, %dma_wait3A] : memref<327680x64xf32, #tpu.memory_space<hbm>> -> memref<80x64xf32, #tpu.memory_space<hbm>>
        %dma_wait3A_179 = arith.constant 0 : i32
        %dma_wait3A_180 = tpu.memref_slice %arg5[%mul3A_174, %dma_wait3A_179] : memref<327680x64xf32, #tpu.memory_space<hbm>> -> memref<80x64xf32, #tpu.memory_space<hbm>>
        tpu.wait_dma2 semaphore(%run_scoped3A : memref<!tpu.dma_semaphore, #tpu.memory_space<semaphore_mem>>) src(%dma_wait3A_180 : memref<80x64xf32, #tpu.memory_space<hbm>>) dst(%arg17 : memref<80x64xf32, #tpu.memory_space<vmem>>)
        tpu.yield
      }) : () -> ()
      "tpu.region"() ({
        %run_scoped3A = tpu.sem_alloc : memref<!tpu.dma_semaphore, #tpu.memory_space<semaphore_mem>>
        %dma_start3A = arith.constant 0 : i32
        %dma_start3A_175 = tpu.memref_slice %arg16[%add3A_169, %dma_start3A] : memref<128x80xi32, #tpu.memory_space<vmem>> -> memref<1x80xi32, #tpu.memory_space<vmem>>
        %dma_start3A_176 = tpu.memref_squeeze %dma_start3A_175 : memref<1x80xi32, #tpu.memory_space<vmem>> -> memref<80xi32, #tpu.memory_space<vmem>>
        %dma_start3A_177 = arith.constant 0 : i32
        %dma_start3A_178 = arith.constant 0 : i32
        %dma_start3A_179 = tpu.memref_slice %arg18[%dma_start3A_177, %dma_start3A_178] : memref<10000x64xf32, #tpu.memory_space<vmem_shared>> -> memref<10000x64xf32, #tpu.memory_space<vmem_shared>>
        tpu.enqueue_indirect_dma source(%arg17 : memref<80x64xf32, #tpu.memory_space<vmem>>) target(%dma_start3A_179 : memref<10000x64xf32, #tpu.memory_space<vmem_shared>>) offsets(%dma_start3A_176 : memref<80xi32, #tpu.memory_space<vmem>>) semaphore(%run_scoped3A : memref<!tpu.dma_semaphore, #tpu.memory_space<semaphore_mem>>) {add = true}
        %dma_wait3A = arith.constant 0 : i32
        %dma_wait3A_180 = tpu.memref_slice %arg16[%add3A_169, %dma_wait3A] : memref<128x80xi32, #tpu.memory_space<vmem>> -> memref<1x80xi32, #tpu.memory_space<vmem>>
        %dma_wait3A_181 = tpu.memref_squeeze %dma_wait3A_180 : memref<1x80xi32, #tpu.memory_space<vmem>> -> memref<80xi32, #tpu.memory_space<vmem>>
        %dma_wait3A_182 = arith.constant 0 : i32
        %dma_wait3A_183 = arith.constant 0 : i32
        %dma_wait3A_184 = tpu.memref_slice %arg18[%dma_wait3A_182, %dma_wait3A_183] : memref<10000x64xf32, #tpu.memory_space<vmem_shared>> -> memref<10000x64xf32, #tpu.memory_space<vmem_shared>>
        tpu.wait_indirect_dma semaphore(%run_scoped3A : memref<!tpu.dma_semaphore, #tpu.memory_space<semaphore_mem>>) src(%arg17 : memref<80x64xf32, #tpu.memory_space<vmem>>) dst(%dma_wait3A_184 : memref<10000x64xf32, #tpu.memory_space<vmem_shared>>)
        tpu.yield
      }) : () -> ()
    }
    %scan3A_68 = arith.constant 128 : i32
    %barrier3A_69 = arith.constant 0 : index
    tpu.barrier barrier_id(%barrier3A_69)
    %lt3A_70 = arith.constant 15 : i32
    %lt3A_71 = arith.cmpi slt, %arg1, %lt3A_70 : i32
    %convert_element_type3A_72 = arith.extui %lt3A_71 : i1 to i32
    %cond3A_73 = arith.constant 0 : i32
    %cond3A_74 = arith.cmpi ne, %convert_element_type3A_72, %cond3A_73 : i32
    scf.if %cond3A_74 {
      %mul3A_165 = arith.constant 640 : i32
      %mul3A_166 = arith.muli %arg1, %mul3A_165 : i32
      %mul3A_167 = arith.constant 640 : i32
      %mul3A_168 = arith.muli %arg1, %mul3A_167 : i32
      "tpu.region"() ({
        %run_scoped3A = tpu.sem_alloc : memref<!tpu.dma_semaphore, #tpu.memory_space<semaphore_mem>>
        %dma_start3A = arith.constant 0 : i32
        %dma_start3A_169 = arith.constant 0 : i32
        %dma_start3A_170 = tpu.memref_slice %arg12[%arg0, %dma_start3A, %dma_start3A_169] : memref<2x10000x64xf32, #tpu.memory_space<hbm>> -> memref<1x10000x64xf32, #tpu.memory_space<hbm>>
        %dma_start3A_171 = tpu.memref_squeeze %dma_start3A_170 : memref<1x10000x64xf32, #tpu.memory_space<hbm>> -> memref<10000x64xf32, #tpu.memory_space<hbm>>
        %dma_start3A_172 = arith.constant 0 : i32
        %dma_start3A_173 = tpu.memref_slice %dma_start3A_171[%mul3A_168, %dma_start3A_172] : memref<10000x64xf32, #tpu.memory_space<hbm>> -> memref<640x64xf32, #tpu.memory_space<hbm>>
        %dma_start3A_174 = arith.constant 0 : i32
        %dma_start3A_175 = tpu.memref_slice %arg18[%mul3A_166, %dma_start3A_174] : memref<10000x64xf32, #tpu.memory_space<vmem_shared>> -> memref<640x64xf32, #tpu.memory_space<vmem_shared>>
        tpu.enqueue_dma source(%dma_start3A_175 : memref<640x64xf32, #tpu.memory_space<vmem_shared>>) target(%dma_start3A_173 : memref<640x64xf32, #tpu.memory_space<hbm>>) target_semaphore(%run_scoped3A : memref<!tpu.dma_semaphore, #tpu.memory_space<semaphore_mem>>)
        %dma_wait3A = arith.constant 0 : i32
        %dma_wait3A_176 = arith.constant 0 : i32
        %dma_wait3A_177 = tpu.memref_slice %arg12[%arg0, %dma_wait3A, %dma_wait3A_176] : memref<2x10000x64xf32, #tpu.memory_space<hbm>> -> memref<1x10000x64xf32, #tpu.memory_space<hbm>>
        %dma_wait3A_178 = tpu.memref_squeeze %dma_wait3A_177 : memref<1x10000x64xf32, #tpu.memory_space<hbm>> -> memref<10000x64xf32, #tpu.memory_space<hbm>>
        %dma_wait3A_179 = arith.constant 0 : i32
        %dma_wait3A_180 = tpu.memref_slice %dma_wait3A_178[%mul3A_168, %dma_wait3A_179] : memref<10000x64xf32, #tpu.memory_space<hbm>> -> memref<640x64xf32, #tpu.memory_space<hbm>>
        %dma_wait3A_181 = arith.constant 0 : i32
        %dma_wait3A_182 = tpu.memref_slice %arg18[%mul3A_166, %dma_wait3A_181] : memref<10000x64xf32, #tpu.memory_space<vmem_shared>> -> memref<640x64xf32, #tpu.memory_space<vmem_shared>>
        tpu.wait_dma2 semaphore(%run_scoped3A : memref<!tpu.dma_semaphore, #tpu.memory_space<semaphore_mem>>) src(%dma_wait3A_182 : memref<640x64xf32, #tpu.memory_space<vmem_shared>>) dst(%dma_wait3A_180 : memref<640x64xf32, #tpu.memory_space<hbm>>)
        tpu.yield
      }) : () -> ()
    } else {
    }
    %eq3A_75 = arith.constant 15 : i32
    %eq3A_76 = arith.cmpi eq, %arg1, %eq3A_75 : i32
    %convert_element_type3A_77 = arith.extui %eq3A_76 : i1 to i32
    %cond3A_78 = arith.constant 0 : i32
    %cond3A_79 = arith.cmpi ne, %convert_element_type3A_77, %cond3A_78 : i32
    scf.if %cond3A_79 {
      %mul3A_165 = arith.constant 640 : i32
      %mul3A_166 = arith.muli %arg1, %mul3A_165 : i32
      %mul3A_167 = arith.constant 640 : i32
      %mul3A_168 = arith.muli %arg1, %mul3A_167 : i32
      "tpu.region"() ({
        %run_scoped3A = tpu.sem_alloc : memref<!tpu.dma_semaphore, #tpu.memory_space<semaphore_mem>>
        %dma_start3A = arith.constant 0 : i32
        %dma_start3A_169 = arith.constant 0 : i32
        %dma_start3A_170 = tpu.memref_slice %arg12[%arg0, %dma_start3A, %dma_start3A_169] : memref<2x10000x64xf32, #tpu.memory_space<hbm>> -> memref<1x10000x64xf32, #tpu.memory_space<hbm>>
        %dma_start3A_171 = tpu.memref_squeeze %dma_start3A_170 : memref<1x10000x64xf32, #tpu.memory_space<hbm>> -> memref<10000x64xf32, #tpu.memory_space<hbm>>
        %dma_start3A_172 = arith.constant 0 : i32
        %dma_start3A_173 = tpu.memref_slice %dma_start3A_171[%mul3A_168, %dma_start3A_172] : memref<10000x64xf32, #tpu.memory_space<hbm>> -> memref<400x64xf32, #tpu.memory_space<hbm>>
        %dma_start3A_174 = arith.constant 0 : i32
        %dma_start3A_175 = tpu.memref_slice %arg18[%mul3A_166, %dma_start3A_174] : memref<10000x64xf32, #tpu.memory_space<vmem_shared>> -> memref<400x64xf32, #tpu.memory_space<vmem_shared>>
        tpu.enqueue_dma source(%dma_start3A_175 : memref<400x64xf32, #tpu.memory_space<vmem_shared>>) target(%dma_start3A_173 : memref<400x64xf32, #tpu.memory_space<hbm>>) target_semaphore(%run_scoped3A : memref<!tpu.dma_semaphore, #tpu.memory_space<semaphore_mem>>)
        %dma_wait3A = arith.constant 0 : i32
        %dma_wait3A_176 = arith.constant 0 : i32
        %dma_wait3A_177 = tpu.memref_slice %arg12[%arg0, %dma_wait3A, %dma_wait3A_176] : memref<2x10000x64xf32, #tpu.memory_space<hbm>> -> memref<1x10000x64xf32, #tpu.memory_space<hbm>>
        %dma_wait3A_178 = tpu.memref_squeeze %dma_wait3A_177 : memref<1x10000x64xf32, #tpu.memory_space<hbm>> -> memref<10000x64xf32, #tpu.memory_space<hbm>>
        %dma_wait3A_179 = arith.constant 0 : i32
        %dma_wait3A_180 = tpu.memref_slice %dma_wait3A_178[%mul3A_168, %dma_wait3A_179] : memref<10000x64xf32, #tpu.memory_space<hbm>> -> memref<400x64xf32, #tpu.memory_space<hbm>>
        %dma_wait3A_181 = arith.constant 0 : i32
        %dma_wait3A_182 = tpu.memref_slice %arg18[%mul3A_166, %dma_wait3A_181] : memref<10000x64xf32, #tpu.memory_space<vmem_shared>> -> memref<400x64xf32, #tpu.memory_space<vmem_shared>>
        tpu.wait_dma2 semaphore(%run_scoped3A : memref<!tpu.dma_semaphore, #tpu.memory_space<semaphore_mem>>) src(%dma_wait3A_182 : memref<400x64xf32, #tpu.memory_space<vmem_shared>>) dst(%dma_wait3A_180 : memref<400x64xf32, #tpu.memory_space<hbm>>)
        tpu.yield
      }) : () -> ()
    } else {
    }
    %barrier3A_80 = arith.constant 0 : index
    tpu.barrier barrier_id(%barrier3A_80)
    %lt3A_81 = arith.constant 15 : i32
    %lt3A_82 = arith.cmpi slt, %arg1, %lt3A_81 : i32
    %convert_element_type3A_83 = arith.extui %lt3A_82 : i1 to i32
    %cond3A_84 = arith.constant 0 : i32
    %cond3A_85 = arith.cmpi ne, %convert_element_type3A_83, %cond3A_84 : i32
    scf.if %cond3A_85 {
      %mul3A_165 = arith.constant 640 : i32
      %mul3A_166 = arith.muli %arg1, %mul3A_165 : i32
      "tpu.region"() ({
        %run_scoped3A = tpu.sem_alloc : memref<!tpu.dma_semaphore, #tpu.memory_space<semaphore_mem>>
        %dma_start3A = arith.constant 0 : i32
        %dma_start3A_167 = tpu.memref_slice %arg18[%mul3A_166, %dma_start3A] : memref<10000x64xf32, #tpu.memory_space<vmem_shared>> -> memref<640x64xf32, #tpu.memory_space<vmem_shared>>
        tpu.enqueue_dma source(%arg9 : memref<640x64xf32, #tpu.memory_space<hbm>>) target(%dma_start3A_167 : memref<640x64xf32, #tpu.memory_space<vmem_shared>>) target_semaphore(%run_scoped3A : memref<!tpu.dma_semaphore, #tpu.memory_space<semaphore_mem>>)
        %dma_wait3A = arith.constant 0 : i32
        %dma_wait3A_168 = tpu.memref_slice %arg18[%mul3A_166, %dma_wait3A] : memref<10000x64xf32, #tpu.memory_space<vmem_shared>> -> memref<640x64xf32, #tpu.memory_space<vmem_shared>>
        tpu.wait_dma2 semaphore(%run_scoped3A : memref<!tpu.dma_semaphore, #tpu.memory_space<semaphore_mem>>) src(%arg9 : memref<640x64xf32, #tpu.memory_space<hbm>>) dst(%dma_wait3A_168 : memref<640x64xf32, #tpu.memory_space<vmem_shared>>)
        tpu.yield
      }) : () -> ()
    } else {
    }
    %eq3A_86 = arith.constant 15 : i32
    %eq3A_87 = arith.cmpi eq, %arg1, %eq3A_86 : i32
    %convert_element_type3A_88 = arith.extui %eq3A_87 : i1 to i32
    %cond3A_89 = arith.constant 0 : i32
    %cond3A_90 = arith.cmpi ne, %convert_element_type3A_88, %cond3A_89 : i32
    scf.if %cond3A_90 {
      %mul3A_165 = arith.constant 640 : i32
      %mul3A_166 = arith.muli %arg1, %mul3A_165 : i32
      "tpu.region"() ({
        %run_scoped3A = tpu.sem_alloc : memref<!tpu.dma_semaphore, #tpu.memory_space<semaphore_mem>>
        %dma_start3A = arith.constant 0 : i32
        %dma_start3A_167 = tpu.memref_slice %arg18[%mul3A_166, %dma_start3A] : memref<10000x64xf32, #tpu.memory_space<vmem_shared>> -> memref<400x64xf32, #tpu.memory_space<vmem_shared>>
        %dma_start3A_168 = arith.constant 0 : i32
        %dma_start3A_169 = arith.constant 0 : i32
        %dma_start3A_170 = tpu.memref_slice %arg9[%dma_start3A_168, %dma_start3A_169] : memref<640x64xf32, #tpu.memory_space<hbm>> -> memref<400x64xf32, #tpu.memory_space<hbm>>
        tpu.enqueue_dma source(%dma_start3A_170 : memref<400x64xf32, #tpu.memory_space<hbm>>) target(%dma_start3A_167 : memref<400x64xf32, #tpu.memory_space<vmem_shared>>) target_semaphore(%run_scoped3A : memref<!tpu.dma_semaphore, #tpu.memory_space<semaphore_mem>>)
        %dma_wait3A = arith.constant 0 : i32
        %dma_wait3A_171 = tpu.memref_slice %arg18[%mul3A_166, %dma_wait3A] : memref<10000x64xf32, #tpu.memory_space<vmem_shared>> -> memref<400x64xf32, #tpu.memory_space<vmem_shared>>
        %dma_wait3A_172 = arith.constant 0 : i32
        %dma_wait3A_173 = arith.constant 0 : i32
        %dma_wait3A_174 = tpu.memref_slice %arg9[%dma_wait3A_172, %dma_wait3A_173] : memref<640x64xf32, #tpu.memory_space<hbm>> -> memref<400x64xf32, #tpu.memory_space<hbm>>
        tpu.wait_dma2 semaphore(%run_scoped3A : memref<!tpu.dma_semaphore, #tpu.memory_space<semaphore_mem>>) src(%dma_wait3A_174 : memref<400x64xf32, #tpu.memory_space<hbm>>) dst(%dma_wait3A_171 : memref<400x64xf32, #tpu.memory_space<vmem_shared>>)
        tpu.yield
      }) : () -> ()
    } else {
    }
    %barrier3A_91 = arith.constant 0 : index
    tpu.barrier barrier_id(%barrier3A_91)
    %scan3A_92 = arith.constant 0 : i32
    %scan3A_93 = arith.constant 128 : i32
    %scan3A_94 = arith.addi %scan3A_92, %scan3A_93 : i32
    %scan3A_95 = arith.constant 1 : i32
    scf.for %scan3A_165 = %scan3A_92 to %scan3A_94 step %scan3A_95  : i32 {
      %mul3A_166 = arith.constant 1 : i32
      %mul3A_167 = arith.muli %scan3A_165, %mul3A_166 : i32
      %add3A_168 = arith.constant 0 : i32
      %add3A_169 = arith.addi %add3A_168, %mul3A_167 : i32
      %mul3A_170 = arith.constant 128 : i32
      %mul3A_171 = arith.muli %add3A, %mul3A_170 : i32
      %add3A_172 = arith.addi %mul3A_171, %add3A_169 : i32
      %mul3A_173 = arith.constant 80 : i32
      %mul3A_174 = arith.muli %add3A_172, %mul3A_173 : i32
      "tpu.region"() ({
        %run_scoped3A = tpu.sem_alloc : memref<!tpu.dma_semaphore, #tpu.memory_space<semaphore_mem>>
        %dma_start3A = arith.constant 0 : i32
        %dma_start3A_175 = tpu.memref_slice %arg6[%mul3A_174, %dma_start3A] : memref<327680x64xf32, #tpu.memory_space<hbm>> -> memref<80x64xf32, #tpu.memory_space<hbm>>
        %dma_start3A_176 = arith.constant 0 : i32
        %dma_start3A_177 = tpu.memref_slice %arg6[%mul3A_174, %dma_start3A_176] : memref<327680x64xf32, #tpu.memory_space<hbm>> -> memref<80x64xf32, #tpu.memory_space<hbm>>
        tpu.enqueue_dma source(%dma_start3A_177 : memref<80x64xf32, #tpu.memory_space<hbm>>) target(%arg17 : memref<80x64xf32, #tpu.memory_space<vmem>>) target_semaphore(%run_scoped3A : memref<!tpu.dma_semaphore, #tpu.memory_space<semaphore_mem>>)
        %dma_wait3A = arith.constant 0 : i32
        %dma_wait3A_178 = tpu.memref_slice %arg6[%mul3A_174, %dma_wait3A] : memref<327680x64xf32, #tpu.memory_space<hbm>> -> memref<80x64xf32, #tpu.memory_space<hbm>>
        %dma_wait3A_179 = arith.constant 0 : i32
        %dma_wait3A_180 = tpu.memref_slice %arg6[%mul3A_174, %dma_wait3A_179] : memref<327680x64xf32, #tpu.memory_space<hbm>> -> memref<80x64xf32, #tpu.memory_space<hbm>>
        tpu.wait_dma2 semaphore(%run_scoped3A : memref<!tpu.dma_semaphore, #tpu.memory_space<semaphore_mem>>) src(%dma_wait3A_180 : memref<80x64xf32, #tpu.memory_space<hbm>>) dst(%arg17 : memref<80x64xf32, #tpu.memory_space<vmem>>)
        tpu.yield
      }) : () -> ()
      "tpu.region"() ({
        %run_scoped3A = tpu.sem_alloc : memref<!tpu.dma_semaphore, #tpu.memory_space<semaphore_mem>>
        %dma_start3A = arith.constant 0 : i32
        %dma_start3A_175 = tpu.memref_slice %arg16[%add3A_169, %dma_start3A] : memref<128x80xi32, #tpu.memory_space<vmem>> -> memref<1x80xi32, #tpu.memory_space<vmem>>
        %dma_start3A_176 = tpu.memref_squeeze %dma_start3A_175 : memref<1x80xi32, #tpu.memory_space<vmem>> -> memref<80xi32, #tpu.memory_space<vmem>>
        %dma_start3A_177 = arith.constant 0 : i32
        %dma_start3A_178 = arith.constant 0 : i32
        %dma_start3A_179 = tpu.memref_slice %arg18[%dma_start3A_177, %dma_start3A_178] : memref<10000x64xf32, #tpu.memory_space<vmem_shared>> -> memref<10000x64xf32, #tpu.memory_space<vmem_shared>>
        tpu.enqueue_indirect_dma source(%arg17 : memref<80x64xf32, #tpu.memory_space<vmem>>) target(%dma_start3A_179 : memref<10000x64xf32, #tpu.memory_space<vmem_shared>>) offsets(%dma_start3A_176 : memref<80xi32, #tpu.memory_space<vmem>>) semaphore(%run_scoped3A : memref<!tpu.dma_semaphore, #tpu.memory_space<semaphore_mem>>) {add = true}
        %dma_wait3A = arith.constant 0 : i32
        %dma_wait3A_180 = tpu.memref_slice %arg16[%add3A_169, %dma_wait3A] : memref<128x80xi32, #tpu.memory_space<vmem>> -> memref<1x80xi32, #tpu.memory_space<vmem>>
        %dma_wait3A_181 = tpu.memref_squeeze %dma_wait3A_180 : memref<1x80xi32, #tpu.memory_space<vmem>> -> memref<80xi32, #tpu.memory_space<vmem>>
        %dma_wait3A_182 = arith.constant 0 : i32
        %dma_wait3A_183 = arith.constant 0 : i32
        %dma_wait3A_184 = tpu.memref_slice %arg18[%dma_wait3A_182, %dma_wait3A_183] : memref<10000x64xf32, #tpu.memory_space<vmem_shared>> -> memref<10000x64xf32, #tpu.memory_space<vmem_shared>>
        tpu.wait_indirect_dma semaphore(%run_scoped3A : memref<!tpu.dma_semaphore, #tpu.memory_space<semaphore_mem>>) src(%arg17 : memref<80x64xf32, #tpu.memory_space<vmem>>) dst(%dma_wait3A_184 : memref<10000x64xf32, #tpu.memory_space<vmem_shared>>)
        tpu.yield
      }) : () -> ()
    }
    %scan3A_96 = arith.constant 128 : i32
    %barrier3A_97 = arith.constant 0 : index
    tpu.barrier barrier_id(%barrier3A_97)
    %lt3A_98 = arith.constant 15 : i32
    %lt3A_99 = arith.cmpi slt, %arg1, %lt3A_98 : i32
    %convert_element_type3A_100 = arith.extui %lt3A_99 : i1 to i32
    %cond3A_101 = arith.constant 0 : i32
    %cond3A_102 = arith.cmpi ne, %convert_element_type3A_100, %cond3A_101 : i32
    scf.if %cond3A_102 {
      %mul3A_165 = arith.constant 640 : i32
      %mul3A_166 = arith.muli %arg1, %mul3A_165 : i32
      %mul3A_167 = arith.constant 640 : i32
      %mul3A_168 = arith.muli %arg1, %mul3A_167 : i32
      "tpu.region"() ({
        %run_scoped3A = tpu.sem_alloc : memref<!tpu.dma_semaphore, #tpu.memory_space<semaphore_mem>>
        %dma_start3A = arith.constant 0 : i32
        %dma_start3A_169 = arith.constant 0 : i32
        %dma_start3A_170 = tpu.memref_slice %arg13[%arg0, %dma_start3A, %dma_start3A_169] : memref<2x10000x64xf32, #tpu.memory_space<hbm>> -> memref<1x10000x64xf32, #tpu.memory_space<hbm>>
        %dma_start3A_171 = tpu.memref_squeeze %dma_start3A_170 : memref<1x10000x64xf32, #tpu.memory_space<hbm>> -> memref<10000x64xf32, #tpu.memory_space<hbm>>
        %dma_start3A_172 = arith.constant 0 : i32
        %dma_start3A_173 = tpu.memref_slice %dma_start3A_171[%mul3A_168, %dma_start3A_172] : memref<10000x64xf32, #tpu.memory_space<hbm>> -> memref<640x64xf32, #tpu.memory_space<hbm>>
        %dma_start3A_174 = arith.constant 0 : i32
        %dma_start3A_175 = tpu.memref_slice %arg18[%mul3A_166, %dma_start3A_174] : memref<10000x64xf32, #tpu.memory_space<vmem_shared>> -> memref<640x64xf32, #tpu.memory_space<vmem_shared>>
        tpu.enqueue_dma source(%dma_start3A_175 : memref<640x64xf32, #tpu.memory_space<vmem_shared>>) target(%dma_start3A_173 : memref<640x64xf32, #tpu.memory_space<hbm>>) target_semaphore(%run_scoped3A : memref<!tpu.dma_semaphore, #tpu.memory_space<semaphore_mem>>)
        %dma_wait3A = arith.constant 0 : i32
        %dma_wait3A_176 = arith.constant 0 : i32
        %dma_wait3A_177 = tpu.memref_slice %arg13[%arg0, %dma_wait3A, %dma_wait3A_176] : memref<2x10000x64xf32, #tpu.memory_space<hbm>> -> memref<1x10000x64xf32, #tpu.memory_space<hbm>>
        %dma_wait3A_178 = tpu.memref_squeeze %dma_wait3A_177 : memref<1x10000x64xf32, #tpu.memory_space<hbm>> -> memref<10000x64xf32, #tpu.memory_space<hbm>>
        %dma_wait3A_179 = arith.constant 0 : i32
        %dma_wait3A_180 = tpu.memref_slice %dma_wait3A_178[%mul3A_168, %dma_wait3A_179] : memref<10000x64xf32, #tpu.memory_space<hbm>> -> memref<640x64xf32, #tpu.memory_space<hbm>>
        %dma_wait3A_181 = arith.constant 0 : i32
        %dma_wait3A_182 = tpu.memref_slice %arg18[%mul3A_166, %dma_wait3A_181] : memref<10000x64xf32, #tpu.memory_space<vmem_shared>> -> memref<640x64xf32, #tpu.memory_space<vmem_shared>>
        tpu.wait_dma2 semaphore(%run_scoped3A : memref<!tpu.dma_semaphore, #tpu.memory_space<semaphore_mem>>) src(%dma_wait3A_182 : memref<640x64xf32, #tpu.memory_space<vmem_shared>>) dst(%dma_wait3A_180 : memref<640x64xf32, #tpu.memory_space<hbm>>)
        tpu.yield
      }) : () -> ()
    } else {
    }
    %eq3A_103 = arith.constant 15 : i32
    %eq3A_104 = arith.cmpi eq, %arg1, %eq3A_103 : i32
    %convert_element_type3A_105 = arith.extui %eq3A_104 : i1 to i32
    %cond3A_106 = arith.constant 0 : i32
    %cond3A_107 = arith.cmpi ne, %convert_element_type3A_105, %cond3A_106 : i32
    scf.if %cond3A_107 {
      %mul3A_165 = arith.constant 640 : i32
      %mul3A_166 = arith.muli %arg1, %mul3A_165 : i32
      %mul3A_167 = arith.constant 640 : i32
      %mul3A_168 = arith.muli %arg1, %mul3A_167 : i32
      "tpu.region"() ({
        %run_scoped3A = tpu.sem_alloc : memref<!tpu.dma_semaphore, #tpu.memory_space<semaphore_mem>>
        %dma_start3A = arith.constant 0 : i32
        %dma_start3A_169 = arith.constant 0 : i32
        %dma_start3A_170 = tpu.memref_slice %arg13[%arg0, %dma_start3A, %dma_start3A_169] : memref<2x10000x64xf32, #tpu.memory_space<hbm>> -> memref<1x10000x64xf32, #tpu.memory_space<hbm>>
        %dma_start3A_171 = tpu.memref_squeeze %dma_start3A_170 : memref<1x10000x64xf32, #tpu.memory_space<hbm>> -> memref<10000x64xf32, #tpu.memory_space<hbm>>
        %dma_start3A_172 = arith.constant 0 : i32
        %dma_start3A_173 = tpu.memref_slice %dma_start3A_171[%mul3A_168, %dma_start3A_172] : memref<10000x64xf32, #tpu.memory_space<hbm>> -> memref<400x64xf32, #tpu.memory_space<hbm>>
        %dma_start3A_174 = arith.constant 0 : i32
        %dma_start3A_175 = tpu.memref_slice %arg18[%mul3A_166, %dma_start3A_174] : memref<10000x64xf32, #tpu.memory_space<vmem_shared>> -> memref<400x64xf32, #tpu.memory_space<vmem_shared>>
        tpu.enqueue_dma source(%dma_start3A_175 : memref<400x64xf32, #tpu.memory_space<vmem_shared>>) target(%dma_start3A_173 : memref<400x64xf32, #tpu.memory_space<hbm>>) target_semaphore(%run_scoped3A : memref<!tpu.dma_semaphore, #tpu.memory_space<semaphore_mem>>)
        %dma_wait3A = arith.constant 0 : i32
        %dma_wait3A_176 = arith.constant 0 : i32
        %dma_wait3A_177 = tpu.memref_slice %arg13[%arg0, %dma_wait3A, %dma_wait3A_176] : memref<2x10000x64xf32, #tpu.memory_space<hbm>> -> memref<1x10000x64xf32, #tpu.memory_space<hbm>>
        %dma_wait3A_178 = tpu.memref_squeeze %dma_wait3A_177 : memref<1x10000x64xf32, #tpu.memory_space<hbm>> -> memref<10000x64xf32, #tpu.memory_space<hbm>>
        %dma_wait3A_179 = arith.constant 0 : i32
        %dma_wait3A_180 = tpu.memref_slice %dma_wait3A_178[%mul3A_168, %dma_wait3A_179] : memref<10000x64xf32, #tpu.memory_space<hbm>> -> memref<400x64xf32, #tpu.memory_space<hbm>>
        %dma_wait3A_181 = arith.constant 0 : i32
        %dma_wait3A_182 = tpu.memref_slice %arg18[%mul3A_166, %dma_wait3A_181] : memref<10000x64xf32, #tpu.memory_space<vmem_shared>> -> memref<400x64xf32, #tpu.memory_space<vmem_shared>>
        tpu.wait_dma2 semaphore(%run_scoped3A : memref<!tpu.dma_semaphore, #tpu.memory_space<semaphore_mem>>) src(%dma_wait3A_182 : memref<400x64xf32, #tpu.memory_space<vmem_shared>>) dst(%dma_wait3A_180 : memref<400x64xf32, #tpu.memory_space<hbm>>)
        tpu.yield
      }) : () -> ()
    } else {
    }
    %barrier3A_108 = arith.constant 0 : index
    tpu.barrier barrier_id(%barrier3A_108)
    %lt3A_109 = arith.constant 15 : i32
    %lt3A_110 = arith.cmpi slt, %arg1, %lt3A_109 : i32
    %convert_element_type3A_111 = arith.extui %lt3A_110 : i1 to i32
    %cond3A_112 = arith.constant 0 : i32
    %cond3A_113 = arith.cmpi ne, %convert_element_type3A_111, %cond3A_112 : i32
    scf.if %cond3A_113 {
      %mul3A_165 = arith.constant 640 : i32
      %mul3A_166 = arith.muli %arg1, %mul3A_165 : i32
      "tpu.region"() ({
        %run_scoped3A = tpu.sem_alloc : memref<!tpu.dma_semaphore, #tpu.memory_space<semaphore_mem>>
        %dma_start3A = arith.constant 0 : i32
        %dma_start3A_167 = tpu.memref_slice %arg18[%mul3A_166, %dma_start3A] : memref<10000x64xf32, #tpu.memory_space<vmem_shared>> -> memref<640x64xf32, #tpu.memory_space<vmem_shared>>
        tpu.enqueue_dma source(%arg9 : memref<640x64xf32, #tpu.memory_space<hbm>>) target(%dma_start3A_167 : memref<640x64xf32, #tpu.memory_space<vmem_shared>>) target_semaphore(%run_scoped3A : memref<!tpu.dma_semaphore, #tpu.memory_space<semaphore_mem>>)
        %dma_wait3A = arith.constant 0 : i32
        %dma_wait3A_168 = tpu.memref_slice %arg18[%mul3A_166, %dma_wait3A] : memref<10000x64xf32, #tpu.memory_space<vmem_shared>> -> memref<640x64xf32, #tpu.memory_space<vmem_shared>>
        tpu.wait_dma2 semaphore(%run_scoped3A : memref<!tpu.dma_semaphore, #tpu.memory_space<semaphore_mem>>) src(%arg9 : memref<640x64xf32, #tpu.memory_space<hbm>>) dst(%dma_wait3A_168 : memref<640x64xf32, #tpu.memory_space<vmem_shared>>)
        tpu.yield
      }) : () -> ()
    } else {
    }
    %eq3A_114 = arith.constant 15 : i32
    %eq3A_115 = arith.cmpi eq, %arg1, %eq3A_114 : i32
    %convert_element_type3A_116 = arith.extui %eq3A_115 : i1 to i32
    %cond3A_117 = arith.constant 0 : i32
    %cond3A_118 = arith.cmpi ne, %convert_element_type3A_116, %cond3A_117 : i32
    scf.if %cond3A_118 {
      %mul3A_165 = arith.constant 640 : i32
      %mul3A_166 = arith.muli %arg1, %mul3A_165 : i32
      "tpu.region"() ({
        %run_scoped3A = tpu.sem_alloc : memref<!tpu.dma_semaphore, #tpu.memory_space<semaphore_mem>>
        %dma_start3A = arith.constant 0 : i32
        %dma_start3A_167 = tpu.memref_slice %arg18[%mul3A_166, %dma_start3A] : memref<10000x64xf32, #tpu.memory_space<vmem_shared>> -> memref<400x64xf32, #tpu.memory_space<vmem_shared>>
        %dma_start3A_168 = arith.constant 0 : i32
        %dma_start3A_169 = arith.constant 0 : i32
        %dma_start3A_170 = tpu.memref_slice %arg9[%dma_start3A_168, %dma_start3A_169] : memref<640x64xf32, #tpu.memory_space<hbm>> -> memref<400x64xf32, #tpu.memory_space<hbm>>
        tpu.enqueue_dma source(%dma_start3A_170 : memref<400x64xf32, #tpu.memory_space<hbm>>) target(%dma_start3A_167 : memref<400x64xf32, #tpu.memory_space<vmem_shared>>) target_semaphore(%run_scoped3A : memref<!tpu.dma_semaphore, #tpu.memory_space<semaphore_mem>>)
        %dma_wait3A = arith.constant 0 : i32
        %dma_wait3A_171 = tpu.memref_slice %arg18[%mul3A_166, %dma_wait3A] : memref<10000x64xf32, #tpu.memory_space<vmem_shared>> -> memref<400x64xf32, #tpu.memory_space<vmem_shared>>
        %dma_wait3A_172 = arith.constant 0 : i32
        %dma_wait3A_173 = arith.constant 0 : i32
        %dma_wait3A_174 = tpu.memref_slice %arg9[%dma_wait3A_172, %dma_wait3A_173] : memref<640x64xf32, #tpu.memory_space<hbm>> -> memref<400x64xf32, #tpu.memory_space<hbm>>
        tpu.wait_dma2 semaphore(%run_scoped3A : memref<!tpu.dma_semaphore, #tpu.memory_space<semaphore_mem>>) src(%dma_wait3A_174 : memref<400x64xf32, #tpu.memory_space<hbm>>) dst(%dma_wait3A_171 : memref<400x64xf32, #tpu.memory_space<vmem_shared>>)
        tpu.yield
      }) : () -> ()
    } else {
    }
    %barrier3A_119 = arith.constant 0 : index
    tpu.barrier barrier_id(%barrier3A_119)
    %scan3A_120 = arith.constant 0 : i32
    %scan3A_121 = arith.constant 128 : i32
    %scan3A_122 = arith.addi %scan3A_120, %scan3A_121 : i32
    %scan3A_123 = arith.constant 1 : i32
    scf.for %scan3A_165 = %scan3A_120 to %scan3A_122 step %scan3A_123  : i32 {
      %mul3A_166 = arith.constant 1 : i32
      %mul3A_167 = arith.muli %scan3A_165, %mul3A_166 : i32
      %add3A_168 = arith.constant 0 : i32
      %add3A_169 = arith.addi %add3A_168, %mul3A_167 : i32
      %mul3A_170 = arith.constant 128 : i32
      %mul3A_171 = arith.muli %add3A, %mul3A_170 : i32
      %add3A_172 = arith.addi %mul3A_171, %add3A_169 : i32
      %mul3A_173 = arith.constant 80 : i32
      %mul3A_174 = arith.muli %add3A_172, %mul3A_173 : i32
      "tpu.region"() ({
        %run_scoped3A = tpu.sem_alloc : memref<!tpu.dma_semaphore, #tpu.memory_space<semaphore_mem>>
        %dma_start3A = arith.constant 0 : i32
        %dma_start3A_175 = tpu.memref_slice %arg7[%mul3A_174, %dma_start3A] : memref<327680x64xf32, #tpu.memory_space<hbm>> -> memref<80x64xf32, #tpu.memory_space<hbm>>
        %dma_start3A_176 = arith.constant 0 : i32
        %dma_start3A_177 = tpu.memref_slice %arg7[%mul3A_174, %dma_start3A_176] : memref<327680x64xf32, #tpu.memory_space<hbm>> -> memref<80x64xf32, #tpu.memory_space<hbm>>
        tpu.enqueue_dma source(%dma_start3A_177 : memref<80x64xf32, #tpu.memory_space<hbm>>) target(%arg17 : memref<80x64xf32, #tpu.memory_space<vmem>>) target_semaphore(%run_scoped3A : memref<!tpu.dma_semaphore, #tpu.memory_space<semaphore_mem>>)
        %dma_wait3A = arith.constant 0 : i32
        %dma_wait3A_178 = tpu.memref_slice %arg7[%mul3A_174, %dma_wait3A] : memref<327680x64xf32, #tpu.memory_space<hbm>> -> memref<80x64xf32, #tpu.memory_space<hbm>>
        %dma_wait3A_179 = arith.constant 0 : i32
        %dma_wait3A_180 = tpu.memref_slice %arg7[%mul3A_174, %dma_wait3A_179] : memref<327680x64xf32, #tpu.memory_space<hbm>> -> memref<80x64xf32, #tpu.memory_space<hbm>>
        tpu.wait_dma2 semaphore(%run_scoped3A : memref<!tpu.dma_semaphore, #tpu.memory_space<semaphore_mem>>) src(%dma_wait3A_180 : memref<80x64xf32, #tpu.memory_space<hbm>>) dst(%arg17 : memref<80x64xf32, #tpu.memory_space<vmem>>)
        tpu.yield
      }) : () -> ()
      "tpu.region"() ({
        %run_scoped3A = tpu.sem_alloc : memref<!tpu.dma_semaphore, #tpu.memory_space<semaphore_mem>>
        %dma_start3A = arith.constant 0 : i32
        %dma_start3A_175 = tpu.memref_slice %arg16[%add3A_169, %dma_start3A] : memref<128x80xi32, #tpu.memory_space<vmem>> -> memref<1x80xi32, #tpu.memory_space<vmem>>
        %dma_start3A_176 = tpu.memref_squeeze %dma_start3A_175 : memref<1x80xi32, #tpu.memory_space<vmem>> -> memref<80xi32, #tpu.memory_space<vmem>>
        %dma_start3A_177 = arith.constant 0 : i32
        %dma_start3A_178 = arith.constant 0 : i32
        %dma_start3A_179 = tpu.memref_slice %arg18[%dma_start3A_177, %dma_start3A_178] : memref<10000x64xf32, #tpu.memory_space<vmem_shared>> -> memref<10000x64xf32, #tpu.memory_space<vmem_shared>>
        tpu.enqueue_indirect_dma source(%arg17 : memref<80x64xf32, #tpu.memory_space<vmem>>) target(%dma_start3A_179 : memref<10000x64xf32, #tpu.memory_space<vmem_shared>>) offsets(%dma_start3A_176 : memref<80xi32, #tpu.memory_space<vmem>>) semaphore(%run_scoped3A : memref<!tpu.dma_semaphore, #tpu.memory_space<semaphore_mem>>) {add = true}
        %dma_wait3A = arith.constant 0 : i32
        %dma_wait3A_180 = tpu.memref_slice %arg16[%add3A_169, %dma_wait3A] : memref<128x80xi32, #tpu.memory_space<vmem>> -> memref<1x80xi32, #tpu.memory_space<vmem>>
        %dma_wait3A_181 = tpu.memref_squeeze %dma_wait3A_180 : memref<1x80xi32, #tpu.memory_space<vmem>> -> memref<80xi32, #tpu.memory_space<vmem>>
        %dma_wait3A_182 = arith.constant 0 : i32
        %dma_wait3A_183 = arith.constant 0 : i32
        %dma_wait3A_184 = tpu.memref_slice %arg18[%dma_wait3A_182, %dma_wait3A_183] : memref<10000x64xf32, #tpu.memory_space<vmem_shared>> -> memref<10000x64xf32, #tpu.memory_space<vmem_shared>>
        tpu.wait_indirect_dma semaphore(%run_scoped3A : memref<!tpu.dma_semaphore, #tpu.memory_space<semaphore_mem>>) src(%arg17 : memref<80x64xf32, #tpu.memory_space<vmem>>) dst(%dma_wait3A_184 : memref<10000x64xf32, #tpu.memory_space<vmem_shared>>)
        tpu.yield
      }) : () -> ()
    }
    %scan3A_124 = arith.constant 128 : i32
    %barrier3A_125 = arith.constant 0 : index
    tpu.barrier barrier_id(%barrier3A_125)
    %lt3A_126 = arith.constant 15 : i32
    %lt3A_127 = arith.cmpi slt, %arg1, %lt3A_126 : i32
    %convert_element_type3A_128 = arith.extui %lt3A_127 : i1 to i32
    %cond3A_129 = arith.constant 0 : i32
    %cond3A_130 = arith.cmpi ne, %convert_element_type3A_128, %cond3A_129 : i32
    scf.if %cond3A_130 {
      %mul3A_165 = arith.constant 640 : i32
      %mul3A_166 = arith.muli %arg1, %mul3A_165 : i32
      %mul3A_167 = arith.constant 640 : i32
      %mul3A_168 = arith.muli %arg1, %mul3A_167 : i32
      "tpu.region"() ({
        %run_scoped3A = tpu.sem_alloc : memref<!tpu.dma_semaphore, #tpu.memory_space<semaphore_mem>>
        %dma_start3A = arith.constant 0 : i32
        %dma_start3A_169 = arith.constant 0 : i32
        %dma_start3A_170 = tpu.memref_slice %arg14[%arg0, %dma_start3A, %dma_start3A_169] : memref<2x10000x64xf32, #tpu.memory_space<hbm>> -> memref<1x10000x64xf32, #tpu.memory_space<hbm>>
        %dma_start3A_171 = tpu.memref_squeeze %dma_start3A_170 : memref<1x10000x64xf32, #tpu.memory_space<hbm>> -> memref<10000x64xf32, #tpu.memory_space<hbm>>
        %dma_start3A_172 = arith.constant 0 : i32
        %dma_start3A_173 = tpu.memref_slice %dma_start3A_171[%mul3A_168, %dma_start3A_172] : memref<10000x64xf32, #tpu.memory_space<hbm>> -> memref<640x64xf32, #tpu.memory_space<hbm>>
        %dma_start3A_174 = arith.constant 0 : i32
        %dma_start3A_175 = tpu.memref_slice %arg18[%mul3A_166, %dma_start3A_174] : memref<10000x64xf32, #tpu.memory_space<vmem_shared>> -> memref<640x64xf32, #tpu.memory_space<vmem_shared>>
        tpu.enqueue_dma source(%dma_start3A_175 : memref<640x64xf32, #tpu.memory_space<vmem_shared>>) target(%dma_start3A_173 : memref<640x64xf32, #tpu.memory_space<hbm>>) target_semaphore(%run_scoped3A : memref<!tpu.dma_semaphore, #tpu.memory_space<semaphore_mem>>)
        %dma_wait3A = arith.constant 0 : i32
        %dma_wait3A_176 = arith.constant 0 : i32
        %dma_wait3A_177 = tpu.memref_slice %arg14[%arg0, %dma_wait3A, %dma_wait3A_176] : memref<2x10000x64xf32, #tpu.memory_space<hbm>> -> memref<1x10000x64xf32, #tpu.memory_space<hbm>>
        %dma_wait3A_178 = tpu.memref_squeeze %dma_wait3A_177 : memref<1x10000x64xf32, #tpu.memory_space<hbm>> -> memref<10000x64xf32, #tpu.memory_space<hbm>>
        %dma_wait3A_179 = arith.constant 0 : i32
        %dma_wait3A_180 = tpu.memref_slice %dma_wait3A_178[%mul3A_168, %dma_wait3A_179] : memref<10000x64xf32, #tpu.memory_space<hbm>> -> memref<640x64xf32, #tpu.memory_space<hbm>>
        %dma_wait3A_181 = arith.constant 0 : i32
        %dma_wait3A_182 = tpu.memref_slice %arg18[%mul3A_166, %dma_wait3A_181] : memref<10000x64xf32, #tpu.memory_space<vmem_shared>> -> memref<640x64xf32, #tpu.memory_space<vmem_shared>>
        tpu.wait_dma2 semaphore(%run_scoped3A : memref<!tpu.dma_semaphore, #tpu.memory_space<semaphore_mem>>) src(%dma_wait3A_182 : memref<640x64xf32, #tpu.memory_space<vmem_shared>>) dst(%dma_wait3A_180 : memref<640x64xf32, #tpu.memory_space<hbm>>)
        tpu.yield
      }) : () -> ()
    } else {
    }
    %eq3A_131 = arith.constant 15 : i32
    %eq3A_132 = arith.cmpi eq, %arg1, %eq3A_131 : i32
    %convert_element_type3A_133 = arith.extui %eq3A_132 : i1 to i32
    %cond3A_134 = arith.constant 0 : i32
    %cond3A_135 = arith.cmpi ne, %convert_element_type3A_133, %cond3A_134 : i32
    scf.if %cond3A_135 {
      %mul3A_165 = arith.constant 640 : i32
      %mul3A_166 = arith.muli %arg1, %mul3A_165 : i32
      %mul3A_167 = arith.constant 640 : i32
      %mul3A_168 = arith.muli %arg1, %mul3A_167 : i32
      "tpu.region"() ({
        %run_scoped3A = tpu.sem_alloc : memref<!tpu.dma_semaphore, #tpu.memory_space<semaphore_mem>>
        %dma_start3A = arith.constant 0 : i32
        %dma_start3A_169 = arith.constant 0 : i32
        %dma_start3A_170 = tpu.memref_slice %arg14[%arg0, %dma_start3A, %dma_start3A_169] : memref<2x10000x64xf32, #tpu.memory_space<hbm>> -> memref<1x10000x64xf32, #tpu.memory_space<hbm>>
        %dma_start3A_171 = tpu.memref_squeeze %dma_start3A_170 : memref<1x10000x64xf32, #tpu.memory_space<hbm>> -> memref<10000x64xf32, #tpu.memory_space<hbm>>
        %dma_start3A_172 = arith.constant 0 : i32
        %dma_start3A_173 = tpu.memref_slice %dma_start3A_171[%mul3A_168, %dma_start3A_172] : memref<10000x64xf32, #tpu.memory_space<hbm>> -> memref<400x64xf32, #tpu.memory_space<hbm>>
        %dma_start3A_174 = arith.constant 0 : i32
        %dma_start3A_175 = tpu.memref_slice %arg18[%mul3A_166, %dma_start3A_174] : memref<10000x64xf32, #tpu.memory_space<vmem_shared>> -> memref<400x64xf32, #tpu.memory_space<vmem_shared>>
        tpu.enqueue_dma source(%dma_start3A_175 : memref<400x64xf32, #tpu.memory_space<vmem_shared>>) target(%dma_start3A_173 : memref<400x64xf32, #tpu.memory_space<hbm>>) target_semaphore(%run_scoped3A : memref<!tpu.dma_semaphore, #tpu.memory_space<semaphore_mem>>)
        %dma_wait3A = arith.constant 0 : i32
        %dma_wait3A_176 = arith.constant 0 : i32
        %dma_wait3A_177 = tpu.memref_slice %arg14[%arg0, %dma_wait3A, %dma_wait3A_176] : memref<2x10000x64xf32, #tpu.memory_space<hbm>> -> memref<1x10000x64xf32, #tpu.memory_space<hbm>>
        %dma_wait3A_178 = tpu.memref_squeeze %dma_wait3A_177 : memref<1x10000x64xf32, #tpu.memory_space<hbm>> -> memref<10000x64xf32, #tpu.memory_space<hbm>>
        %dma_wait3A_179 = arith.constant 0 : i32
        %dma_wait3A_180 = tpu.memref_slice %dma_wait3A_178[%mul3A_168, %dma_wait3A_179] : memref<10000x64xf32, #tpu.memory_space<hbm>> -> memref<400x64xf32, #tpu.memory_space<hbm>>
        %dma_wait3A_181 = arith.constant 0 : i32
        %dma_wait3A_182 = tpu.memref_slice %arg18[%mul3A_166, %dma_wait3A_181] : memref<10000x64xf32, #tpu.memory_space<vmem_shared>> -> memref<400x64xf32, #tpu.memory_space<vmem_shared>>
        tpu.wait_dma2 semaphore(%run_scoped3A : memref<!tpu.dma_semaphore, #tpu.memory_space<semaphore_mem>>) src(%dma_wait3A_182 : memref<400x64xf32, #tpu.memory_space<vmem_shared>>) dst(%dma_wait3A_180 : memref<400x64xf32, #tpu.memory_space<hbm>>)
        tpu.yield
      }) : () -> ()
    } else {
    }
    %barrier3A_136 = arith.constant 0 : index
    tpu.barrier barrier_id(%barrier3A_136)
    %lt3A_137 = arith.constant 15 : i32
    %lt3A_138 = arith.cmpi slt, %arg1, %lt3A_137 : i32
    %convert_element_type3A_139 = arith.extui %lt3A_138 : i1 to i32
    %cond3A_140 = arith.constant 0 : i32
    %cond3A_141 = arith.cmpi ne, %convert_element_type3A_139, %cond3A_140 : i32
    scf.if %cond3A_141 {
      %mul3A_165 = arith.constant 640 : i32
      %mul3A_166 = arith.muli %arg1, %mul3A_165 : i32
      "tpu.region"() ({
        %run_scoped3A = tpu.sem_alloc : memref<!tpu.dma_semaphore, #tpu.memory_space<semaphore_mem>>
        %dma_start3A = arith.constant 0 : i32
        %dma_start3A_167 = tpu.memref_slice %arg18[%mul3A_166, %dma_start3A] : memref<10000x64xf32, #tpu.memory_space<vmem_shared>> -> memref<640x64xf32, #tpu.memory_space<vmem_shared>>
        tpu.enqueue_dma source(%arg9 : memref<640x64xf32, #tpu.memory_space<hbm>>) target(%dma_start3A_167 : memref<640x64xf32, #tpu.memory_space<vmem_shared>>) target_semaphore(%run_scoped3A : memref<!tpu.dma_semaphore, #tpu.memory_space<semaphore_mem>>)
        %dma_wait3A = arith.constant 0 : i32
        %dma_wait3A_168 = tpu.memref_slice %arg18[%mul3A_166, %dma_wait3A] : memref<10000x64xf32, #tpu.memory_space<vmem_shared>> -> memref<640x64xf32, #tpu.memory_space<vmem_shared>>
        tpu.wait_dma2 semaphore(%run_scoped3A : memref<!tpu.dma_semaphore, #tpu.memory_space<semaphore_mem>>) src(%arg9 : memref<640x64xf32, #tpu.memory_space<hbm>>) dst(%dma_wait3A_168 : memref<640x64xf32, #tpu.memory_space<vmem_shared>>)
        tpu.yield
      }) : () -> ()
    } else {
    }
    %eq3A_142 = arith.constant 15 : i32
    %eq3A_143 = arith.cmpi eq, %arg1, %eq3A_142 : i32
    %convert_element_type3A_144 = arith.extui %eq3A_143 : i1 to i32
    %cond3A_145 = arith.constant 0 : i32
    %cond3A_146 = arith.cmpi ne, %convert_element_type3A_144, %cond3A_145 : i32
    scf.if %cond3A_146 {
      %mul3A_165 = arith.constant 640 : i32
      %mul3A_166 = arith.muli %arg1, %mul3A_165 : i32
      "tpu.region"() ({
        %run_scoped3A = tpu.sem_alloc : memref<!tpu.dma_semaphore, #tpu.memory_space<semaphore_mem>>
        %dma_start3A = arith.constant 0 : i32
        %dma_start3A_167 = tpu.memref_slice %arg18[%mul3A_166, %dma_start3A] : memref<10000x64xf32, #tpu.memory_space<vmem_shared>> -> memref<400x64xf32, #tpu.memory_space<vmem_shared>>
        %dma_start3A_168 = arith.constant 0 : i32
        %dma_start3A_169 = arith.constant 0 : i32
        %dma_start3A_170 = tpu.memref_slice %arg9[%dma_start3A_168, %dma_start3A_169] : memref<640x64xf32, #tpu.memory_space<hbm>> -> memref<400x64xf32, #tpu.memory_space<hbm>>
        tpu.enqueue_dma source(%dma_start3A_170 : memref<400x64xf32, #tpu.memory_space<hbm>>) target(%dma_start3A_167 : memref<400x64xf32, #tpu.memory_space<vmem_shared>>) target_semaphore(%run_scoped3A : memref<!tpu.dma_semaphore, #tpu.memory_space<semaphore_mem>>)
        %dma_wait3A = arith.constant 0 : i32
        %dma_wait3A_171 = tpu.memref_slice %arg18[%mul3A_166, %dma_wait3A] : memref<10000x64xf32, #tpu.memory_space<vmem_shared>> -> memref<400x64xf32, #tpu.memory_space<vmem_shared>>
        %dma_wait3A_172 = arith.constant 0 : i32
        %dma_wait3A_173 = arith.constant 0 : i32
        %dma_wait3A_174 = tpu.memref_slice %arg9[%dma_wait3A_172, %dma_wait3A_173] : memref<640x64xf32, #tpu.memory_space<hbm>> -> memref<400x64xf32, #tpu.memory_space<hbm>>
        tpu.wait_dma2 semaphore(%run_scoped3A : memref<!tpu.dma_semaphore, #tpu.memory_space<semaphore_mem>>) src(%dma_wait3A_174 : memref<400x64xf32, #tpu.memory_space<hbm>>) dst(%dma_wait3A_171 : memref<400x64xf32, #tpu.memory_space<vmem_shared>>)
        tpu.yield
      }) : () -> ()
    } else {
    }
    %barrier3A_147 = arith.constant 0 : index
    tpu.barrier barrier_id(%barrier3A_147)
    %scan3A_148 = arith.constant 0 : i32
    %scan3A_149 = arith.constant 128 : i32
    %scan3A_150 = arith.addi %scan3A_148, %scan3A_149 : i32
    %scan3A_151 = arith.constant 1 : i32
    scf.for %scan3A_165 = %scan3A_148 to %scan3A_150 step %scan3A_151  : i32 {
      %mul3A_166 = arith.constant 1 : i32
      %mul3A_167 = arith.muli %scan3A_165, %mul3A_166 : i32
      %add3A_168 = arith.constant 0 : i32
      %add3A_169 = arith.addi %add3A_168, %mul3A_167 : i32
      %mul3A_170 = arith.constant 128 : i32
      %mul3A_171 = arith.muli %add3A, %mul3A_170 : i32
      %add3A_172 = arith.addi %mul3A_171, %add3A_169 : i32
      %mul3A_173 = arith.constant 80 : i32
      %mul3A_174 = arith.muli %add3A_172, %mul3A_173 : i32
      "tpu.region"() ({
        %run_scoped3A = tpu.sem_alloc : memref<!tpu.dma_semaphore, #tpu.memory_space<semaphore_mem>>
        %dma_start3A = arith.constant 0 : i32
        %dma_start3A_175 = tpu.memref_slice %arg8[%mul3A_174, %dma_start3A] : memref<327680x64xf32, #tpu.memory_space<hbm>> -> memref<80x64xf32, #tpu.memory_space<hbm>>
        %dma_start3A_176 = arith.constant 0 : i32
        %dma_start3A_177 = tpu.memref_slice %arg8[%mul3A_174, %dma_start3A_176] : memref<327680x64xf32, #tpu.memory_space<hbm>> -> memref<80x64xf32, #tpu.memory_space<hbm>>
        tpu.enqueue_dma source(%dma_start3A_177 : memref<80x64xf32, #tpu.memory_space<hbm>>) target(%arg17 : memref<80x64xf32, #tpu.memory_space<vmem>>) target_semaphore(%run_scoped3A : memref<!tpu.dma_semaphore, #tpu.memory_space<semaphore_mem>>)
        %dma_wait3A = arith.constant 0 : i32
        %dma_wait3A_178 = tpu.memref_slice %arg8[%mul3A_174, %dma_wait3A] : memref<327680x64xf32, #tpu.memory_space<hbm>> -> memref<80x64xf32, #tpu.memory_space<hbm>>
        %dma_wait3A_179 = arith.constant 0 : i32
        %dma_wait3A_180 = tpu.memref_slice %arg8[%mul3A_174, %dma_wait3A_179] : memref<327680x64xf32, #tpu.memory_space<hbm>> -> memref<80x64xf32, #tpu.memory_space<hbm>>
        tpu.wait_dma2 semaphore(%run_scoped3A : memref<!tpu.dma_semaphore, #tpu.memory_space<semaphore_mem>>) src(%dma_wait3A_180 : memref<80x64xf32, #tpu.memory_space<hbm>>) dst(%arg17 : memref<80x64xf32, #tpu.memory_space<vmem>>)
        tpu.yield
      }) : () -> ()
      "tpu.region"() ({
        %run_scoped3A = tpu.sem_alloc : memref<!tpu.dma_semaphore, #tpu.memory_space<semaphore_mem>>
        %dma_start3A = arith.constant 0 : i32
        %dma_start3A_175 = tpu.memref_slice %arg16[%add3A_169, %dma_start3A] : memref<128x80xi32, #tpu.memory_space<vmem>> -> memref<1x80xi32, #tpu.memory_space<vmem>>
        %dma_start3A_176 = tpu.memref_squeeze %dma_start3A_175 : memref<1x80xi32, #tpu.memory_space<vmem>> -> memref<80xi32, #tpu.memory_space<vmem>>
        %dma_start3A_177 = arith.constant 0 : i32
        %dma_start3A_178 = arith.constant 0 : i32
        %dma_start3A_179 = tpu.memref_slice %arg18[%dma_start3A_177, %dma_start3A_178] : memref<10000x64xf32, #tpu.memory_space<vmem_shared>> -> memref<10000x64xf32, #tpu.memory_space<vmem_shared>>
        tpu.enqueue_indirect_dma source(%arg17 : memref<80x64xf32, #tpu.memory_space<vmem>>) target(%dma_start3A_179 : memref<10000x64xf32, #tpu.memory_space<vmem_shared>>) offsets(%dma_start3A_176 : memref<80xi32, #tpu.memory_space<vmem>>) semaphore(%run_scoped3A : memref<!tpu.dma_semaphore, #tpu.memory_space<semaphore_mem>>) {add = true}
        %dma_wait3A = arith.constant 0 : i32
        %dma_wait3A_180 = tpu.memref_slice %arg16[%add3A_169, %dma_wait3A] : memref<128x80xi32, #tpu.memory_space<vmem>> -> memref<1x80xi32, #tpu.memory_space<vmem>>
        %dma_wait3A_181 = tpu.memref_squeeze %dma_wait3A_180 : memref<1x80xi32, #tpu.memory_space<vmem>> -> memref<80xi32, #tpu.memory_space<vmem>>
        %dma_wait3A_182 = arith.constant 0 : i32
        %dma_wait3A_183 = arith.constant 0 : i32
        %dma_wait3A_184 = tpu.memref_slice %arg18[%dma_wait3A_182, %dma_wait3A_183] : memref<10000x64xf32, #tpu.memory_space<vmem_shared>> -> memref<10000x64xf32, #tpu.memory_space<vmem_shared>>
        tpu.wait_indirect_dma semaphore(%run_scoped3A : memref<!tpu.dma_semaphore, #tpu.memory_space<semaphore_mem>>) src(%arg17 : memref<80x64xf32, #tpu.memory_space<vmem>>) dst(%dma_wait3A_184 : memref<10000x64xf32, #tpu.memory_space<vmem_shared>>)
        tpu.yield
      }) : () -> ()
    }
    %scan3A_152 = arith.constant 128 : i32
    %barrier3A_153 = arith.constant 0 : index
    tpu.barrier barrier_id(%barrier3A_153)
    %lt3A_154 = arith.constant 15 : i32
    %lt3A_155 = arith.cmpi slt, %arg1, %lt3A_154 : i32
    %convert_element_type3A_156 = arith.extui %lt3A_155 : i1 to i32
    %cond3A_157 = arith.constant 0 : i32
    %cond3A_158 = arith.cmpi ne, %convert_element_type3A_156, %cond3A_157 : i32
    scf.if %cond3A_158 {
      %mul3A_165 = arith.constant 640 : i32
      %mul3A_166 = arith.muli %arg1, %mul3A_165 : i32
      %mul3A_167 = arith.constant 640 : i32
      %mul3A_168 = arith.muli %arg1, %mul3A_167 : i32
      "tpu.region"() ({
        %run_scoped3A = tpu.sem_alloc : memref<!tpu.dma_semaphore, #tpu.memory_space<semaphore_mem>>
        %dma_start3A = arith.constant 0 : i32
        %dma_start3A_169 = arith.constant 0 : i32
        %dma_start3A_170 = tpu.memref_slice %arg15[%arg0, %dma_start3A, %dma_start3A_169] : memref<2x10000x64xf32, #tpu.memory_space<hbm>> -> memref<1x10000x64xf32, #tpu.memory_space<hbm>>
        %dma_start3A_171 = tpu.memref_squeeze %dma_start3A_170 : memref<1x10000x64xf32, #tpu.memory_space<hbm>> -> memref<10000x64xf32, #tpu.memory_space<hbm>>
        %dma_start3A_172 = arith.constant 0 : i32
        %dma_start3A_173 = tpu.memref_slice %dma_start3A_171[%mul3A_168, %dma_start3A_172] : memref<10000x64xf32, #tpu.memory_space<hbm>> -> memref<640x64xf32, #tpu.memory_space<hbm>>
        %dma_start3A_174 = arith.constant 0 : i32
        %dma_start3A_175 = tpu.memref_slice %arg18[%mul3A_166, %dma_start3A_174] : memref<10000x64xf32, #tpu.memory_space<vmem_shared>> -> memref<640x64xf32, #tpu.memory_space<vmem_shared>>
        tpu.enqueue_dma source(%dma_start3A_175 : memref<640x64xf32, #tpu.memory_space<vmem_shared>>) target(%dma_start3A_173 : memref<640x64xf32, #tpu.memory_space<hbm>>) target_semaphore(%run_scoped3A : memref<!tpu.dma_semaphore, #tpu.memory_space<semaphore_mem>>)
        %dma_wait3A = arith.constant 0 : i32
        %dma_wait3A_176 = arith.constant 0 : i32
        %dma_wait3A_177 = tpu.memref_slice %arg15[%arg0, %dma_wait3A, %dma_wait3A_176] : memref<2x10000x64xf32, #tpu.memory_space<hbm>> -> memref<1x10000x64xf32, #tpu.memory_space<hbm>>
        %dma_wait3A_178 = tpu.memref_squeeze %dma_wait3A_177 : memref<1x10000x64xf32, #tpu.memory_space<hbm>> -> memref<10000x64xf32, #tpu.memory_space<hbm>>
        %dma_wait3A_179 = arith.constant 0 : i32
        %dma_wait3A_180 = tpu.memref_slice %dma_wait3A_178[%mul3A_168, %dma_wait3A_179] : memref<10000x64xf32, #tpu.memory_space<hbm>> -> memref<640x64xf32, #tpu.memory_space<hbm>>
        %dma_wait3A_181 = arith.constant 0 : i32
        %dma_wait3A_182 = tpu.memref_slice %arg18[%mul3A_166, %dma_wait3A_181] : memref<10000x64xf32, #tpu.memory_space<vmem_shared>> -> memref<640x64xf32, #tpu.memory_space<vmem_shared>>
        tpu.wait_dma2 semaphore(%run_scoped3A : memref<!tpu.dma_semaphore, #tpu.memory_space<semaphore_mem>>) src(%dma_wait3A_182 : memref<640x64xf32, #tpu.memory_space<vmem_shared>>) dst(%dma_wait3A_180 : memref<640x64xf32, #tpu.memory_space<hbm>>)
        tpu.yield
      }) : () -> ()
    } else {
    }
    %eq3A_159 = arith.constant 15 : i32
    %eq3A_160 = arith.cmpi eq, %arg1, %eq3A_159 : i32
    %convert_element_type3A_161 = arith.extui %eq3A_160 : i1 to i32
    %cond3A_162 = arith.constant 0 : i32
    %cond3A_163 = arith.cmpi ne, %convert_element_type3A_161, %cond3A_162 : i32
    scf.if %cond3A_163 {
      %mul3A_165 = arith.constant 640 : i32
      %mul3A_166 = arith.muli %arg1, %mul3A_165 : i32
      %mul3A_167 = arith.constant 640 : i32
      %mul3A_168 = arith.muli %arg1, %mul3A_167 : i32
      "tpu.region"() ({
        %run_scoped3A = tpu.sem_alloc : memref<!tpu.dma_semaphore, #tpu.memory_space<semaphore_mem>>
        %dma_start3A = arith.constant 0 : i32
        %dma_start3A_169 = arith.constant 0 : i32
        %dma_start3A_170 = tpu.memref_slice %arg15[%arg0, %dma_start3A, %dma_start3A_169] : memref<2x10000x64xf32, #tpu.memory_space<hbm>> -> memref<1x10000x64xf32, #tpu.memory_space<hbm>>
        %dma_start3A_171 = tpu.memref_squeeze %dma_start3A_170 : memref<1x10000x64xf32, #tpu.memory_space<hbm>> -> memref<10000x64xf32, #tpu.memory_space<hbm>>
        %dma_start3A_172 = arith.constant 0 : i32
        %dma_start3A_173 = tpu.memref_slice %dma_start3A_171[%mul3A_168, %dma_start3A_172] : memref<10000x64xf32, #tpu.memory_space<hbm>> -> memref<400x64xf32, #tpu.memory_space<hbm>>
        %dma_start3A_174 = arith.constant 0 : i32
        %dma_start3A_175 = tpu.memref_slice %arg18[%mul3A_166, %dma_start3A_174] : memref<10000x64xf32, #tpu.memory_space<vmem_shared>> -> memref<400x64xf32, #tpu.memory_space<vmem_shared>>
        tpu.enqueue_dma source(%dma_start3A_175 : memref<400x64xf32, #tpu.memory_space<vmem_shared>>) target(%dma_start3A_173 : memref<400x64xf32, #tpu.memory_space<hbm>>) target_semaphore(%run_scoped3A : memref<!tpu.dma_semaphore, #tpu.memory_space<semaphore_mem>>)
        %dma_wait3A = arith.constant 0 : i32
        %dma_wait3A_176 = arith.constant 0 : i32
        %dma_wait3A_177 = tpu.memref_slice %arg15[%arg0, %dma_wait3A, %dma_wait3A_176] : memref<2x10000x64xf32, #tpu.memory_space<hbm>> -> memref<1x10000x64xf32, #tpu.memory_space<hbm>>
        %dma_wait3A_178 = tpu.memref_squeeze %dma_wait3A_177 : memref<1x10000x64xf32, #tpu.memory_space<hbm>> -> memref<10000x64xf32, #tpu.memory_space<hbm>>
        %dma_wait3A_179 = arith.constant 0 : i32
        %dma_wait3A_180 = tpu.memref_slice %dma_wait3A_178[%mul3A_168, %dma_wait3A_179] : memref<10000x64xf32, #tpu.memory_space<hbm>> -> memref<400x64xf32, #tpu.memory_space<hbm>>
        %dma_wait3A_181 = arith.constant 0 : i32
        %dma_wait3A_182 = tpu.memref_slice %arg18[%mul3A_166, %dma_wait3A_181] : memref<10000x64xf32, #tpu.memory_space<vmem_shared>> -> memref<400x64xf32, #tpu.memory_space<vmem_shared>>
        tpu.wait_dma2 semaphore(%run_scoped3A : memref<!tpu.dma_semaphore, #tpu.memory_space<semaphore_mem>>) src(%dma_wait3A_182 : memref<400x64xf32, #tpu.memory_space<vmem_shared>>) dst(%dma_wait3A_180 : memref<400x64xf32, #tpu.memory_space<hbm>>)
        tpu.yield
      }) : () -> ()
    } else {
    }
    %barrier3A_164 = arith.constant 0 : index
    tpu.barrier barrier_id(%barrier3A_164)
    return
  }
}

#map = affine_map<(d0, d1) -> (0, 0)>
#map1 = affine_map<(d0, d1) -> (0, 0, 0)>
module attributes {stable_mosaic.version = 14 : i64} {
  func.func @k(%arg0: i32, %arg1: i32, %arg2: memref<4096x80xi32, #tpu.memory_space<hbm>>, %arg3: memref<327680x16xf32, #tpu.memory_space<hbm>>, %arg4: memref<640x16xf32, #tpu.memory_space<hbm>>, %arg5: memref<2x10000x16xf32, #tpu.memory_space<hbm>>, %arg6: memref<128x80xi32, #tpu.memory_space<vmem>>, %arg7: memref<80x16xf32, #tpu.memory_space<vmem>>, %arg8: memref<10000x16xf32, #tpu.memory_space<vmem_shared>>) attributes {dimension_semantics = [#tpu.dimension_semantics<core_parallel>, #tpu.dimension_semantics<subcore_parallel>], iteration_bounds = array<i64: 2, 16>, scalar_prefetch = 0 : i64, scratch_operands = 3 : i64, tpu.core_type = #tpu.core_type<sc_vector_subcore>, window_params = [{transform_indices = #map}, {transform_indices = #map}, {transform_indices = #map}, {transform_indices = #map1}]} {
    %mul3A = arith.constant 16 : i32
    %mul3A_0 = arith.muli %arg0, %mul3A : i32
    %add3A = arith.addi %mul3A_0, %arg1 : i32
    %mul3A_1 = arith.constant 128 : i32
    %mul3A_2 = arith.muli %add3A, %mul3A_1 : i32
    "tpu.region"() ({
      %run_scoped3A = tpu.sem_alloc : memref<!tpu.dma_semaphore, #tpu.memory_space<semaphore_mem>>
      %dma_start3A = arith.constant 0 : i32
      %dma_start3A_25 = tpu.memref_slice %arg2[%mul3A_2, %dma_start3A] : memref<4096x80xi32, #tpu.memory_space<hbm>> -> memref<128x80xi32, #tpu.memory_space<hbm>>
      %dma_start3A_26 = arith.constant 0 : i32
      %dma_start3A_27 = tpu.memref_slice %arg2[%mul3A_2, %dma_start3A_26] : memref<4096x80xi32, #tpu.memory_space<hbm>> -> memref<128x80xi32, #tpu.memory_space<hbm>>
      tpu.enqueue_dma source(%dma_start3A_27 : memref<128x80xi32, #tpu.memory_space<hbm>>) target(%arg6 : memref<128x80xi32, #tpu.memory_space<vmem>>) target_semaphore(%run_scoped3A : memref<!tpu.dma_semaphore, #tpu.memory_space<semaphore_mem>>)
      %dma_wait3A = arith.constant 0 : i32
      %dma_wait3A_28 = tpu.memref_slice %arg2[%mul3A_2, %dma_wait3A] : memref<4096x80xi32, #tpu.memory_space<hbm>> -> memref<128x80xi32, #tpu.memory_space<hbm>>
      %dma_wait3A_29 = arith.constant 0 : i32
      %dma_wait3A_30 = tpu.memref_slice %arg2[%mul3A_2, %dma_wait3A_29] : memref<4096x80xi32, #tpu.memory_space<hbm>> -> memref<128x80xi32, #tpu.memory_space<hbm>>
      tpu.wait_dma2 semaphore(%run_scoped3A : memref<!tpu.dma_semaphore, #tpu.memory_space<semaphore_mem>>) src(%dma_wait3A_30 : memref<128x80xi32, #tpu.memory_space<hbm>>) dst(%arg6 : memref<128x80xi32, #tpu.memory_space<vmem>>)
      tpu.yield
    }) : () -> ()
    %lt3A = arith.constant 15 : i32
    %lt3A_3 = arith.cmpi slt, %arg1, %lt3A : i32
    %convert_element_type3A = arith.extui %lt3A_3 : i1 to i32
    %cond3A = arith.constant 0 : i32
    %cond3A_4 = arith.cmpi ne, %convert_element_type3A, %cond3A : i32
    scf.if %cond3A_4 {
      %mul3A_25 = arith.constant 640 : i32
      %mul3A_26 = arith.muli %arg1, %mul3A_25 : i32
      "tpu.region"() ({
        %run_scoped3A = tpu.sem_alloc : memref<!tpu.dma_semaphore, #tpu.memory_space<semaphore_mem>>
        %dma_start3A = arith.constant 0 : i32
        %dma_start3A_27 = tpu.memref_slice %arg8[%mul3A_26, %dma_start3A] : memref<10000x16xf32, #tpu.memory_space<vmem_shared>> -> memref<640x16xf32, #tpu.memory_space<vmem_shared>>
        tpu.enqueue_dma source(%arg4 : memref<640x16xf32, #tpu.memory_space<hbm>>) target(%dma_start3A_27 : memref<640x16xf32, #tpu.memory_space<vmem_shared>>) target_semaphore(%run_scoped3A : memref<!tpu.dma_semaphore, #tpu.memory_space<semaphore_mem>>)
        %dma_wait3A = arith.constant 0 : i32
        %dma_wait3A_28 = tpu.memref_slice %arg8[%mul3A_26, %dma_wait3A] : memref<10000x16xf32, #tpu.memory_space<vmem_shared>> -> memref<640x16xf32, #tpu.memory_space<vmem_shared>>
        tpu.wait_dma2 semaphore(%run_scoped3A : memref<!tpu.dma_semaphore, #tpu.memory_space<semaphore_mem>>) src(%arg4 : memref<640x16xf32, #tpu.memory_space<hbm>>) dst(%dma_wait3A_28 : memref<640x16xf32, #tpu.memory_space<vmem_shared>>)
        tpu.yield
      }) : () -> ()
    } else {
    }
    %eq3A = arith.constant 15 : i32
    %eq3A_5 = arith.cmpi eq, %arg1, %eq3A : i32
    %convert_element_type3A_6 = arith.extui %eq3A_5 : i1 to i32
    %cond3A_7 = arith.constant 0 : i32
    %cond3A_8 = arith.cmpi ne, %convert_element_type3A_6, %cond3A_7 : i32
    scf.if %cond3A_8 {
      %mul3A_25 = arith.constant 640 : i32
      %mul3A_26 = arith.muli %arg1, %mul3A_25 : i32
      "tpu.region"() ({
        %run_scoped3A = tpu.sem_alloc : memref<!tpu.dma_semaphore, #tpu.memory_space<semaphore_mem>>
        %dma_start3A = arith.constant 0 : i32
        %dma_start3A_27 = tpu.memref_slice %arg8[%mul3A_26, %dma_start3A] : memref<10000x16xf32, #tpu.memory_space<vmem_shared>> -> memref<400x16xf32, #tpu.memory_space<vmem_shared>>
        %dma_start3A_28 = arith.constant 0 : i32
        %dma_start3A_29 = arith.constant 0 : i32
        %dma_start3A_30 = tpu.memref_slice %arg4[%dma_start3A_28, %dma_start3A_29] : memref<640x16xf32, #tpu.memory_space<hbm>> -> memref<400x16xf32, #tpu.memory_space<hbm>>
        tpu.enqueue_dma source(%dma_start3A_30 : memref<400x16xf32, #tpu.memory_space<hbm>>) target(%dma_start3A_27 : memref<400x16xf32, #tpu.memory_space<vmem_shared>>) target_semaphore(%run_scoped3A : memref<!tpu.dma_semaphore, #tpu.memory_space<semaphore_mem>>)
        %dma_wait3A = arith.constant 0 : i32
        %dma_wait3A_31 = tpu.memref_slice %arg8[%mul3A_26, %dma_wait3A] : memref<10000x16xf32, #tpu.memory_space<vmem_shared>> -> memref<400x16xf32, #tpu.memory_space<vmem_shared>>
        %dma_wait3A_32 = arith.constant 0 : i32
        %dma_wait3A_33 = arith.constant 0 : i32
        %dma_wait3A_34 = tpu.memref_slice %arg4[%dma_wait3A_32, %dma_wait3A_33] : memref<640x16xf32, #tpu.memory_space<hbm>> -> memref<400x16xf32, #tpu.memory_space<hbm>>
        tpu.wait_dma2 semaphore(%run_scoped3A : memref<!tpu.dma_semaphore, #tpu.memory_space<semaphore_mem>>) src(%dma_wait3A_34 : memref<400x16xf32, #tpu.memory_space<hbm>>) dst(%dma_wait3A_31 : memref<400x16xf32, #tpu.memory_space<vmem_shared>>)
        tpu.yield
      }) : () -> ()
    } else {
    }
    %barrier3A = arith.constant 0 : index
    tpu.barrier barrier_id(%barrier3A)
    %scan3A = arith.constant 0 : i32
    %scan3A_9 = arith.constant 128 : i32
    %scan3A_10 = arith.addi %scan3A, %scan3A_9 : i32
    %scan3A_11 = arith.constant 1 : i32
    scf.for %scan3A_25 = %scan3A to %scan3A_10 step %scan3A_11  : i32 {
      %mul3A_26 = arith.constant 1 : i32
      %mul3A_27 = arith.muli %scan3A_25, %mul3A_26 : i32
      %add3A_28 = arith.constant 0 : i32
      %add3A_29 = arith.addi %add3A_28, %mul3A_27 : i32
      %mul3A_30 = arith.constant 128 : i32
      %mul3A_31 = arith.muli %add3A, %mul3A_30 : i32
      %add3A_32 = arith.addi %mul3A_31, %add3A_29 : i32
      %mul3A_33 = arith.constant 80 : i32
      %mul3A_34 = arith.muli %add3A_32, %mul3A_33 : i32
      "tpu.region"() ({
        %run_scoped3A = tpu.sem_alloc : memref<!tpu.dma_semaphore, #tpu.memory_space<semaphore_mem>>
        %dma_start3A = arith.constant 0 : i32
        %dma_start3A_35 = tpu.memref_slice %arg3[%mul3A_34, %dma_start3A] : memref<327680x16xf32, #tpu.memory_space<hbm>> -> memref<80x16xf32, #tpu.memory_space<hbm>>
        %dma_start3A_36 = arith.constant 0 : i32
        %dma_start3A_37 = tpu.memref_slice %arg3[%mul3A_34, %dma_start3A_36] : memref<327680x16xf32, #tpu.memory_space<hbm>> -> memref<80x16xf32, #tpu.memory_space<hbm>>
        tpu.enqueue_dma source(%dma_start3A_37 : memref<80x16xf32, #tpu.memory_space<hbm>>) target(%arg7 : memref<80x16xf32, #tpu.memory_space<vmem>>) target_semaphore(%run_scoped3A : memref<!tpu.dma_semaphore, #tpu.memory_space<semaphore_mem>>)
        %dma_wait3A = arith.constant 0 : i32
        %dma_wait3A_38 = tpu.memref_slice %arg3[%mul3A_34, %dma_wait3A] : memref<327680x16xf32, #tpu.memory_space<hbm>> -> memref<80x16xf32, #tpu.memory_space<hbm>>
        %dma_wait3A_39 = arith.constant 0 : i32
        %dma_wait3A_40 = tpu.memref_slice %arg3[%mul3A_34, %dma_wait3A_39] : memref<327680x16xf32, #tpu.memory_space<hbm>> -> memref<80x16xf32, #tpu.memory_space<hbm>>
        tpu.wait_dma2 semaphore(%run_scoped3A : memref<!tpu.dma_semaphore, #tpu.memory_space<semaphore_mem>>) src(%dma_wait3A_40 : memref<80x16xf32, #tpu.memory_space<hbm>>) dst(%arg7 : memref<80x16xf32, #tpu.memory_space<vmem>>)
        tpu.yield
      }) : () -> ()
      "tpu.region"() ({
        %run_scoped3A = tpu.sem_alloc : memref<!tpu.dma_semaphore, #tpu.memory_space<semaphore_mem>>
        %dma_start3A = arith.constant 0 : i32
        %dma_start3A_35 = tpu.memref_slice %arg6[%add3A_29, %dma_start3A] : memref<128x80xi32, #tpu.memory_space<vmem>> -> memref<1x80xi32, #tpu.memory_space<vmem>>
        %dma_start3A_36 = tpu.memref_squeeze %dma_start3A_35 : memref<1x80xi32, #tpu.memory_space<vmem>> -> memref<80xi32, #tpu.memory_space<vmem>>
        %dma_start3A_37 = arith.constant 0 : i32
        %dma_start3A_38 = arith.constant 0 : i32
        %dma_start3A_39 = tpu.memref_slice %arg8[%dma_start3A_37, %dma_start3A_38] : memref<10000x16xf32, #tpu.memory_space<vmem_shared>> -> memref<10000x16xf32, #tpu.memory_space<vmem_shared>>
        tpu.enqueue_indirect_dma source(%arg7 : memref<80x16xf32, #tpu.memory_space<vmem>>) target(%dma_start3A_39 : memref<10000x16xf32, #tpu.memory_space<vmem_shared>>) offsets(%dma_start3A_36 : memref<80xi32, #tpu.memory_space<vmem>>) semaphore(%run_scoped3A : memref<!tpu.dma_semaphore, #tpu.memory_space<semaphore_mem>>) {add = true}
        %dma_wait3A = arith.constant 0 : i32
        %dma_wait3A_40 = tpu.memref_slice %arg6[%add3A_29, %dma_wait3A] : memref<128x80xi32, #tpu.memory_space<vmem>> -> memref<1x80xi32, #tpu.memory_space<vmem>>
        %dma_wait3A_41 = tpu.memref_squeeze %dma_wait3A_40 : memref<1x80xi32, #tpu.memory_space<vmem>> -> memref<80xi32, #tpu.memory_space<vmem>>
        %dma_wait3A_42 = arith.constant 0 : i32
        %dma_wait3A_43 = arith.constant 0 : i32
        %dma_wait3A_44 = tpu.memref_slice %arg8[%dma_wait3A_42, %dma_wait3A_43] : memref<10000x16xf32, #tpu.memory_space<vmem_shared>> -> memref<10000x16xf32, #tpu.memory_space<vmem_shared>>
        tpu.wait_indirect_dma semaphore(%run_scoped3A : memref<!tpu.dma_semaphore, #tpu.memory_space<semaphore_mem>>) src(%arg7 : memref<80x16xf32, #tpu.memory_space<vmem>>) dst(%dma_wait3A_44 : memref<10000x16xf32, #tpu.memory_space<vmem_shared>>)
        tpu.yield
      }) : () -> ()
    }
    %scan3A_12 = arith.constant 128 : i32
    %barrier3A_13 = arith.constant 0 : index
    tpu.barrier barrier_id(%barrier3A_13)
    %lt3A_14 = arith.constant 15 : i32
    %lt3A_15 = arith.cmpi slt, %arg1, %lt3A_14 : i32
    %convert_element_type3A_16 = arith.extui %lt3A_15 : i1 to i32
    %cond3A_17 = arith.constant 0 : i32
    %cond3A_18 = arith.cmpi ne, %convert_element_type3A_16, %cond3A_17 : i32
    scf.if %cond3A_18 {
      %mul3A_25 = arith.constant 640 : i32
      %mul3A_26 = arith.muli %arg1, %mul3A_25 : i32
      %mul3A_27 = arith.constant 640 : i32
      %mul3A_28 = arith.muli %arg1, %mul3A_27 : i32
      "tpu.region"() ({
        %run_scoped3A = tpu.sem_alloc : memref<!tpu.dma_semaphore, #tpu.memory_space<semaphore_mem>>
        %dma_start3A = arith.constant 0 : i32
        %dma_start3A_29 = arith.constant 0 : i32
        %dma_start3A_30 = tpu.memref_slice %arg5[%arg0, %dma_start3A, %dma_start3A_29] : memref<2x10000x16xf32, #tpu.memory_space<hbm>> -> memref<1x10000x16xf32, #tpu.memory_space<hbm>>
        %dma_start3A_31 = tpu.memref_squeeze %dma_start3A_30 : memref<1x10000x16xf32, #tpu.memory_space<hbm>> -> memref<10000x16xf32, #tpu.memory_space<hbm>>
        %dma_start3A_32 = arith.constant 0 : i32
        %dma_start3A_33 = tpu.memref_slice %dma_start3A_31[%mul3A_28, %dma_start3A_32] : memref<10000x16xf32, #tpu.memory_space<hbm>> -> memref<640x16xf32, #tpu.memory_space<hbm>>
        %dma_start3A_34 = arith.constant 0 : i32
        %dma_start3A_35 = tpu.memref_slice %arg8[%mul3A_26, %dma_start3A_34] : memref<10000x16xf32, #tpu.memory_space<vmem_shared>> -> memref<640x16xf32, #tpu.memory_space<vmem_shared>>
        tpu.enqueue_dma source(%dma_start3A_35 : memref<640x16xf32, #tpu.memory_space<vmem_shared>>) target(%dma_start3A_33 : memref<640x16xf32, #tpu.memory_space<hbm>>) target_semaphore(%run_scoped3A : memref<!tpu.dma_semaphore, #tpu.memory_space<semaphore_mem>>)
        %dma_wait3A = arith.constant 0 : i32
        %dma_wait3A_36 = arith.constant 0 : i32
        %dma_wait3A_37 = tpu.memref_slice %arg5[%arg0, %dma_wait3A, %dma_wait3A_36] : memref<2x10000x16xf32, #tpu.memory_space<hbm>> -> memref<1x10000x16xf32, #tpu.memory_space<hbm>>
        %dma_wait3A_38 = tpu.memref_squeeze %dma_wait3A_37 : memref<1x10000x16xf32, #tpu.memory_space<hbm>> -> memref<10000x16xf32, #tpu.memory_space<hbm>>
        %dma_wait3A_39 = arith.constant 0 : i32
        %dma_wait3A_40 = tpu.memref_slice %dma_wait3A_38[%mul3A_28, %dma_wait3A_39] : memref<10000x16xf32, #tpu.memory_space<hbm>> -> memref<640x16xf32, #tpu.memory_space<hbm>>
        %dma_wait3A_41 = arith.constant 0 : i32
        %dma_wait3A_42 = tpu.memref_slice %arg8[%mul3A_26, %dma_wait3A_41] : memref<10000x16xf32, #tpu.memory_space<vmem_shared>> -> memref<640x16xf32, #tpu.memory_space<vmem_shared>>
        tpu.wait_dma2 semaphore(%run_scoped3A : memref<!tpu.dma_semaphore, #tpu.memory_space<semaphore_mem>>) src(%dma_wait3A_42 : memref<640x16xf32, #tpu.memory_space<vmem_shared>>) dst(%dma_wait3A_40 : memref<640x16xf32, #tpu.memory_space<hbm>>)
        tpu.yield
      }) : () -> ()
    } else {
    }
    %eq3A_19 = arith.constant 15 : i32
    %eq3A_20 = arith.cmpi eq, %arg1, %eq3A_19 : i32
    %convert_element_type3A_21 = arith.extui %eq3A_20 : i1 to i32
    %cond3A_22 = arith.constant 0 : i32
    %cond3A_23 = arith.cmpi ne, %convert_element_type3A_21, %cond3A_22 : i32
    scf.if %cond3A_23 {
      %mul3A_25 = arith.constant 640 : i32
      %mul3A_26 = arith.muli %arg1, %mul3A_25 : i32
      %mul3A_27 = arith.constant 640 : i32
      %mul3A_28 = arith.muli %arg1, %mul3A_27 : i32
      "tpu.region"() ({
        %run_scoped3A = tpu.sem_alloc : memref<!tpu.dma_semaphore, #tpu.memory_space<semaphore_mem>>
        %dma_start3A = arith.constant 0 : i32
        %dma_start3A_29 = arith.constant 0 : i32
        %dma_start3A_30 = tpu.memref_slice %arg5[%arg0, %dma_start3A, %dma_start3A_29] : memref<2x10000x16xf32, #tpu.memory_space<hbm>> -> memref<1x10000x16xf32, #tpu.memory_space<hbm>>
        %dma_start3A_31 = tpu.memref_squeeze %dma_start3A_30 : memref<1x10000x16xf32, #tpu.memory_space<hbm>> -> memref<10000x16xf32, #tpu.memory_space<hbm>>
        %dma_start3A_32 = arith.constant 0 : i32
        %dma_start3A_33 = tpu.memref_slice %dma_start3A_31[%mul3A_28, %dma_start3A_32] : memref<10000x16xf32, #tpu.memory_space<hbm>> -> memref<400x16xf32, #tpu.memory_space<hbm>>
        %dma_start3A_34 = arith.constant 0 : i32
        %dma_start3A_35 = tpu.memref_slice %arg8[%mul3A_26, %dma_start3A_34] : memref<10000x16xf32, #tpu.memory_space<vmem_shared>> -> memref<400x16xf32, #tpu.memory_space<vmem_shared>>
        tpu.enqueue_dma source(%dma_start3A_35 : memref<400x16xf32, #tpu.memory_space<vmem_shared>>) target(%dma_start3A_33 : memref<400x16xf32, #tpu.memory_space<hbm>>) target_semaphore(%run_scoped3A : memref<!tpu.dma_semaphore, #tpu.memory_space<semaphore_mem>>)
        %dma_wait3A = arith.constant 0 : i32
        %dma_wait3A_36 = arith.constant 0 : i32
        %dma_wait3A_37 = tpu.memref_slice %arg5[%arg0, %dma_wait3A, %dma_wait3A_36] : memref<2x10000x16xf32, #tpu.memory_space<hbm>> -> memref<1x10000x16xf32, #tpu.memory_space<hbm>>
        %dma_wait3A_38 = tpu.memref_squeeze %dma_wait3A_37 : memref<1x10000x16xf32, #tpu.memory_space<hbm>> -> memref<10000x16xf32, #tpu.memory_space<hbm>>
        %dma_wait3A_39 = arith.constant 0 : i32
        %dma_wait3A_40 = tpu.memref_slice %dma_wait3A_38[%mul3A_28, %dma_wait3A_39] : memref<10000x16xf32, #tpu.memory_space<hbm>> -> memref<400x16xf32, #tpu.memory_space<hbm>>
        %dma_wait3A_41 = arith.constant 0 : i32
        %dma_wait3A_42 = tpu.memref_slice %arg8[%mul3A_26, %dma_wait3A_41] : memref<10000x16xf32, #tpu.memory_space<vmem_shared>> -> memref<400x16xf32, #tpu.memory_space<vmem_shared>>
        tpu.wait_dma2 semaphore(%run_scoped3A : memref<!tpu.dma_semaphore, #tpu.memory_space<semaphore_mem>>) src(%dma_wait3A_42 : memref<400x16xf32, #tpu.memory_space<vmem_shared>>) dst(%dma_wait3A_40 : memref<400x16xf32, #tpu.memory_space<hbm>>)
        tpu.yield
      }) : () -> ()
    } else {
    }
    %barrier3A_24 = arith.constant 0 : index
    tpu.barrier barrier_id(%barrier3A_24)
    return
  }
}

module attributes {stable_mosaic.version = 14 : i64} {
  func.func @body(%arg0: i32, %arg1: memref<2x400x16xf32, #tpu.memory_space<vmem>>, %arg2: memref<3x400x2xf32, #tpu.memory_space<vmem>>, %arg3: memref<400x128xf32, #tpu.memory_space<vmem>>, %arg4: memref<400x8xf32, #tpu.memory_space<vmem>>) attributes {dimension_semantics = [#tpu.dimension_semantics<arbitrary>], iteration_bounds = array<i64: 25>, scalar_prefetch = 0 : i64, scratch_operands = 0 : i64, tpu.core_type = #tpu.core_type<tc>, window_params = [{transform_indices = @transform_0, window_bounds = array<i64: 2, 400, 16>}, {transform_indices = @transform_1, window_bounds = array<i64: 3, 400, 2>}, {transform_indices = @transform_2, window_bounds = array<i64: 400, 128>}, {transform_indices = @transform_3, window_bounds = array<i64: 400, 8>}]} {
    %get3A = arith.constant 0 : index
    %get3A_0 = arith.constant 0 : index
    %get3A_1 = arith.constant 0 : index
    %get3A_2 = vector.load %arg1[%get3A, %get3A_0, %get3A_1] : memref<2x400x16xf32, #tpu.memory_space<vmem>>, vector<1x400x1xf32>
    %get3A_3 = vector.shape_cast %get3A_2 : vector<1x400x1xf32> to vector<400x1xf32>
    %add3A = arith.constant 1.000000e+00 : f32
    %add3A_4 = vector.broadcast %add3A : f32 to vector<400x1xf32>
    %add3A_5 = arith.addf %add3A_4, %get3A_3 : vector<400x1xf32>
    %get3A_6 = arith.constant 1 : index
    %get3A_7 = arith.constant 0 : index
    %get3A_8 = arith.constant 0 : index
    %get3A_9 = vector.load %arg1[%get3A_6, %get3A_7, %get3A_8] : memref<2x400x16xf32, #tpu.memory_space<vmem>>, vector<1x400x1xf32>
    %get3A_10 = vector.shape_cast %get3A_9 : vector<1x400x1xf32> to vector<400x1xf32>
    %add3A_11 = arith.addf %add3A_5, %get3A_10 : vector<400x1xf32>
    %rsqrt3A = math.rsqrt %add3A_11 : vector<400x1xf32>
    %broadcast_in_dim3A = vector.shape_cast %rsqrt3A : vector<400x1xf32> to vector<400x1xf32>
    %broadcast_in_dim3A_12 = vector.broadcast %broadcast_in_dim3A : vector<400x1xf32> to vector<400x8xf32>
    %swap3A = arith.constant 0 : index
    %swap3A_13 = arith.constant 0 : index
    %swap3A_14 = vector.load %arg4[%swap3A, %swap3A_13] : memref<400x8xf32, #tpu.memory_space<vmem>>, vector<400x8xf32>
    tpu.vector_store %arg4[%swap3A, %swap3A_13], %broadcast_in_dim3A_12 {strides = array<i32>} : memref<400x8xf32, #tpu.memory_space<vmem>>, vector<400x8xf32>,
    %get3A_15 = arith.constant 0 : index
    %get3A_16 = arith.constant 0 : index
    %get3A_17 = arith.constant 0 : index
    %get3A_18 = vector.load %arg2[%get3A_15, %get3A_16, %get3A_17] : memref<3x400x2xf32, #tpu.memory_space<vmem>>, vector<1x400x2xf32>
    %get3A_19 = vector.shape_cast %get3A_18 : vector<1x400x2xf32> to vector<400x2xf32>
    %mul3A = vector.broadcast %rsqrt3A : vector<400x1xf32> to vector<400x2xf32>
    %mul3A_20 = arith.mulf %mul3A, %get3A_19 : vector<400x2xf32>
    %get3A_21 = arith.constant 1 : index
    %get3A_22 = arith.constant 0 : index
    %get3A_23 = arith.constant 0 : index
    %get3A_24 = vector.load %arg2[%get3A_21, %get3A_22, %get3A_23] : memref<3x400x2xf32, #tpu.memory_space<vmem>>, vector<1x400x2xf32>
    %get3A_25 = vector.shape_cast %get3A_24 : vector<1x400x2xf32> to vector<400x2xf32>
    %mul3A_26 = vector.broadcast %rsqrt3A : vector<400x1xf32> to vector<400x2xf32>
    %mul3A_27 = arith.mulf %mul3A_26, %get3A_25 : vector<400x2xf32>
    %get3A_28 = arith.constant 2 : index
    %get3A_29 = arith.constant 0 : index
    %get3A_30 = arith.constant 0 : index
    %get3A_31 = vector.load %arg2[%get3A_28, %get3A_29, %get3A_30] : memref<3x400x2xf32, #tpu.memory_space<vmem>>, vector<1x400x2xf32>
    %get3A_32 = vector.shape_cast %get3A_31 : vector<1x400x2xf32> to vector<400x2xf32>
    %mul3A_33 = vector.broadcast %rsqrt3A : vector<400x1xf32> to vector<400x2xf32>
    %mul3A_34 = arith.mulf %mul3A_33, %get3A_32 : vector<400x2xf32>
    %broadcast_in_dim3A_35 = arith.constant 0.000000e+00 : f32
    %broadcast_in_dim3A_36 = vector.broadcast %broadcast_in_dim3A_35 : f32 to vector<400x122xf32>
    %concatenate3A = tpu.concatenate %mul3A_20, %mul3A_27, %mul3A_34, %broadcast_in_dim3A_36 in 1 : vector<400x2xf32>, vector<400x2xf32>, vector<400x2xf32>, vector<400x122xf32> -> vector<400x128xf32>
    %swap3A_37 = arith.constant 0 : index
    %swap3A_38 = arith.constant 0 : index
    %swap3A_39 = vector.load %arg3[%swap3A_37, %swap3A_38] : memref<400x128xf32, #tpu.memory_space<vmem>>, vector<400x128xf32>
    tpu.vector_store %arg3[%swap3A_37, %swap3A_38], %concatenate3A {strides = array<i32>} : memref<400x128xf32, #tpu.memory_space<vmem>>, vector<400x128xf32>,
    return
  }
  func.func @transform_0(%arg0: i32) -> (i32, i32, i32) {
    %c0_i32 = arith.constant 0 : i32
    %c0_i32_0 = arith.constant 0 : i32
    %c0_i32_1 = arith.constant 0 : i32
    return %c0_i32, %arg0, %c0_i32_0 : i32, i32, i32
  }
  func.func @transform_1(%arg0: i32) -> (i32, i32, i32) {
    %c0_i32 = arith.constant 0 : i32
    %c0_i32_0 = arith.constant 0 : i32
    %c0_i32_1 = arith.constant 0 : i32
    return %c0_i32, %arg0, %c0_i32_0 : i32, i32, i32
  }
  func.func @transform_2(%arg0: i32) -> (i32, i32) {
    %c0_i32 = arith.constant 0 : i32
    %c0_i32_0 = arith.constant 0 : i32
    return %arg0, %c0_i32 : i32, i32
  }
  func.func @transform_3(%arg0: i32) -> (i32, i32) {
    %c0_i32 = arith.constant 0 : i32
    %c0_i32_0 = arith.constant 0 : i32
    return %arg0, %c0_i32 : i32, i32
  }
}

module attributes {stable_mosaic.version = 14 : i64} {
  func.func @body(%arg0: i32, %arg1: memref<2x400x16xf32, #tpu.memory_space<vmem>>, %arg2: memref<400x128xf32, #tpu.memory_space<vmem>>, %arg3: memref<400x8xf32, #tpu.memory_space<vmem>>, %arg4: memref<2x128xf32, #tpu.memory_space<vmem>>, %arg5: memref<1x128xf32, #tpu.memory_space<vmem>>, %arg6: memref<400x128xf32, #tpu.memory_space<vmem>>, %arg7: memref<400x128xf32, #tpu.memory_space<vmem>>, %arg8: memref<400x128xf32, #tpu.memory_space<vmem>>) attributes {dimension_semantics = [#tpu.dimension_semantics<arbitrary>], iteration_bounds = array<i64: 25>, scalar_prefetch = 0 : i64, scratch_operands = 0 : i64, tpu.core_type = #tpu.core_type<tc>, window_params = [{transform_indices = @transform_0, window_bounds = array<i64: 2, 400, 16>}, {transform_indices = @transform_1, window_bounds = array<i64: 400, 128>}, {transform_indices = @transform_2, window_bounds = array<i64: 400, 8>}, {pipeline_mode = #tpu.pipeline_mode<synchronous>, transform_indices = @transform_3, window_bounds = array<i64: 2, 128>}, {pipeline_mode = #tpu.pipeline_mode<synchronous>, transform_indices = @transform_4, window_bounds = array<i64: 1, 128>}, {transform_indices = @transform_5, window_bounds = array<i64: 400, 128>}, {transform_indices = @transform_6, window_bounds = array<i64: 400, 128>}, {transform_indices = @transform_7, window_bounds = array<i64: 400, 128>}]} {
    %get3A = arith.constant 0 : index
    %get3A_0 = arith.constant 0 : index
    %get3A_1 = vector.load %arg3[%get3A, %get3A_0] : memref<400x8xf32, #tpu.memory_space<vmem>>, vector<400x1xf32>
    %get3A_2 = arith.constant 0 : index
    %get3A_3 = arith.constant 0 : index
    %get3A_4 = arith.constant 0 : index
    %get3A_5 = vector.load %arg1[%get3A_2, %get3A_3, %get3A_4] : memref<2x400x16xf32, #tpu.memory_space<vmem>>, vector<1x400x2xf32>
    %get3A_6 = vector.shape_cast %get3A_5 : vector<1x400x2xf32> to vector<400x2xf32>
    %get3A_7 = arith.constant 1 : index
    %get3A_8 = arith.constant 0 : index
    %get3A_9 = arith.constant 0 : index
    %get3A_10 = vector.load %arg1[%get3A_7, %get3A_8, %get3A_9] : memref<2x400x16xf32, #tpu.memory_space<vmem>>, vector<1x400x2xf32>
    %get3A_11 = vector.shape_cast %get3A_10 : vector<1x400x2xf32> to vector<400x2xf32>
    %add3A = arith.addf %get3A_6, %get3A_11 : vector<400x2xf32>
    %get3A_12 = arith.constant 0 : index
    %get3A_13 = arith.constant 0 : index
    %get3A_14 = vector.load %arg2[%get3A_12, %get3A_13] : memref<400x128xf32, #tpu.memory_space<vmem>>, vector<400x2xf32>
    %add3A_15 = arith.addf %add3A, %get3A_14 : vector<400x2xf32>
    %mul3A = vector.broadcast %get3A_1 : vector<400x1xf32> to vector<400x2xf32>
    %mul3A_16 = arith.mulf %mul3A, %add3A_15 : vector<400x2xf32>
    %get3A_17 = arith.constant 0 : index
    %get3A_18 = arith.constant 0 : index
    %get3A_19 = vector.load %arg4[%get3A_17, %get3A_18] : memref<2x128xf32, #tpu.memory_space<vmem>>, vector<2x128xf32>
    %dot_general3A = arith.constant dense<0.000000e+00> : vector<400x128xf32>
    %dot_general3A_20 = tpu.matmul %mul3A_16, %get3A_19, %dot_general3A {dimension_numbers = #tpu.dot_dimension_numbers<[1], [0], [0], [1], [0, 0, 1, 1], [], []>, transpose_lhs_hint = false} : vector<400x2xf32>, vector<2x128xf32>, vector<400x128xf32> -> vector<400x128xf32>
    %get3A_21 = arith.constant 0 : index
    %get3A_22 = arith.constant 0 : index
    %get3A_23 = vector.load %arg5[%get3A_21, %get3A_22] : memref<1x128xf32, #tpu.memory_space<vmem>>, vector<1x128xf32>
    %add3A_24 = vector.broadcast %get3A_23 : vector<1x128xf32> to vector<400x128xf32>
    %add3A_25 = arith.addf %dot_general3A_20, %add3A_24 : vector<400x128xf32>
    %max3A = arith.constant 0.000000e+00 : f32
    %max3A_26 = vector.broadcast %max3A : f32 to vector<400x128xf32>
    %max3A_27 = arith.maximumf %add3A_25, %max3A_26 : vector<400x128xf32>
    %mul3A_28 = vector.broadcast %get3A_1 : vector<400x1xf32> to vector<400x128xf32>
    %mul3A_29 = arith.mulf %mul3A_28, %max3A_27 : vector<400x128xf32>
    %swap3A = arith.constant 0 : index
    %swap3A_30 = arith.constant 0 : index
    %swap3A_31 = vector.load %arg6[%swap3A, %swap3A_30] : memref<400x128xf32, #tpu.memory_space<vmem>>, vector<400x128xf32>
    tpu.vector_store %arg6[%swap3A, %swap3A_30], %mul3A_29 {strides = array<i32>} : memref<400x128xf32, #tpu.memory_space<vmem>>, vector<400x128xf32>,
    %get3A_32 = arith.constant 0 : index
    %get3A_33 = arith.constant 0 : index
    %get3A_34 = arith.constant 2 : index
    %get3A_35 = vector.load %arg1[%get3A_32, %get3A_33, %get3A_34] : memref<2x400x16xf32, #tpu.memory_space<vmem>>, vector<1x400x2xf32>
    %get3A_36 = vector.shape_cast %get3A_35 : vector<1x400x2xf32> to vector<400x2xf32>
    %get3A_37 = arith.constant 1 : index
    %get3A_38 = arith.constant 0 : index
    %get3A_39 = arith.constant 2 : index
    %get3A_40 = vector.load %arg1[%get3A_37, %get3A_38, %get3A_39] : memref<2x400x16xf32, #tpu.memory_space<vmem>>, vector<1x400x2xf32>
    %get3A_41 = vector.shape_cast %get3A_40 : vector<1x400x2xf32> to vector<400x2xf32>
    %add3A_42 = arith.addf %get3A_36, %get3A_41 : vector<400x2xf32>
    %get3A_43 = arith.constant 0 : index
    %get3A_44 = arith.constant 2 : index
    %get3A_45 = vector.load %arg2[%get3A_43, %get3A_44] : memref<400x128xf32, #tpu.memory_space<vmem>>, vector<400x2xf32>
    %add3A_46 = arith.addf %add3A_42, %get3A_45 : vector<400x2xf32>
    %mul3A_47 = vector.broadcast %get3A_1 : vector<400x1xf32> to vector<400x2xf32>
    %mul3A_48 = arith.mulf %mul3A_47, %add3A_46 : vector<400x2xf32>
    %get3A_49 = arith.constant 0 : index
    %get3A_50 = arith.constant 0 : index
    %get3A_51 = vector.load %arg4[%get3A_49, %get3A_50] : memref<2x128xf32, #tpu.memory_space<vmem>>, vector<2x128xf32>
    %dot_general3A_52 = arith.constant dense<0.000000e+00> : vector<400x128xf32>
    %dot_general3A_53 = tpu.matmul %mul3A_48, %get3A_51, %dot_general3A_52 {dimension_numbers = #tpu.dot_dimension_numbers<[1], [0], [0], [1], [0, 0, 1, 1], [], []>, transpose_lhs_hint = false} : vector<400x2xf32>, vector<2x128xf32>, vector<400x128xf32> -> vector<400x128xf32>
    %get3A_54 = arith.constant 0 : index
    %get3A_55 = arith.constant 0 : index
    %get3A_56 = vector.load %arg5[%get3A_54, %get3A_55] : memref<1x128xf32, #tpu.memory_space<vmem>>, vector<1x128xf32>
    %add3A_57 = vector.broadcast %get3A_56 : vector<1x128xf32> to vector<400x128xf32>
    %add3A_58 = arith.addf %dot_general3A_53, %add3A_57 : vector<400x128xf32>
    %max3A_59 = arith.constant 0.000000e+00 : f32
    %max3A_60 = vector.broadcast %max3A_59 : f32 to vector<400x128xf32>
    %max3A_61 = arith.maximumf %add3A_58, %max3A_60 : vector<400x128xf32>
    %mul3A_62 = vector.broadcast %get3A_1 : vector<400x1xf32> to vector<400x128xf32>
    %mul3A_63 = arith.mulf %mul3A_62, %max3A_61 : vector<400x128xf32>
    %swap3A_64 = arith.constant 0 : index
    %swap3A_65 = arith.constant 0 : index
    %swap3A_66 = vector.load %arg7[%swap3A_64, %swap3A_65] : memref<400x128xf32, #tpu.memory_space<vmem>>, vector<400x128xf32>
    tpu.vector_store %arg7[%swap3A_64, %swap3A_65], %mul3A_63 {strides = array<i32>} : memref<400x128xf32, #tpu.memory_space<vmem>>, vector<400x128xf32>,
    %get3A_67 = arith.constant 0 : index
    %get3A_68 = arith.constant 0 : index
    %get3A_69 = arith.constant 4 : index
    %get3A_70 = vector.load %arg1[%get3A_67, %get3A_68, %get3A_69] : memref<2x400x16xf32, #tpu.memory_space<vmem>>, vector<1x400x2xf32>
    %get3A_71 = vector.shape_cast %get3A_70 : vector<1x400x2xf32> to vector<400x2xf32>
    %get3A_72 = arith.constant 1 : index
    %get3A_73 = arith.constant 0 : index
    %get3A_74 = arith.constant 4 : index
    %get3A_75 = vector.load %arg1[%get3A_72, %get3A_73, %get3A_74] : memref<2x400x16xf32, #tpu.memory_space<vmem>>, vector<1x400x2xf32>
    %get3A_76 = vector.shape_cast %get3A_75 : vector<1x400x2xf32> to vector<400x2xf32>
    %add3A_77 = arith.addf %get3A_71, %get3A_76 : vector<400x2xf32>
    %get3A_78 = arith.constant 0 : index
    %get3A_79 = arith.constant 4 : index
    %get3A_80 = vector.load %arg2[%get3A_78, %get3A_79] : memref<400x128xf32, #tpu.memory_space<vmem>>, vector<400x2xf32>
    %add3A_81 = arith.addf %add3A_77, %get3A_80 : vector<400x2xf32>
    %mul3A_82 = vector.broadcast %get3A_1 : vector<400x1xf32> to vector<400x2xf32>
    %mul3A_83 = arith.mulf %mul3A_82, %add3A_81 : vector<400x2xf32>
    %get3A_84 = arith.constant 0 : index
    %get3A_85 = arith.constant 0 : index
    %get3A_86 = vector.load %arg4[%get3A_84, %get3A_85] : memref<2x128xf32, #tpu.memory_space<vmem>>, vector<2x128xf32>
    %dot_general3A_87 = arith.constant dense<0.000000e+00> : vector<400x128xf32>
    %dot_general3A_88 = tpu.matmul %mul3A_83, %get3A_86, %dot_general3A_87 {dimension_numbers = #tpu.dot_dimension_numbers<[1], [0], [0], [1], [0, 0, 1, 1], [], []>, transpose_lhs_hint = false} : vector<400x2xf32>, vector<2x128xf32>, vector<400x128xf32> -> vector<400x128xf32>
    %get3A_89 = arith.constant 0 : index
    %get3A_90 = arith.constant 0 : index
    %get3A_91 = vector.load %arg5[%get3A_89, %get3A_90] : memref<1x128xf32, #tpu.memory_space<vmem>>, vector<1x128xf32>
    %add3A_92 = vector.broadcast %get3A_91 : vector<1x128xf32> to vector<400x128xf32>
    %add3A_93 = arith.addf %dot_general3A_88, %add3A_92 : vector<400x128xf32>
    %max3A_94 = arith.constant 0.000000e+00 : f32
    %max3A_95 = vector.broadcast %max3A_94 : f32 to vector<400x128xf32>
    %max3A_96 = arith.maximumf %add3A_93, %max3A_95 : vector<400x128xf32>
    %mul3A_97 = vector.broadcast %get3A_1 : vector<400x1xf32> to vector<400x128xf32>
    %mul3A_98 = arith.mulf %mul3A_97, %max3A_96 : vector<400x128xf32>
    %swap3A_99 = arith.constant 0 : index
    %swap3A_100 = arith.constant 0 : index
    %swap3A_101 = vector.load %arg8[%swap3A_99, %swap3A_100] : memref<400x128xf32, #tpu.memory_space<vmem>>, vector<400x128xf32>
    tpu.vector_store %arg8[%swap3A_99, %swap3A_100], %mul3A_98 {strides = array<i32>} : memref<400x128xf32, #tpu.memory_space<vmem>>, vector<400x128xf32>,
    return
  }
  func.func @transform_0(%arg0: i32) -> (i32, i32, i32) {
    %c0_i32 = arith.constant 0 : i32
    %c0_i32_0 = arith.constant 0 : i32
    %c0_i32_1 = arith.constant 0 : i32
    return %c0_i32, %arg0, %c0_i32_0 : i32, i32, i32
  }
  func.func @transform_1(%arg0: i32) -> (i32, i32) {
    %c0_i32 = arith.constant 0 : i32
    %c0_i32_0 = arith.constant 0 : i32
    return %arg0, %c0_i32 : i32, i32
  }
  func.func @transform_2(%arg0: i32) -> (i32, i32) {
    %c0_i32 = arith.constant 0 : i32
    %c0_i32_0 = arith.constant 0 : i32
    return %arg0, %c0_i32 : i32, i32
  }
  func.func @transform_3(%arg0: i32) -> (i32, i32) {
    %c0_i32 = arith.constant 0 : i32
    %c0_i32_0 = arith.constant 0 : i32
    %c0_i32_1 = arith.constant 0 : i32
    return %c0_i32, %c0_i32_0 : i32, i32
  }
  func.func @transform_4(%arg0: i32) -> (i32, i32) {
    %c0_i32 = arith.constant 0 : i32
    %c0_i32_0 = arith.constant 0 : i32
    %c0_i32_1 = arith.constant 0 : i32
    return %c0_i32, %c0_i32_0 : i32, i32
  }
  func.func @transform_5(%arg0: i32) -> (i32, i32) {
    %c0_i32 = arith.constant 0 : i32
    %c0_i32_0 = arith.constant 0 : i32
    return %arg0, %c0_i32 : i32, i32
  }
  func.func @transform_6(%arg0: i32) -> (i32, i32) {
    %c0_i32 = arith.constant 0 : i32
    %c0_i32_0 = arith.constant 0 : i32
    return %arg0, %c0_i32 : i32, i32
  }
  func.func @transform_7(%arg0: i32) -> (i32, i32) {
    %c0_i32 = arith.constant 0 : i32
    %c0_i32_0 = arith.constant 0 : i32
    return %arg0, %c0_i32 : i32, i32
  }
}

module attributes {stable_mosaic.version = 14 : i64} {
  func.func @body(%arg0: i32, %arg1: memref<3x400x2xf32, #tpu.memory_space<vmem>>, %arg2: memref<2x128xf32, #tpu.memory_space<vmem>>, %arg3: memref<1x128xf32, #tpu.memory_space<vmem>>, %arg4: memref<128x128xf32, #tpu.memory_space<vmem>>, %arg5: memref<1x128xf32, #tpu.memory_space<vmem>>, %arg6: memref<3x128x128xf32, #tpu.memory_space<vmem>>, %arg7: memref<1x128xf32, #tpu.memory_space<vmem>>, %arg8: memref<3x128x128xf32, #tpu.memory_space<vmem>>, %arg9: memref<1x128xf32, #tpu.memory_space<vmem>>, %arg10: memref<1x128xf32, #tpu.memory_space<vmem>>, %arg11: memref<1x1xf32, #tpu.memory_space<vmem>>, %arg12: memref<400x1xf32, #tpu.memory_space<vmem>>) attributes {dimension_semantics = [#tpu.dimension_semantics<arbitrary>], iteration_bounds = array<i64: 75>, scalar_prefetch = 0 : i64, scratch_operands = 0 : i64, tpu.core_type = #tpu.core_type<tc>, window_params = [{transform_indices = @transform_0, window_bounds = array<i64: 3, 400, 2>}, {pipeline_mode = #tpu.pipeline_mode<synchronous>, transform_indices = @transform_1, window_bounds = array<i64: 2, 128>}, {pipeline_mode = #tpu.pipeline_mode<synchronous>, transform_indices = @transform_2, window_bounds = array<i64: 1, 128>}, {pipeline_mode = #tpu.pipeline_mode<synchronous>, transform_indices = @transform_3, window_bounds = array<i64: 128, 128>}, {pipeline_mode = #tpu.pipeline_mode<synchronous>, transform_indices = @transform_4, window_bounds = array<i64: 1, 128>}, {pipeline_mode = #tpu.pipeline_mode<synchronous>, transform_indices = @transform_5, window_bounds = array<i64: 3, 128, 128>}, {pipeline_mode = #tpu.pipeline_mode<synchronous>, transform_indices = @transform_6, window_bounds = array<i64: 1, 128>}, {pipeline_mode = #tpu.pipeline_mode<synchronous>, transform_indices = @transform_7, window_bounds = array<i64: 3, 128, 128>}, {pipeline_mode = #tpu.pipeline_mode<synchronous>, transform_indices = @transform_8, window_bounds = array<i64: 1, 128>}, {pipeline_mode = #tpu.pipeline_mode<synchronous>, transform_indices = @transform_9, window_bounds = array<i64: 1, 128>}, {pipeline_mode = #tpu.pipeline_mode<synchronous>, transform_indices = @transform_10, window_bounds = array<i64: 1, 1>}, {transform_indices = @transform_11, window_bounds = array<i64: 400, 1>}]} {
    %get3A = arith.constant 0 : index
    %get3A_0 = arith.constant 0 : index
    %get3A_1 = arith.constant 0 : index
    %get3A_2 = vector.load %arg1[%get3A, %get3A_0, %get3A_1] : memref<3x400x2xf32, #tpu.memory_space<vmem>>, vector<1x400x2xf32>
    %get3A_3 = vector.shape_cast %get3A_2 : vector<1x400x2xf32> to vector<400x2xf32>
    %get3A_4 = arith.constant 0 : index
    %get3A_5 = arith.constant 0 : index
    %get3A_6 = vector.load %arg2[%get3A_4, %get3A_5] : memref<2x128xf32, #tpu.memory_space<vmem>>, vector<2x128xf32>
    %dot_general3A = arith.constant dense<0.000000e+00> : vector<400x128xf32>
    %dot_general3A_7 = tpu.matmul %get3A_3, %get3A_6, %dot_general3A {dimension_numbers = #tpu.dot_dimension_numbers<[1], [0], [0], [1], [0, 0, 1, 1], [], []>, transpose_lhs_hint = false} : vector<400x2xf32>, vector<2x128xf32>, vector<400x128xf32> -> vector<400x128xf32>
    %get3A_8 = arith.constant 0 : index
    %get3A_9 = arith.constant 0 : index
    %get3A_10 = vector.load %arg3[%get3A_8, %get3A_9] : memref<1x128xf32, #tpu.memory_space<vmem>>, vector<1x128xf32>
    %add3A = vector.broadcast %get3A_10 : vector<1x128xf32> to vector<400x128xf32>
    %add3A_11 = arith.addf %dot_general3A_7, %add3A : vector<400x128xf32>
    %max3A = arith.constant 0.000000e+00 : f32
    %max3A_12 = vector.broadcast %max3A : f32 to vector<400x128xf32>
    %max3A_13 = arith.maximumf %add3A_11, %max3A_12 : vector<400x128xf32>
    %get3A_14 = arith.constant 0 : index
    %get3A_15 = arith.constant 0 : index
    %get3A_16 = vector.load %arg4[%get3A_14, %get3A_15] : memref<128x128xf32, #tpu.memory_space<vmem>>, vector<128x128xf32>
    %dot_general3A_17 = arith.constant dense<0.000000e+00> : vector<400x128xf32>
    %dot_general3A_18 = tpu.matmul %max3A_13, %get3A_16, %dot_general3A_17 {dimension_numbers = #tpu.dot_dimension_numbers<[1], [0], [0], [1], [0, 0, 1, 1], [], []>, transpose_lhs_hint = false} : vector<400x128xf32>, vector<128x128xf32>, vector<400x128xf32> -> vector<400x128xf32>
    %get3A_19 = arith.constant 0 : index
    %get3A_20 = arith.constant 0 : index
    %get3A_21 = vector.load %arg5[%get3A_19, %get3A_20] : memref<1x128xf32, #tpu.memory_space<vmem>>, vector<1x128xf32>
    %add3A_22 = vector.broadcast %get3A_21 : vector<1x128xf32> to vector<400x128xf32>
    %add3A_23 = arith.addf %dot_general3A_18, %add3A_22 : vector<400x128xf32>
    %max3A_24 = arith.constant 0.000000e+00 : f32
    %max3A_25 = vector.broadcast %max3A_24 : f32 to vector<400x128xf32>
    %max3A_26 = arith.maximumf %add3A_23, %max3A_25 : vector<400x128xf32>
    %get3A_27 = arith.constant 1 : index
    %get3A_28 = arith.constant 0 : index
    %get3A_29 = arith.constant 0 : index
    %get3A_30 = vector.load %arg1[%get3A_27, %get3A_28, %get3A_29] : memref<3x400x2xf32, #tpu.memory_space<vmem>>, vector<1x400x2xf32>
    %get3A_31 = vector.shape_cast %get3A_30 : vector<1x400x2xf32> to vector<400x2xf32>
    %get3A_32 = arith.constant 0 : index
    %get3A_33 = arith.constant 0 : index
    %get3A_34 = vector.load %arg2[%get3A_32, %get3A_33] : memref<2x128xf32, #tpu.memory_space<vmem>>, vector<2x128xf32>
    %dot_general3A_35 = arith.constant dense<0.000000e+00> : vector<400x128xf32>
    %dot_general3A_36 = tpu.matmul %get3A_31, %get3A_34, %dot_general3A_35 {dimension_numbers = #tpu.dot_dimension_numbers<[1], [0], [0], [1], [0, 0, 1, 1], [], []>, transpose_lhs_hint = false} : vector<400x2xf32>, vector<2x128xf32>, vector<400x128xf32> -> vector<400x128xf32>
    %get3A_37 = arith.constant 0 : index
    %get3A_38 = arith.constant 0 : index
    %get3A_39 = vector.load %arg3[%get3A_37, %get3A_38] : memref<1x128xf32, #tpu.memory_space<vmem>>, vector<1x128xf32>
    %add3A_40 = vector.broadcast %get3A_39 : vector<1x128xf32> to vector<400x128xf32>
    %add3A_41 = arith.addf %dot_general3A_36, %add3A_40 : vector<400x128xf32>
    %max3A_42 = arith.constant 0.000000e+00 : f32
    %max3A_43 = vector.broadcast %max3A_42 : f32 to vector<400x128xf32>
    %max3A_44 = arith.maximumf %add3A_41, %max3A_43 : vector<400x128xf32>
    %get3A_45 = arith.constant 0 : index
    %get3A_46 = arith.constant 0 : index
    %get3A_47 = vector.load %arg4[%get3A_45, %get3A_46] : memref<128x128xf32, #tpu.memory_space<vmem>>, vector<128x128xf32>
    %dot_general3A_48 = arith.constant dense<0.000000e+00> : vector<400x128xf32>
    %dot_general3A_49 = tpu.matmul %max3A_44, %get3A_47, %dot_general3A_48 {dimension_numbers = #tpu.dot_dimension_numbers<[1], [0], [0], [1], [0, 0, 1, 1], [], []>, transpose_lhs_hint = false} : vector<400x128xf32>, vector<128x128xf32>, vector<400x128xf32> -> vector<400x128xf32>
    %get3A_50 = arith.constant 0 : index
    %get3A_51 = arith.constant 0 : index
    %get3A_52 = vector.load %arg5[%get3A_50, %get3A_51] : memref<1x128xf32, #tpu.memory_space<vmem>>, vector<1x128xf32>
    %add3A_53 = vector.broadcast %get3A_52 : vector<1x128xf32> to vector<400x128xf32>
    %add3A_54 = arith.addf %dot_general3A_49, %add3A_53 : vector<400x128xf32>
    %max3A_55 = arith.constant 0.000000e+00 : f32
    %max3A_56 = vector.broadcast %max3A_55 : f32 to vector<400x128xf32>
    %max3A_57 = arith.maximumf %add3A_54, %max3A_56 : vector<400x128xf32>
    %get3A_58 = arith.constant 2 : index
    %get3A_59 = arith.constant 0 : index
    %get3A_60 = arith.constant 0 : index
    %get3A_61 = vector.load %arg1[%get3A_58, %get3A_59, %get3A_60] : memref<3x400x2xf32, #tpu.memory_space<vmem>>, vector<1x400x2xf32>
    %get3A_62 = vector.shape_cast %get3A_61 : vector<1x400x2xf32> to vector<400x2xf32>
    %get3A_63 = arith.constant 0 : index
    %get3A_64 = arith.constant 0 : index
    %get3A_65 = vector.load %arg2[%get3A_63, %get3A_64] : memref<2x128xf32, #tpu.memory_space<vmem>>, vector<2x128xf32>
    %dot_general3A_66 = arith.constant dense<0.000000e+00> : vector<400x128xf32>
    %dot_general3A_67 = tpu.matmul %get3A_62, %get3A_65, %dot_general3A_66 {dimension_numbers = #tpu.dot_dimension_numbers<[1], [0], [0], [1], [0, 0, 1, 1], [], []>, transpose_lhs_hint = false} : vector<400x2xf32>, vector<2x128xf32>, vector<400x128xf32> -> vector<400x128xf32>
    %get3A_68 = arith.constant 0 : index
    %get3A_69 = arith.constant 0 : index
    %get3A_70 = vector.load %arg3[%get3A_68, %get3A_69] : memref<1x128xf32, #tpu.memory_space<vmem>>, vector<1x128xf32>
    %add3A_71 = vector.broadcast %get3A_70 : vector<1x128xf32> to vector<400x128xf32>
    %add3A_72 = arith.addf %dot_general3A_67, %add3A_71 : vector<400x128xf32>
    %max3A_73 = arith.constant 0.000000e+00 : f32
    %max3A_74 = vector.broadcast %max3A_73 : f32 to vector<400x128xf32>
    %max3A_75 = arith.maximumf %add3A_72, %max3A_74 : vector<400x128xf32>
    %get3A_76 = arith.constant 0 : index
    %get3A_77 = arith.constant 0 : index
    %get3A_78 = vector.load %arg4[%get3A_76, %get3A_77] : memref<128x128xf32, #tpu.memory_space<vmem>>, vector<128x128xf32>
    %dot_general3A_79 = arith.constant dense<0.000000e+00> : vector<400x128xf32>
    %dot_general3A_80 = tpu.matmul %max3A_75, %get3A_78, %dot_general3A_79 {dimension_numbers = #tpu.dot_dimension_numbers<[1], [0], [0], [1], [0, 0, 1, 1], [], []>, transpose_lhs_hint = false} : vector<400x128xf32>, vector<128x128xf32>, vector<400x128xf32> -> vector<400x128xf32>
    %get3A_81 = arith.constant 0 : index
    %get3A_82 = arith.constant 0 : index
    %get3A_83 = vector.load %arg5[%get3A_81, %get3A_82] : memref<1x128xf32, #tpu.memory_space<vmem>>, vector<1x128xf32>
    %add3A_84 = vector.broadcast %get3A_83 : vector<1x128xf32> to vector<400x128xf32>
    %add3A_85 = arith.addf %dot_general3A_80, %add3A_84 : vector<400x128xf32>
    %max3A_86 = arith.constant 0.000000e+00 : f32
    %max3A_87 = vector.broadcast %max3A_86 : f32 to vector<400x128xf32>
    %max3A_88 = arith.maximumf %add3A_85, %max3A_87 : vector<400x128xf32>
    %get3A_89 = arith.constant 0 : index
    %get3A_90 = arith.constant 0 : index
    %get3A_91 = arith.constant 0 : index
    %get3A_92 = vector.load %arg6[%get3A_89, %get3A_90, %get3A_91] : memref<3x128x128xf32, #tpu.memory_space<vmem>>, vector<1x128x128xf32>
    %get3A_93 = vector.shape_cast %get3A_92 : vector<1x128x128xf32> to vector<128x128xf32>
    %get3A_94 = arith.constant 1 : index
    %get3A_95 = arith.constant 0 : index
    %get3A_96 = arith.constant 0 : index
    %get3A_97 = vector.load %arg6[%get3A_94, %get3A_95, %get3A_96] : memref<3x128x128xf32, #tpu.memory_space<vmem>>, vector<1x128x128xf32>
    %get3A_98 = vector.shape_cast %get3A_97 : vector<1x128x128xf32> to vector<128x128xf32>
    %get3A_99 = arith.constant 2 : index
    %get3A_100 = arith.constant 0 : index
    %get3A_101 = arith.constant 0 : index
    %get3A_102 = vector.load %arg6[%get3A_99, %get3A_100, %get3A_101] : memref<3x128x128xf32, #tpu.memory_space<vmem>>, vector<1x128x128xf32>
    %get3A_103 = vector.shape_cast %get3A_102 : vector<1x128x128xf32> to vector<128x128xf32>
    %get3A_104 = arith.constant 0 : index
    %get3A_105 = arith.constant 0 : index
    %get3A_106 = arith.constant 0 : index
    %get3A_107 = vector.load %arg8[%get3A_104, %get3A_105, %get3A_106] : memref<3x128x128xf32, #tpu.memory_space<vmem>>, vector<1x128x128xf32>
    %get3A_108 = vector.shape_cast %get3A_107 : vector<1x128x128xf32> to vector<128x128xf32>
    %get3A_109 = arith.constant 1 : index
    %get3A_110 = arith.constant 0 : index
    %get3A_111 = arith.constant 0 : index
    %get3A_112 = vector.load %arg8[%get3A_109, %get3A_110, %get3A_111] : memref<3x128x128xf32, #tpu.memory_space<vmem>>, vector<1x128x128xf32>
    %get3A_113 = vector.shape_cast %get3A_112 : vector<1x128x128xf32> to vector<128x128xf32>
    %get3A_114 = arith.constant 0 : index
    %get3A_115 = arith.constant 0 : index
    %get3A_116 = vector.load %arg7[%get3A_114, %get3A_115] : memref<1x128xf32, #tpu.memory_space<vmem>>, vector<1x128xf32>
    %dot_general3A_117 = arith.constant dense<0.000000e+00> : vector<400x128xf32>
    %dot_general3A_118 = tpu.matmul %max3A_26, %get3A_93, %dot_general3A_117 {dimension_numbers = #tpu.dot_dimension_numbers<[1], [0], [0], [1], [0, 0, 1, 1], [], []>, transpose_lhs_hint = false} : vector<400x128xf32>, vector<128x128xf32>, vector<400x128xf32> -> vector<400x128xf32>
    %dot_general3A_119 = arith.constant dense<0.000000e+00> : vector<400x128xf32>
    %dot_general3A_120 = tpu.matmul %max3A_57, %get3A_98, %dot_general3A_119 {dimension_numbers = #tpu.dot_dimension_numbers<[1], [0], [0], [1], [0, 0, 1, 1], [], []>, transpose_lhs_hint = false} : vector<400x128xf32>, vector<128x128xf32>, vector<400x128xf32> -> vector<400x128xf32>
    %add3A_121 = arith.addf %dot_general3A_118, %dot_general3A_120 : vector<400x128xf32>
    %dot_general3A_122 = arith.constant dense<0.000000e+00> : vector<400x128xf32>
    %dot_general3A_123 = tpu.matmul %max3A_88, %get3A_103, %dot_general3A_122 {dimension_numbers = #tpu.dot_dimension_numbers<[1], [0], [0], [1], [0, 0, 1, 1], [], []>, transpose_lhs_hint = false} : vector<400x128xf32>, vector<128x128xf32>, vector<400x128xf32> -> vector<400x128xf32>
    %add3A_124 = arith.addf %add3A_121, %dot_general3A_123 : vector<400x128xf32>
    %add3A_125 = vector.broadcast %get3A_116 : vector<1x128xf32> to vector<400x128xf32>
    %add3A_126 = arith.addf %add3A_124, %add3A_125 : vector<400x128xf32>
    %max3A_127 = arith.constant 0.000000e+00 : f32
    %max3A_128 = vector.broadcast %max3A_127 : f32 to vector<400x128xf32>
    %max3A_129 = arith.maximumf %add3A_126, %max3A_128 : vector<400x128xf32>
    %dot_general3A_130 = arith.constant dense<0.000000e+00> : vector<400x128xf32>
    %dot_general3A_131 = tpu.matmul %max3A_57, %get3A_93, %dot_general3A_130 {dimension_numbers = #tpu.dot_dimension_numbers<[1], [0], [0], [1], [0, 0, 1, 1], [], []>, transpose_lhs_hint = false} : vector<400x128xf32>, vector<128x128xf32>, vector<400x128xf32> -> vector<400x128xf32>
    %dot_general3A_132 = arith.constant dense<0.000000e+00> : vector<400x128xf32>
    %dot_general3A_133 = tpu.matmul %max3A_88, %get3A_98, %dot_general3A_132 {dimension_numbers = #tpu.dot_dimension_numbers<[1], [0], [0], [1], [0, 0, 1, 1], [], []>, transpose_lhs_hint = false} : vector<400x128xf32>, vector<128x128xf32>, vector<400x128xf32> -> vector<400x128xf32>
    %add3A_134 = arith.addf %dot_general3A_131, %dot_general3A_133 : vector<400x128xf32>
    %add3A_135 = vector.broadcast %get3A_116 : vector<1x128xf32> to vector<400x128xf32>
    %add3A_136 = arith.addf %add3A_134, %add3A_135 : vector<400x128xf32>
    %max3A_137 = arith.constant 0.000000e+00 : f32
    %max3A_138 = vector.broadcast %max3A_137 : f32 to vector<400x128xf32>
    %max3A_139 = arith.maximumf %add3A_136, %max3A_138 : vector<400x128xf32>
    %dot_general3A_140 = arith.constant dense<0.000000e+00> : vector<400x128xf32>
    %dot_general3A_141 = tpu.matmul %max3A_129, %get3A_108, %dot_general3A_140 {dimension_numbers = #tpu.dot_dimension_numbers<[1], [0], [0], [1], [0, 0, 1, 1], [], []>, transpose_lhs_hint = false} : vector<400x128xf32>, vector<128x128xf32>, vector<400x128xf32> -> vector<400x128xf32>
    %dot_general3A_142 = arith.constant dense<0.000000e+00> : vector<400x128xf32>
    %dot_general3A_143 = tpu.matmul %max3A_139, %get3A_113, %dot_general3A_142 {dimension_numbers = #tpu.dot_dimension_numbers<[1], [0], [0], [1], [0, 0, 1, 1], [], []>, transpose_lhs_hint = false} : vector<400x128xf32>, vector<128x128xf32>, vector<400x128xf32> -> vector<400x128xf32>
    %add3A_144 = arith.addf %dot_general3A_141, %dot_general3A_143 : vector<400x128xf32>
    %get3A_145 = arith.constant 0 : index
    %get3A_146 = arith.constant 0 : index
    %get3A_147 = vector.load %arg9[%get3A_145, %get3A_146] : memref<1x128xf32, #tpu.memory_space<vmem>>, vector<1x128xf32>
    %add3A_148 = vector.broadcast %get3A_147 : vector<1x128xf32> to vector<400x128xf32>
    %add3A_149 = arith.addf %add3A_144, %add3A_148 : vector<400x128xf32>
    %max3A_150 = arith.constant 0.000000e+00 : f32
    %max3A_151 = vector.broadcast %max3A_150 : f32 to vector<400x128xf32>
    %max3A_152 = arith.maximumf %add3A_149, %max3A_151 : vector<400x128xf32>
    %get3A_153 = arith.constant 0 : index
    %get3A_154 = arith.constant 0 : index
    %get3A_155 = vector.load %arg10[%get3A_153, %get3A_154] : memref<1x128xf32, #tpu.memory_space<vmem>>, vector<1x128xf32>
    %mul3A = vector.broadcast %get3A_155 : vector<1x128xf32> to vector<400x128xf32>
    %mul3A_156 = arith.mulf %max3A_152, %mul3A : vector<400x128xf32>
    %reduce_sum3A = arith.constant dense<0.000000e+00> : vector<400xf32>
    %reduce_sum3A_157 = vector.multi_reduction <add>, %mul3A_156, %reduce_sum3A [1] : vector<400x128xf32> to vector<400xf32>
    %broadcast_in_dim3A = vector.shape_cast %reduce_sum3A_157 : vector<400xf32> to vector<400x1xf32>
    %get3A_158 = arith.constant 0 : index
    %get3A_159 = arith.constant 0 : index
    %get3A_160 = vector.load %arg11[%get3A_158, %get3A_159] : memref<1x1xf32, #tpu.memory_space<vmem>>, vector<1x1xf32>
    %add3A_161 = vector.broadcast %get3A_160 : vector<1x1xf32> to vector<400x1xf32>
    %add3A_162 = arith.addf %broadcast_in_dim3A, %add3A_161 : vector<400x1xf32>
    %swap3A = arith.constant 0 : index
    %swap3A_163 = arith.constant 0 : index
    %swap3A_164 = vector.load %arg12[%swap3A, %swap3A_163] : memref<400x1xf32, #tpu.memory_space<vmem>>, vector<400x1xf32>
    tpu.vector_store %arg12[%swap3A, %swap3A_163], %add3A_162 {strides = array<i32>} : memref<400x1xf32, #tpu.memory_space<vmem>>, vector<400x1xf32>,
    return
  }
  func.func @transform_0(%arg0: i32) -> (i32, i32, i32) {
    %c0_i32 = arith.constant 0 : i32
    %c0_i32_0 = arith.constant 0 : i32
    %c0_i32_1 = arith.constant 0 : i32
    return %c0_i32, %arg0, %c0_i32_0 : i32, i32, i32
  }
  func.func @transform_1(%arg0: i32) -> (i32, i32) {
    %c0_i32 = arith.constant 0 : i32
    %c0_i32_0 = arith.constant 0 : i32
    %c0_i32_1 = arith.constant 0 : i32
    return %c0_i32, %c0_i32_0 : i32, i32
  }
  func.func @transform_2(%arg0: i32) -> (i32, i32) {
    %c0_i32 = arith.constant 0 : i32
    %c0_i32_0 = arith.constant 0 : i32
    %c0_i32_1 = arith.constant 0 : i32
    return %c0_i32, %c0_i32_0 : i32, i32
  }
  func.func @transform_3(%arg0: i32) -> (i32, i32) {
    %c0_i32 = arith.constant 0 : i32
    %c0_i32_0 = arith.constant 0 : i32
    %c0_i32_1 = arith.constant 0 : i32
    return %c0_i32, %c0_i32_0 : i32, i32
  }
  func.func @transform_4(%arg0: i32) -> (i32, i32) {
    %c0_i32 = arith.constant 0 : i32
    %c0_i32_0 = arith.constant 0 : i32
    %c0_i32_1 = arith.constant 0 : i32
    return %c0_i32, %c0_i32_0 : i32, i32
  }
  func.func @transform_5(%arg0: i32) -> (i32, i32, i32) {
    %c0_i32 = arith.constant 0 : i32
    %c0_i32_0 = arith.constant 0 : i32
    %c0_i32_1 = arith.constant 0 : i32
    %c0_i32_2 = arith.constant 0 : i32
    return %c0_i32, %c0_i32_0, %c0_i32_1 : i32, i32, i32
  }
  func.func @transform_6(%arg0: i32) -> (i32, i32) {
    %c0_i32 = arith.constant 0 : i32
    %c0_i32_0 = arith.constant 0 : i32
    %c0_i32_1 = arith.constant 0 : i32
    return %c0_i32, %c0_i32_0 : i32, i32
  }
  func.func @transform_7(%arg0: i32) -> (i32, i32, i32) {
    %c0_i32 = arith.constant 0 : i32
    %c0_i32_0 = arith.constant 0 : i32
    %c0_i32_1 = arith.constant 0 : i32
    %c0_i32_2 = arith.constant 0 : i32
    return %c0_i32, %c0_i32_0, %c0_i32_1 : i32, i32, i32
  }
  func.func @transform_8(%arg0: i32) -> (i32, i32) {
    %c0_i32 = arith.constant 0 : i32
    %c0_i32_0 = arith.constant 0 : i32
    %c0_i32_1 = arith.constant 0 : i32
    return %c0_i32, %c0_i32_0 : i32, i32
  }
  func.func @transform_9(%arg0: i32) -> (i32, i32) {
    %c0_i32 = arith.constant 0 : i32
    %c0_i32_0 = arith.constant 0 : i32
    %c0_i32_1 = arith.constant 0 : i32
    return %c0_i32, %c0_i32_0 : i32, i32
  }
  func.func @transform_10(%arg0: i32) -> (i32, i32) {
    %c0_i32 = arith.constant 0 : i32
    %c0_i32_0 = arith.constant 0 : i32
    %c0_i32_1 = arith.constant 0 : i32
    return %c0_i32, %c0_i32_0 : i32, i32
  }
  func.func @transform_11(%arg0: i32) -> (i32, i32) {
    %c0_i32 = arith.constant 0 : i32
    %c0_i32_0 = arith.constant 0 : i32
    return %arg0, %c0_i32 : i32, i32
  }
}

module attributes {stable_mosaic.version = 14 : i64} {
  func.func @body(%arg0: i32, %arg1: memref<2x400x64xf32, #tpu.memory_space<vmem>>, %arg2: memref<2x400x64xf32, #tpu.memory_space<vmem>>, %arg3: memref<2x400x64xf32, #tpu.memory_space<vmem>>, %arg4: memref<2x400x64xf32, #tpu.memory_space<vmem>>, %arg5: memref<2x400x64xf32, #tpu.memory_space<vmem>>, %arg6: memref<2x400x64xf32, #tpu.memory_space<vmem>>, %arg7: memref<400x128xf32, #tpu.memory_space<vmem>>, %arg8: memref<400x128xf32, #tpu.memory_space<vmem>>, %arg9: memref<400x128xf32, #tpu.memory_space<vmem>>, %arg10: memref<400x8xf32, #tpu.memory_space<vmem>>, %arg11: memref<128x128xf32, #tpu.memory_space<vmem>>, %arg12: memref<1x128xf32, #tpu.memory_space<vmem>>, %arg13: memref<3x128x128xf32, #tpu.memory_space<vmem>>, %arg14: memref<1x128xf32, #tpu.memory_space<vmem>>, %arg15: memref<3x128x128xf32, #tpu.memory_space<vmem>>, %arg16: memref<1x128xf32, #tpu.memory_space<vmem>>, %arg17: memref<1x128xf32, #tpu.memory_space<vmem>>, %arg18: memref<1x1xf32, #tpu.memory_space<vmem>>, %arg19: memref<400x1xf32, #tpu.memory_space<vmem>>) attributes {dimension_semantics = [#tpu.dimension_semantics<arbitrary>], iteration_bounds = array<i64: 25>, scalar_prefetch = 0 : i64, scratch_operands = 0 : i64, tpu.core_type = #tpu.core_type<tc>, window_params = [{transform_indices = @transform_0, window_bounds = array<i64: 2, 400, 64>}, {transform_indices = @transform_1, window_bounds = array<i64: 2, 400, 64>}, {transform_indices = @transform_2, window_bounds = array<i64: 2, 400, 64>}, {transform_indices = @transform_3, window_bounds = array<i64: 2, 400, 64>}, {transform_indices = @transform_4, window_bounds = array<i64: 2, 400, 64>}, {transform_indices = @transform_5, window_bounds = array<i64: 2, 400, 64>}, {transform_indices = @transform_6, window_bounds = array<i64: 400, 128>}, {transform_indices = @transform_7, window_bounds = array<i64: 400, 128>}, {transform_indices = @transform_8, window_bounds = array<i64: 400, 128>}, {transform_indices = @transform_9, window_bounds = array<i64: 400, 8>}, {pipeline_mode = #tpu.pipeline_mode<synchronous>, transform_indices = @transform_10, window_bounds = array<i64: 128, 128>}, {pipeline_mode = #tpu.pipeline_mode<synchronous>, transform_indices = @transform_11, window_bounds = array<i64: 1, 128>}, {pipeline_mode = #tpu.pipeline_mode<synchronous>, transform_indices = @transform_12, window_bounds = array<i64: 3, 128, 128>}, {pipeline_mode = #tpu.pipeline_mode<synchronous>, transform_indices = @transform_13, window_bounds = array<i64: 1, 128>}, {pipeline_mode = #tpu.pipeline_mode<synchronous>, transform_indices = @transform_14, window_bounds = array<i64: 3, 128, 128>}, {pipeline_mode = #tpu.pipeline_mode<synchronous>, transform_indices = @transform_15, window_bounds = array<i64: 1, 128>}, {pipeline_mode = #tpu.pipeline_mode<synchronous>, transform_indices = @transform_16, window_bounds = array<i64: 1, 128>}, {pipeline_mode = #tpu.pipeline_mode<synchronous>, transform_indices = @transform_17, window_bounds = array<i64: 1, 1>}, {transform_indices = @transform_18, window_bounds = array<i64: 400, 1>}]} {
    %get3A = arith.constant 0 : index
    %get3A_0 = arith.constant 0 : index
    %get3A_1 = vector.load %arg10[%get3A, %get3A_0] : memref<400x8xf32, #tpu.memory_space<vmem>>, vector<400x1xf32>
    %get3A_2 = arith.constant 0 : index
    %get3A_3 = arith.constant 0 : index
    %get3A_4 = arith.constant 0 : index
    %get3A_5 = vector.load %arg1[%get3A_2, %get3A_3, %get3A_4] : memref<2x400x64xf32, #tpu.memory_space<vmem>>, vector<1x400x64xf32>
    %get3A_6 = vector.shape_cast %get3A_5 : vector<1x400x64xf32> to vector<400x64xf32>
    %get3A_7 = arith.constant 1 : index
    %get3A_8 = arith.constant 0 : index
    %get3A_9 = arith.constant 0 : index
    %get3A_10 = vector.load %arg1[%get3A_7, %get3A_8, %get3A_9] : memref<2x400x64xf32, #tpu.memory_space<vmem>>, vector<1x400x64xf32>
    %get3A_11 = vector.shape_cast %get3A_10 : vector<1x400x64xf32> to vector<400x64xf32>
    %add3A = arith.addf %get3A_6, %get3A_11 : vector<400x64xf32>
    %get3A_12 = arith.constant 0 : index
    %get3A_13 = arith.constant 0 : index
    %get3A_14 = vector.load %arg7[%get3A_12, %get3A_13] : memref<400x128xf32, #tpu.memory_space<vmem>>, vector<400x64xf32>
    %add3A_15 = arith.addf %add3A, %get3A_14 : vector<400x64xf32>
    %get3A_16 = arith.constant 0 : index
    %get3A_17 = arith.constant 0 : index
    %get3A_18 = arith.constant 0 : index
    %get3A_19 = vector.load %arg2[%get3A_16, %get3A_17, %get3A_18] : memref<2x400x64xf32, #tpu.memory_space<vmem>>, vector<1x400x64xf32>
    %get3A_20 = vector.shape_cast %get3A_19 : vector<1x400x64xf32> to vector<400x64xf32>
    %get3A_21 = arith.constant 1 : index
    %get3A_22 = arith.constant 0 : index
    %get3A_23 = arith.constant 0 : index
    %get3A_24 = vector.load %arg2[%get3A_21, %get3A_22, %get3A_23] : memref<2x400x64xf32, #tpu.memory_space<vmem>>, vector<1x400x64xf32>
    %get3A_25 = vector.shape_cast %get3A_24 : vector<1x400x64xf32> to vector<400x64xf32>
    %add3A_26 = arith.addf %get3A_20, %get3A_25 : vector<400x64xf32>
    %get3A_27 = arith.constant 0 : index
    %get3A_28 = arith.constant 64 : index
    %get3A_29 = vector.load %arg7[%get3A_27, %get3A_28] : memref<400x128xf32, #tpu.memory_space<vmem>>, vector<400x64xf32>
    %add3A_30 = arith.addf %add3A_26, %get3A_29 : vector<400x64xf32>
    %concatenate3A = tpu.concatenate %add3A_15, %add3A_30 in 1 : vector<400x64xf32>, vector<400x64xf32> -> vector<400x128xf32>
    %mul3A = vector.broadcast %get3A_1 : vector<400x1xf32> to vector<400x128xf32>
    %mul3A_31 = arith.mulf %mul3A, %concatenate3A : vector<400x128xf32>
    %get3A_32 = arith.constant 0 : index
    %get3A_33 = arith.constant 0 : index
    %get3A_34 = vector.load %arg11[%get3A_32, %get3A_33] : memref<128x128xf32, #tpu.memory_space<vmem>>, vector<128x128xf32>
    %dot_general3A = arith.constant dense<0.000000e+00> : vector<400x128xf32>
    %dot_general3A_35 = tpu.matmul %mul3A_31, %get3A_34, %dot_general3A {dimension_numbers = #tpu.dot_dimension_numbers<[1], [0], [0], [1], [0, 0, 1, 1], [], []>, transpose_lhs_hint = false} : vector<400x128xf32>, vector<128x128xf32>, vector<400x128xf32> -> vector<400x128xf32>
    %get3A_36 = arith.constant 0 : index
    %get3A_37 = arith.constant 0 : index
    %get3A_38 = vector.load %arg12[%get3A_36, %get3A_37] : memref<1x128xf32, #tpu.memory_space<vmem>>, vector<1x128xf32>
    %add3A_39 = vector.broadcast %get3A_38 : vector<1x128xf32> to vector<400x128xf32>
    %add3A_40 = arith.addf %dot_general3A_35, %add3A_39 : vector<400x128xf32>
    %max3A = arith.constant 0.000000e+00 : f32
    %max3A_41 = vector.broadcast %max3A : f32 to vector<400x128xf32>
    %max3A_42 = arith.maximumf %add3A_40, %max3A_41 : vector<400x128xf32>
    %get3A_43 = arith.constant 0 : index
    %get3A_44 = arith.constant 0 : index
    %get3A_45 = arith.constant 0 : index
    %get3A_46 = vector.load %arg3[%get3A_43, %get3A_44, %get3A_45] : memref<2x400x64xf32, #tpu.memory_space<vmem>>, vector<1x400x64xf32>
    %get3A_47 = vector.shape_cast %get3A_46 : vector<1x400x64xf32> to vector<400x64xf32>
    %get3A_48 = arith.constant 1 : index
    %get3A_49 = arith.constant 0 : index
    %get3A_50 = arith.constant 0 : index
    %get3A_51 = vector.load %arg3[%get3A_48, %get3A_49, %get3A_50] : memref<2x400x64xf32, #tpu.memory_space<vmem>>, vector<1x400x64xf32>
    %get3A_52 = vector.shape_cast %get3A_51 : vector<1x400x64xf32> to vector<400x64xf32>
    %add3A_53 = arith.addf %get3A_47, %get3A_52 : vector<400x64xf32>
    %get3A_54 = arith.constant 0 : index
    %get3A_55 = arith.constant 0 : index
    %get3A_56 = vector.load %arg8[%get3A_54, %get3A_55] : memref<400x128xf32, #tpu.memory_space<vmem>>, vector<400x64xf32>
    %add3A_57 = arith.addf %add3A_53, %get3A_56 : vector<400x64xf32>
    %get3A_58 = arith.constant 0 : index
    %get3A_59 = arith.constant 0 : index
    %get3A_60 = arith.constant 0 : index
    %get3A_61 = vector.load %arg4[%get3A_58, %get3A_59, %get3A_60] : memref<2x400x64xf32, #tpu.memory_space<vmem>>, vector<1x400x64xf32>
    %get3A_62 = vector.shape_cast %get3A_61 : vector<1x400x64xf32> to vector<400x64xf32>
    %get3A_63 = arith.constant 1 : index
    %get3A_64 = arith.constant 0 : index
    %get3A_65 = arith.constant 0 : index
    %get3A_66 = vector.load %arg4[%get3A_63, %get3A_64, %get3A_65] : memref<2x400x64xf32, #tpu.memory_space<vmem>>, vector<1x400x64xf32>
    %get3A_67 = vector.shape_cast %get3A_66 : vector<1x400x64xf32> to vector<400x64xf32>
    %add3A_68 = arith.addf %get3A_62, %get3A_67 : vector<400x64xf32>
    %get3A_69 = arith.constant 0 : index
    %get3A_70 = arith.constant 64 : index
    %get3A_71 = vector.load %arg8[%get3A_69, %get3A_70] : memref<400x128xf32, #tpu.memory_space<vmem>>, vector<400x64xf32>
    %add3A_72 = arith.addf %add3A_68, %get3A_71 : vector<400x64xf32>
    %concatenate3A_73 = tpu.concatenate %add3A_57, %add3A_72 in 1 : vector<400x64xf32>, vector<400x64xf32> -> vector<400x128xf32>
    %mul3A_74 = vector.broadcast %get3A_1 : vector<400x1xf32> to vector<400x128xf32>
    %mul3A_75 = arith.mulf %mul3A_74, %concatenate3A_73 : vector<400x128xf32>
    %get3A_76 = arith.constant 0 : index
    %get3A_77 = arith.constant 0 : index
    %get3A_78 = vector.load %arg11[%get3A_76, %get3A_77] : memref<128x128xf32, #tpu.memory_space<vmem>>, vector<128x128xf32>
    %dot_general3A_79 = arith.constant dense<0.000000e+00> : vector<400x128xf32>
    %dot_general3A_80 = tpu.matmul %mul3A_75, %get3A_78, %dot_general3A_79 {dimension_numbers = #tpu.dot_dimension_numbers<[1], [0], [0], [1], [0, 0, 1, 1], [], []>, transpose_lhs_hint = false} : vector<400x128xf32>, vector<128x128xf32>, vector<400x128xf32> -> vector<400x128xf32>
    %get3A_81 = arith.constant 0 : index
    %get3A_82 = arith.constant 0 : index
    %get3A_83 = vector.load %arg12[%get3A_81, %get3A_82] : memref<1x128xf32, #tpu.memory_space<vmem>>, vector<1x128xf32>
    %add3A_84 = vector.broadcast %get3A_83 : vector<1x128xf32> to vector<400x128xf32>
    %add3A_85 = arith.addf %dot_general3A_80, %add3A_84 : vector<400x128xf32>
    %max3A_86 = arith.constant 0.000000e+00 : f32
    %max3A_87 = vector.broadcast %max3A_86 : f32 to vector<400x128xf32>
    %max3A_88 = arith.maximumf %add3A_85, %max3A_87 : vector<400x128xf32>
    %get3A_89 = arith.constant 0 : index
    %get3A_90 = arith.constant 0 : index
    %get3A_91 = arith.constant 0 : index
    %get3A_92 = vector.load %arg5[%get3A_89, %get3A_90, %get3A_91] : memref<2x400x64xf32, #tpu.memory_space<vmem>>, vector<1x400x64xf32>
    %get3A_93 = vector.shape_cast %get3A_92 : vector<1x400x64xf32> to vector<400x64xf32>
    %get3A_94 = arith.constant 1 : index
    %get3A_95 = arith.constant 0 : index
    %get3A_96 = arith.constant 0 : index
    %get3A_97 = vector.load %arg5[%get3A_94, %get3A_95, %get3A_96] : memref<2x400x64xf32, #tpu.memory_space<vmem>>, vector<1x400x64xf32>
    %get3A_98 = vector.shape_cast %get3A_97 : vector<1x400x64xf32> to vector<400x64xf32>
    %add3A_99 = arith.addf %get3A_93, %get3A_98 : vector<400x64xf32>
    %get3A_100 = arith.constant 0 : index
    %get3A_101 = arith.constant 0 : index
    %get3A_102 = vector.load %arg9[%get3A_100, %get3A_101] : memref<400x128xf32, #tpu.memory_space<vmem>>, vector<400x64xf32>
    %add3A_103 = arith.addf %add3A_99, %get3A_102 : vector<400x64xf32>
    %get3A_104 = arith.constant 0 : index
    %get3A_105 = arith.constant 0 : index
    %get3A_106 = arith.constant 0 : index
    %get3A_107 = vector.load %arg6[%get3A_104, %get3A_105, %get3A_106] : memref<2x400x64xf32, #tpu.memory_space<vmem>>, vector<1x400x64xf32>
    %get3A_108 = vector.shape_cast %get3A_107 : vector<1x400x64xf32> to vector<400x64xf32>
    %get3A_109 = arith.constant 1 : index
    %get3A_110 = arith.constant 0 : index
    %get3A_111 = arith.constant 0 : index
    %get3A_112 = vector.load %arg6[%get3A_109, %get3A_110, %get3A_111] : memref<2x400x64xf32, #tpu.memory_space<vmem>>, vector<1x400x64xf32>
    %get3A_113 = vector.shape_cast %get3A_112 : vector<1x400x64xf32> to vector<400x64xf32>
    %add3A_114 = arith.addf %get3A_108, %get3A_113 : vector<400x64xf32>
    %get3A_115 = arith.constant 0 : index
    %get3A_116 = arith.constant 64 : index
    %get3A_117 = vector.load %arg9[%get3A_115, %get3A_116] : memref<400x128xf32, #tpu.memory_space<vmem>>, vector<400x64xf32>
    %add3A_118 = arith.addf %add3A_114, %get3A_117 : vector<400x64xf32>
    %concatenate3A_119 = tpu.concatenate %add3A_103, %add3A_118 in 1 : vector<400x64xf32>, vector<400x64xf32> -> vector<400x128xf32>
    %mul3A_120 = vector.broadcast %get3A_1 : vector<400x1xf32> to vector<400x128xf32>
    %mul3A_121 = arith.mulf %mul3A_120, %concatenate3A_119 : vector<400x128xf32>
    %get3A_122 = arith.constant 0 : index
    %get3A_123 = arith.constant 0 : index
    %get3A_124 = vector.load %arg11[%get3A_122, %get3A_123] : memref<128x128xf32, #tpu.memory_space<vmem>>, vector<128x128xf32>
    %dot_general3A_125 = arith.constant dense<0.000000e+00> : vector<400x128xf32>
    %dot_general3A_126 = tpu.matmul %mul3A_121, %get3A_124, %dot_general3A_125 {dimension_numbers = #tpu.dot_dimension_numbers<[1], [0], [0], [1], [0, 0, 1, 1], [], []>, transpose_lhs_hint = false} : vector<400x128xf32>, vector<128x128xf32>, vector<400x128xf32> -> vector<400x128xf32>
    %get3A_127 = arith.constant 0 : index
    %get3A_128 = arith.constant 0 : index
    %get3A_129 = vector.load %arg12[%get3A_127, %get3A_128] : memref<1x128xf32, #tpu.memory_space<vmem>>, vector<1x128xf32>
    %add3A_130 = vector.broadcast %get3A_129 : vector<1x128xf32> to vector<400x128xf32>
    %add3A_131 = arith.addf %dot_general3A_126, %add3A_130 : vector<400x128xf32>
    %max3A_132 = arith.constant 0.000000e+00 : f32
    %max3A_133 = vector.broadcast %max3A_132 : f32 to vector<400x128xf32>
    %max3A_134 = arith.maximumf %add3A_131, %max3A_133 : vector<400x128xf32>
    %get3A_135 = arith.constant 0 : index
    %get3A_136 = arith.constant 0 : index
    %get3A_137 = arith.constant 0 : index
    %get3A_138 = vector.load %arg13[%get3A_135, %get3A_136, %get3A_137] : memref<3x128x128xf32, #tpu.memory_space<vmem>>, vector<1x128x128xf32>
    %get3A_139 = vector.shape_cast %get3A_138 : vector<1x128x128xf32> to vector<128x128xf32>
    %get3A_140 = arith.constant 1 : index
    %get3A_141 = arith.constant 0 : index
    %get3A_142 = arith.constant 0 : index
    %get3A_143 = vector.load %arg13[%get3A_140, %get3A_141, %get3A_142] : memref<3x128x128xf32, #tpu.memory_space<vmem>>, vector<1x128x128xf32>
    %get3A_144 = vector.shape_cast %get3A_143 : vector<1x128x128xf32> to vector<128x128xf32>
    %get3A_145 = arith.constant 2 : index
    %get3A_146 = arith.constant 0 : index
    %get3A_147 = arith.constant 0 : index
    %get3A_148 = vector.load %arg13[%get3A_145, %get3A_146, %get3A_147] : memref<3x128x128xf32, #tpu.memory_space<vmem>>, vector<1x128x128xf32>
    %get3A_149 = vector.shape_cast %get3A_148 : vector<1x128x128xf32> to vector<128x128xf32>
    %get3A_150 = arith.constant 0 : index
    %get3A_151 = arith.constant 0 : index
    %get3A_152 = arith.constant 0 : index
    %get3A_153 = vector.load %arg15[%get3A_150, %get3A_151, %get3A_152] : memref<3x128x128xf32, #tpu.memory_space<vmem>>, vector<1x128x128xf32>
    %get3A_154 = vector.shape_cast %get3A_153 : vector<1x128x128xf32> to vector<128x128xf32>
    %get3A_155 = arith.constant 1 : index
    %get3A_156 = arith.constant 0 : index
    %get3A_157 = arith.constant 0 : index
    %get3A_158 = vector.load %arg15[%get3A_155, %get3A_156, %get3A_157] : memref<3x128x128xf32, #tpu.memory_space<vmem>>, vector<1x128x128xf32>
    %get3A_159 = vector.shape_cast %get3A_158 : vector<1x128x128xf32> to vector<128x128xf32>
    %get3A_160 = arith.constant 0 : index
    %get3A_161 = arith.constant 0 : index
    %get3A_162 = vector.load %arg14[%get3A_160, %get3A_161] : memref<1x128xf32, #tpu.memory_space<vmem>>, vector<1x128xf32>
    %dot_general3A_163 = arith.constant dense<0.000000e+00> : vector<400x128xf32>
    %dot_general3A_164 = tpu.matmul %max3A_42, %get3A_139, %dot_general3A_163 {dimension_numbers = #tpu.dot_dimension_numbers<[1], [0], [0], [1], [0, 0, 1, 1], [], []>, transpose_lhs_hint = false} : vector<400x128xf32>, vector<128x128xf32>, vector<400x128xf32> -> vector<400x128xf32>
    %dot_general3A_165 = arith.constant dense<0.000000e+00> : vector<400x128xf32>
    %dot_general3A_166 = tpu.matmul %max3A_88, %get3A_144, %dot_general3A_165 {dimension_numbers = #tpu.dot_dimension_numbers<[1], [0], [0], [1], [0, 0, 1, 1], [], []>, transpose_lhs_hint = false} : vector<400x128xf32>, vector<128x128xf32>, vector<400x128xf32> -> vector<400x128xf32>
    %add3A_167 = arith.addf %dot_general3A_164, %dot_general3A_166 : vector<400x128xf32>
    %dot_general3A_168 = arith.constant dense<0.000000e+00> : vector<400x128xf32>
    %dot_general3A_169 = tpu.matmul %max3A_134, %get3A_149, %dot_general3A_168 {dimension_numbers = #tpu.dot_dimension_numbers<[1], [0], [0], [1], [0, 0, 1, 1], [], []>, transpose_lhs_hint = false} : vector<400x128xf32>, vector<128x128xf32>, vector<400x128xf32> -> vector<400x128xf32>
    %add3A_170 = arith.addf %add3A_167, %dot_general3A_169 : vector<400x128xf32>
    %add3A_171 = vector.broadcast %get3A_162 : vector<1x128xf32> to vector<400x128xf32>
    %add3A_172 = arith.addf %add3A_170, %add3A_171 : vector<400x128xf32>
    %max3A_173 = arith.constant 0.000000e+00 : f32
    %max3A_174 = vector.broadcast %max3A_173 : f32 to vector<400x128xf32>
    %max3A_175 = arith.maximumf %add3A_172, %max3A_174 : vector<400x128xf32>
    %dot_general3A_176 = arith.constant dense<0.000000e+00> : vector<400x128xf32>
    %dot_general3A_177 = tpu.matmul %max3A_88, %get3A_139, %dot_general3A_176 {dimension_numbers = #tpu.dot_dimension_numbers<[1], [0], [0], [1], [0, 0, 1, 1], [], []>, transpose_lhs_hint = false} : vector<400x128xf32>, vector<128x128xf32>, vector<400x128xf32> -> vector<400x128xf32>
    %dot_general3A_178 = arith.constant dense<0.000000e+00> : vector<400x128xf32>
    %dot_general3A_179 = tpu.matmul %max3A_134, %get3A_144, %dot_general3A_178 {dimension_numbers = #tpu.dot_dimension_numbers<[1], [0], [0], [1], [0, 0, 1, 1], [], []>, transpose_lhs_hint = false} : vector<400x128xf32>, vector<128x128xf32>, vector<400x128xf32> -> vector<400x128xf32>
    %add3A_180 = arith.addf %dot_general3A_177, %dot_general3A_179 : vector<400x128xf32>
    %add3A_181 = vector.broadcast %get3A_162 : vector<1x128xf32> to vector<400x128xf32>
    %add3A_182 = arith.addf %add3A_180, %add3A_181 : vector<400x128xf32>
    %max3A_183 = arith.constant 0.000000e+00 : f32
    %max3A_184 = vector.broadcast %max3A_183 : f32 to vector<400x128xf32>
    %max3A_185 = arith.maximumf %add3A_182, %max3A_184 : vector<400x128xf32>
    %dot_general3A_186 = arith.constant dense<0.000000e+00> : vector<400x128xf32>
    %dot_general3A_187 = tpu.matmul %max3A_175, %get3A_154, %dot_general3A_186 {dimension_numbers = #tpu.dot_dimension_numbers<[1], [0], [0], [1], [0, 0, 1, 1], [], []>, transpose_lhs_hint = false} : vector<400x128xf32>, vector<128x128xf32>, vector<400x128xf32> -> vector<400x128xf32>
    %dot_general3A_188 = arith.constant dense<0.000000e+00> : vector<400x128xf32>
    %dot_general3A_189 = tpu.matmul %max3A_185, %get3A_159, %dot_general3A_188 {dimension_numbers = #tpu.dot_dimension_numbers<[1], [0], [0], [1], [0, 0, 1, 1], [], []>, transpose_lhs_hint = false} : vector<400x128xf32>, vector<128x128xf32>, vector<400x128xf32> -> vector<400x128xf32>
    %add3A_190 = arith.addf %dot_general3A_187, %dot_general3A_189 : vector<400x128xf32>
    %get3A_191 = arith.constant 0 : index
    %get3A_192 = arith.constant 0 : index
    %get3A_193 = vector.load %arg16[%get3A_191, %get3A_192] : memref<1x128xf32, #tpu.memory_space<vmem>>, vector<1x128xf32>
    %add3A_194 = vector.broadcast %get3A_193 : vector<1x128xf32> to vector<400x128xf32>
    %add3A_195 = arith.addf %add3A_190, %add3A_194 : vector<400x128xf32>
    %max3A_196 = arith.constant 0.000000e+00 : f32
    %max3A_197 = vector.broadcast %max3A_196 : f32 to vector<400x128xf32>
    %max3A_198 = arith.maximumf %add3A_195, %max3A_197 : vector<400x128xf32>
    %get3A_199 = arith.constant 0 : index
    %get3A_200 = arith.constant 0 : index
    %get3A_201 = vector.load %arg17[%get3A_199, %get3A_200] : memref<1x128xf32, #tpu.memory_space<vmem>>, vector<1x128xf32>
    %mul3A_202 = vector.broadcast %get3A_201 : vector<1x128xf32> to vector<400x128xf32>
    %mul3A_203 = arith.mulf %max3A_198, %mul3A_202 : vector<400x128xf32>
    %reduce_sum3A = arith.constant dense<0.000000e+00> : vector<400xf32>
    %reduce_sum3A_204 = vector.multi_reduction <add>, %mul3A_203, %reduce_sum3A [1] : vector<400x128xf32> to vector<400xf32>
    %broadcast_in_dim3A = vector.shape_cast %reduce_sum3A_204 : vector<400xf32> to vector<400x1xf32>
    %get3A_205 = arith.constant 0 : index
    %get3A_206 = arith.constant 0 : index
    %get3A_207 = vector.load %arg18[%get3A_205, %get3A_206] : memref<1x1xf32, #tpu.memory_space<vmem>>, vector<1x1xf32>
    %add3A_208 = vector.broadcast %get3A_207 : vector<1x1xf32> to vector<400x1xf32>
    %add3A_209 = arith.addf %broadcast_in_dim3A, %add3A_208 : vector<400x1xf32>
    %swap3A = arith.constant 0 : index
    %swap3A_210 = arith.constant 0 : index
    %swap3A_211 = vector.load %arg19[%swap3A, %swap3A_210] : memref<400x1xf32, #tpu.memory_space<vmem>>, vector<400x1xf32>
    tpu.vector_store %arg19[%swap3A, %swap3A_210], %add3A_209 {strides = array<i32>} : memref<400x1xf32, #tpu.memory_space<vmem>>, vector<400x1xf32>,
    return
  }
  func.func @transform_0(%arg0: i32) -> (i32, i32, i32) {
    %c0_i32 = arith.constant 0 : i32
    %c0_i32_0 = arith.constant 0 : i32
    %c0_i32_1 = arith.constant 0 : i32
    return %c0_i32, %arg0, %c0_i32_0 : i32, i32, i32
  }
  func.func @transform_1(%arg0: i32) -> (i32, i32, i32) {
    %c0_i32 = arith.constant 0 : i32
    %c0_i32_0 = arith.constant 0 : i32
    %c0_i32_1 = arith.constant 0 : i32
    return %c0_i32, %arg0, %c0_i32_0 : i32, i32, i32
  }
  func.func @transform_2(%arg0: i32) -> (i32, i32, i32) {
    %c0_i32 = arith.constant 0 : i32
    %c0_i32_0 = arith.constant 0 : i32
    %c0_i32_1 = arith.constant 0 : i32
    return %c0_i32, %arg0, %c0_i32_0 : i32, i32, i32
  }
  func.func @transform_3(%arg0: i32) -> (i32, i32, i32) {
    %c0_i32 = arith.constant 0 : i32
    %c0_i32_0 = arith.constant 0 : i32
    %c0_i32_1 = arith.constant 0 : i32
    return %c0_i32, %arg0, %c0_i32_0 : i32, i32, i32
  }
  func.func @transform_4(%arg0: i32) -> (i32, i32, i32) {
    %c0_i32 = arith.constant 0 : i32
    %c0_i32_0 = arith.constant 0 : i32
    %c0_i32_1 = arith.constant 0 : i32
    return %c0_i32, %arg0, %c0_i32_0 : i32, i32, i32
  }
  func.func @transform_5(%arg0: i32) -> (i32, i32, i32) {
    %c0_i32 = arith.constant 0 : i32
    %c0_i32_0 = arith.constant 0 : i32
    %c0_i32_1 = arith.constant 0 : i32
    return %c0_i32, %arg0, %c0_i32_0 : i32, i32, i32
  }
  func.func @transform_6(%arg0: i32) -> (i32, i32) {
    %c0_i32 = arith.constant 0 : i32
    %c0_i32_0 = arith.constant 0 : i32
    return %arg0, %c0_i32 : i32, i32
  }
  func.func @transform_7(%arg0: i32) -> (i32, i32) {
    %c0_i32 = arith.constant 0 : i32
    %c0_i32_0 = arith.constant 0 : i32
    return %arg0, %c0_i32 : i32, i32
  }
  func.func @transform_8(%arg0: i32) -> (i32, i32) {
    %c0_i32 = arith.constant 0 : i32
    %c0_i32_0 = arith.constant 0 : i32
    return %arg0, %c0_i32 : i32, i32
  }
  func.func @transform_9(%arg0: i32) -> (i32, i32) {
    %c0_i32 = arith.constant 0 : i32
    %c0_i32_0 = arith.constant 0 : i32
    return %arg0, %c0_i32 : i32, i32
  }
  func.func @transform_10(%arg0: i32) -> (i32, i32) {
    %c0_i32 = arith.constant 0 : i32
    %c0_i32_0 = arith.constant 0 : i32
    %c0_i32_1 = arith.constant 0 : i32
    return %c0_i32, %c0_i32_0 : i32, i32
  }
  func.func @transform_11(%arg0: i32) -> (i32, i32) {
    %c0_i32 = arith.constant 0 : i32
    %c0_i32_0 = arith.constant 0 : i32
    %c0_i32_1 = arith.constant 0 : i32
    return %c0_i32, %c0_i32_0 : i32, i32
  }
  func.func @transform_12(%arg0: i32) -> (i32, i32, i32) {
    %c0_i32 = arith.constant 0 : i32
    %c0_i32_0 = arith.constant 0 : i32
    %c0_i32_1 = arith.constant 0 : i32
    %c0_i32_2 = arith.constant 0 : i32
    return %c0_i32, %c0_i32_0, %c0_i32_1 : i32, i32, i32
  }
  func.func @transform_13(%arg0: i32) -> (i32, i32) {
    %c0_i32 = arith.constant 0 : i32
    %c0_i32_0 = arith.constant 0 : i32
    %c0_i32_1 = arith.constant 0 : i32
    return %c0_i32, %c0_i32_0 : i32, i32
  }
  func.func @transform_14(%arg0: i32) -> (i32, i32, i32) {
    %c0_i32 = arith.constant 0 : i32
    %c0_i32_0 = arith.constant 0 : i32
    %c0_i32_1 = arith.constant 0 : i32
    %c0_i32_2 = arith.constant 0 : i32
    return %c0_i32, %c0_i32_0, %c0_i32_1 : i32, i32, i32
  }
  func.func @transform_15(%arg0: i32) -> (i32, i32) {
    %c0_i32 = arith.constant 0 : i32
    %c0_i32_0 = arith.constant 0 : i32
    %c0_i32_1 = arith.constant 0 : i32
    return %c0_i32, %c0_i32_0 : i32, i32
  }
  func.func @transform_16(%arg0: i32) -> (i32, i32) {
    %c0_i32 = arith.constant 0 : i32
    %c0_i32_0 = arith.constant 0 : i32
    %c0_i32_1 = arith.constant 0 : i32
    return %c0_i32, %c0_i32_0 : i32, i32
  }
  func.func @transform_17(%arg0: i32) -> (i32, i32) {
    %c0_i32 = arith.constant 0 : i32
    %c0_i32_0 = arith.constant 0 : i32
    %c0_i32_1 = arith.constant 0 : i32
    return %c0_i32, %c0_i32_0 : i32, i32
  }
  func.func @transform_18(%arg0: i32) -> (i32, i32) {
    %c0_i32 = arith.constant 0 : i32
    %c0_i32_0 = arith.constant 0 : i32
    return %arg0, %c0_i32 : i32, i32
  }
}

</mosaic_0001>

<sc_bundles>
// kernel: kernel.12.cloned.1.call-start
scs
__scs_entry_jumppad:
0x0: {  	(pc) =	sbr.rel $0x88, $3  }
0x1: {  	(tag) =	ssettag $0x0;
	lr =	simm.s32 $0x1  }
0x2: {  	[smem:$0x3F94] =	sst lr;
	_ =	strace $0xD0000000  }
0x3: {  	_ = 	snop  }
0x4: {  	_ = 	snop  }
0x5: {  	_ = 	snop  }
0x6: {  	_ = 	snop  }
0x7: {  	_ = 	snop  }
__scs_overlays_trampoline_lowered:
0x8: {  	[smem:$0x3FA3] =	sst s0  }
0x9: {  	[smem:$0x3FA4] =	sst s1  }
0xa: {  	[smem:$0x3FA5] =	sst s2  }
0xb: {  	[smem:$0x3FA6] =	sst s3  }
0xc: {  	[smem:$0x3FA7] =	sst s4  }
0xd: {  	[smem:$0x3FA8] =	sst s5  }
0xe: {  	[smem:$0x3FA9] =	sst s6  }
0xf: {  	[smem:$0x3FAA] =	sst s7  }
0x10: {  	[smem:$0x3FAB] =	sst s8  }
0x11: {  	[smem:$0x3FAC] =	sst s9;
	s0 =	simm.s32 @!p0 $0x0  }
0x12: {  	s1 =	sld [smem:$0x3F92];
	s0 =	simm.s32 @p0 $0x1  }
0x13: {  	[smem:$0x3FAD] =	sst s0;
	s0 =	simm.s32 @!p1 $0x0  }
0x14: {  	s2 =	sld [smem:$0x3F91];
	s0 =	simm.s32 @p1 $0x1  }
0x15: {  	[smem:$0x3FAE] =	sst s0;
	s0 =	simm.s32 @!p2 $0x0  }
0x16: {  	s3 =	sld [smem:$0x3FDB];
	s0 =	simm.s32 @p2 $0x1  }
0x17: {  	s4 =	simm.s32 $0x1BF5;
	[smem:$0x3FB0] =	sst s0  }
0x18: {  	s0 =	sld [smem:$0x3F93];
	_ =	swait.ge [sflag:s4], $0x0  }
0x19: {  	s7 =	sld [smem:$0x3F94]  }
0x1a: {  	s8 =	sadd.s32 $0xFFFFE003, lr  }
0x1b: {  	s9 =	sadd.s32 $0xFFFFFEF7, lr;
	s5 =	simm.s32 $0xFFFFFFFF;
	p2 =	slt.u32 s8, $0xFFFFF086  }
0x1c: {  	p1 =	slt.u32 s9, $0xF7A;
	s5 =	simm.s32 @!p2 $0x0  }
0x1d: {  	s5 =	simm.s32 @p1 $0x1;
	p0 =	seq.s32 s7, s2  }
0x1e: {  	s7 =	smul.u32 @!p0 $0xF7A, s2;
	p2 =	seq.s32 @!p0 s5, $0x0  }
0x1f: {  	s9 =	smul.u32 $0xF7A, s1;
	s8 =	simm.s32 @!p0 $0x1BF5;
	p2 =	por !p2, p0  }
0x20: {  	[sflag:s8] =	ssyncset.s32 @!p0 $0xFFFFF086;
	s6 =	sadd.s32 @!p0 s3, s7;
	s7 =	simm.s32 @!p0 $0x108  }
0x21: {  	s3 =	sadd.s32 s3, s9;
	s6 =	sadd.s32 @!p0 $0x88, s6;
	s7 =	simm.s32 @p2 $0x1082  }
0x22: {  	[simem:s7], [sflag:s8] =	dma.local @!p0 [hbm:s6], $0xF7A  }
0x23: {  	s9 =	sor.u32 $0xD0000000, s2;
	s6 =	simm.s32 $0x108;
	_ =	swait.ge @!p0 [sflag:s8], $0x0  }
0x24: {  	s3 =	sadd.s32 $0x88, s3;
	s6 =	simm.s32 @!p1 $0x1082;
	[sflag:s4] =	ssyncset.s32 $0xFFFFF086  }
0x25: {  	[simem:s6], [sflag:s4] =	dma.local [hbm:s3], $0xF7A  }
0x26: {  	[smem:$0x3F94] =	sst s1;
	(tag) =	ssettag s2;
	_ =	strace s9  }
0x27: {  	s1 =	sld [smem:$0x3FA4]  }
0x28: {  	s2 =	sld [smem:$0x3FA5]  }
0x29: {  	s4 =	sld [smem:$0x3FA7]  }
0x2a: {  	p0 =	seq.s32 s5, $0x0;
	s5 =	sld [smem:$0x3FA8]  }
0x2b: {  	s6 =	sld [smem:$0x3FA9]  }
0x2c: {  	s7 =	sld [smem:$0x3FAA]  }
0x2d: {  	s3 =	simm.s32 $0x108;
	s8 =	sld [smem:$0x3FAB]  }
0x2e: {  	s3 =	simm.s32 @!p0 $0x1082;
	s9 =	sld [smem:$0x3FAC]  }
0x2f: {  	lr =	sadd.s32 s0, s3;
	s0 =	sld [smem:$0x3FA3]  }
0x30: {  	s3 =	sld [smem:$0x3FA6]  }
0x31: {  	[smem:$0x3FAF] =	sst s10  }
0x32: {  	s10 =	sld [smem:$0x3FAD];
	_ =	sdelay $0x3  }
0x33: {  	p0 =	seq.s32 s10, $0x1;
	s10 =	sld [smem:$0x3FAF];
	_ =	sdelay $0x3  }
0x34: {  	[smem:$0x3FAF] =	sst s10  }
0x35: {  	s10 =	sld [smem:$0x3FAE];
	_ =	sdelay $0x3  }
0x36: {  	p1 =	seq.s32 s10, $0x1;
	s10 =	sld [smem:$0x3FAF];
	_ =	sdelay $0x3  }
0x37: {  	[smem:$0x3FAF] =	sst s10  }
0x38: {  	s10 =	sld [smem:$0x3FB0]  }
0x39: {  	_ = 	snop;
	(pc) =	sbr.ind lr, $3  }
0x3a: {  	_ = 	snop  }
0x3b: {  	_ = 	snop  }
0x3c: {  	p2 =	seq.s32 s10, $0x1;
	s10 =	sld [smem:$0x3FAF]  }
0x3d: {  	_ =	shalt  }
0x3e: {  	_ =	shalt  }
0x3f: {  	_ =	shalt  }
0x40: {  	_ =	shalt  }
0x41: {  	_ =	shalt  }
0x42: {  	_ =	shalt  }
0x43: {  	_ =	shalt  }
0x44: {  	_ =	shalt  }
0x45: {  	_ =	shalt  }
0x46: {  	_ =	shalt  }
0x47: {  	_ =	shalt  }
0x48: {  	_ =	shalt  }
0x49: {  	_ =	shalt  }
0x4a: {  	_ =	shalt  }
0x4b: {  	_ =	shalt  }
0x4c: {  	_ =	shalt  }
0x4d: {  	_ =	shalt  }
0x4e: {  	_ =	shalt  }
0x4f: {  	_ =	shalt  }
0x50: {  	_ =	shalt  }
0x51: {  	_ =	shalt  }
0x52: {  	_ =	shalt  }
0x53: {  	_ =	shalt  }
0x54: {  	_ =	shalt  }
0x55: {  	_ =	shalt  }
0x56: {  	_ =	shalt  }
0x57: {  	_ =	shalt  }
0x58: {  	_ =	shalt  }
0x59: {  	_ =	shalt  }
0x5a: {  	_ =	shalt  }
0x5b: {  	_ =	shalt  }
0x5c: {  	_ =	shalt  }
0x5d: {  	_ =	shalt  }
0x5e: {  	_ =	shalt  }
0x5f: {  	_ =	shalt  }
0x60: {  	_ =	shalt  }
0x61: {  	_ =	shalt  }
0x62: {  	_ =	shalt  }
0x63: {  	_ =	shalt  }
0x64: {  	_ =	shalt  }
0x65: {  	_ =	shalt  }
0x66: {  	_ =	shalt  }
0x67: {  	_ =	shalt  }
0x68: {  	_ =	shalt  }
0x69: {  	_ =	shalt  }
0x6a: {  	_ =	shalt  }
0x6b: {  	_ =	shalt  }
0x6c: {  	_ =	shalt  }
0x6d: {  	_ =	shalt  }
0x6e: {  	_ =	shalt  }
0x6f: {  	_ =	shalt  }
0x70: {  	_ =	shalt  }
0x71: {  	_ =	shalt  }
0x72: {  	_ =	shalt  }
0x73: {  	_ =	shalt  }
0x74: {  	_ =	shalt  }
0x75: {  	_ =	shalt  }
0x76: {  	_ =	shalt  }
0x77: {  	_ =	shalt  }
0x78: {  	_ =	shalt  }
0x79: {  	_ =	shalt  }
0x7a: {  	_ =	shalt  }
0x7b: {  	_ =	shalt  }
0x7c: {  	_ =	shalt  }
0x7d: {  	_ =	shalt  }
0x7e: {  	_ =	shalt  }
0x7f: {  	_ =	shalt  }
0x80: {  	_ =	shalt  }
0x81: {  	_ =	shalt  }
0x82: {  	_ =	shalt  }
0x83: {  	_ =	shalt  }
0x84: {  	_ =	shalt  }
0x85: {  	_ =	shalt  }
0x86: {  	_ =	shalt  }
0x87: {  	_ =	shalt  }
.Lfunc_end0:
.L_simem_size_0:
called_computation.1_lowered:
.L_overlay_start_0:
0x88: {  	s2 =	sld [smem:$0x3FD9]  }
0x89: {  	s3 =	sld [smem:$0x3FFE];
	_ =	sdelay $0x1  }
0x8a: {  	s1 =	srdreg.scid  }
0x8b: {  	s0 =	sand.u32 $0x1, s1  }
0x8c: {  	s16 =	sshll.u32 s0, $0xA;
	s2 =	sadd.s32 s3, s2  }
0x8d: {  	s2 =	sadd.s32 s2, s16  }
0x8e: {  	[smem:$0x3FBB] =	sst s2  }
0x8f: {  	_ = 	snop  }
0x90: {  	(tm) =	ssettm $0x1  }
0x91: {  	s17 =	sld [smem:$0x3FFB];
	_ =	sdelay $0x3  }
0x92: {  	_ =	strace s17  }
0x93: {  	s2 =	sld [smem:$0x3FFC];
	_ =	sdelay $0x3  }
0x94: {  	_ =	strace s2  }
0x95: {  	s2 =	sld [smem:$0x3FFD];
	_ =	sdelay $0x3  }
0x96: {  	_ =	strace s2  }
0x97: {  	_ =	strace $0x8FFFFFFF  }
0x98: {  	s18 =	sld [smem:$0x3FDB];
	_ =	sdelay $0x1  }
0x99: {  	s19 =	simm.s32 $_scs_section_size  }
0x9a: {  	s4 =	simm.s32 $_size__tile_overlayer_lowered;
	s5 =	simm.s32 $_tile_overlayer_lowered  }
0x9b: {  	s22 =	simm.s32 $0x1BFF;
	s21 =	sshll.u32 s5, $0x1;
	s2 =	sadd.s32 s19, s18  }
0x9c: {  	s6 =	simm.s32 $0x0;
	s20 =	sshll.u32 s4, $0x1;
	s4 =	sadd.s32 s21, s2  }
0x9d: {  	[timem:s6], [sflag:s22] =	dma.local [hbm:s4], s20  }
0x9e: {  	_ =	swait.ge [sflag:s22], s20  }
0x9f: {  	s3 =	ssub.s32 $0x0, s20;
	[sflag:s22] =	ssyncset.done $0x0  }
0xa0: {  	[sflag:s22] =	ssyncadd.s32 s3;
	_ =	sdelay $0x1  }
0xa1: {  	s23 =	simm.s32 $0x1B8B  }
0xa2: {  	_ =	swait.ge [sflag:s23], $0x1  }
0xa3: {  	[sflag:s23] =	ssyncset.done $0x0  }
0xa4: {  	s25 =	simm.s32 $0x1B8E;
	s24 =	sld [smem:$0x3FFE];
	[sflag:s23] =	ssyncadd.s32 $0xFFFFFFFF  }
0xa5: {  	s26 =	simm.s32 $execute0_lowered;
	[smem:$0x3FD2] =	sst s25  }
0xa6: {  	s4 =	sshll.u32 s26, $0x1;
	_ =	strace $0x80000049;
	[dreg:$0x1] =	wrdreg $0xFFFFFFFF  }
0xa7: {  	s28 =	simm.s32 $_size_execute0_lowered;
	s2 =	sadd.s32 s2, s4;
	[dreg:$0x0] =	wrdreg $0x0  }
0xa8: {  	s4 =	sshll.u32 s28, $0x1;
	[dreg:$0x2] =	wrdreg s2  }
0xa9: {  	[dreg:$0x3] =	wrdreg s4  }
0xaa: {  	[dreg:$0x4] =	wrdreg $0xC0  }
0xab: {  	_ =	task [dreg:s6], $0x5FFFF  }
0xac: {  	[dreg:$0x1] =	wrdreg $0xFFFFFFFF  }
0xad: {  	[dreg:$0x0] =	wrdreg $0x60  }
0xae: {  	[dreg:$0x2] =	wrdreg s24  }
0xaf: {  	[dreg:$0x3] =	wrdreg $0x68000  }
0xb0: {  	[dreg:$0x4] =	wrdreg $0x9  }
0xb1: {  	_ =	task.clear_ibuf [dreg:s6], $0x5FFFF;
	_ =	strace $0x90000049  }
0xb2: {  	s29 =	simm.s32 $0x9;
	_ =	strace $0x8000004B  }
0xb3: {  	_ =	swait.ge [sflag:s29], $0x1  }
0xb4: {  	[sflag:s29] =	ssyncadd.s32 $0xFFFFFFFF  }
0xb5: {  	_ =	strace $0x9000004B  }
0xb6: {  	_ =	sfence  }
0xb7: {  	s30 =	sld [smem:$0x0];
	_ =	sdelay $0x2  }
0xb8: {  	s31 =	sshll.u32 s1, $0xD;
	s1 =	sshrl.u32 s1, $0x2  }
0xb9: {  	s3 =	sand.u32 $0x4000, s31;
	s1 =	sadd.s32 s1, s30  }
0xba: {  	s0 =	sor.u32 s3, s0;
	s1 =	sshll.u32 s1, $0x11  }
0xbb: {  	s0 =	sor.u32 s1, s0  }
0xbc: {  	s0 =	sadd.s32 $0x8F2B, s0  }
0xbd: {  	[sflag:s0] =	ssyncadd.remote.s32 $0x1  }
0xbe: {  	_ =	sfence.sel $0xFFFF  }
0xbf: {  	[dreg:$0x0] =	wrdreg $0xFFFFFFFF;
	(pc) =	sbr.abs _section_cstart, $3  }
0xc0: {  	[dreg:$0x1] =	wrdreg $0xFFFFFFFF  }
0xc1: {  	_ =	task.clear_ibuf [dreg:s6], $0x2FFFF;
	_ =	strace $0x9FFFFFFF  }
0xc2: {  	(tm) =	ssettm $0x7FFFFFFF  }
0xc3: {  	_ =	shalt  }
tec
execute0_lowered:
.L_overlay_start_1:
0x0: {  	(tag) =	ssettag $0x1  }
0x1: {  	s5 =	rddreg [dreg:$0x0]  }
0x2: {  	s2 =	rddreg [dreg:$0x1]  }
0x3: {  	s0 =	rddreg [dreg:$0x2];
	s1 =	stileid.u32  }
0x4: {  	s4 =	srdreg.scid;
	s3 =	simm.s32 $0x0;
	s11 =	smul.u32 $0x50000, s1  }
0x5: {  	s13 =	simm.s32 $0x50;
	s4 =	sand.u32 $0x1, s4;
	s31 =	smul.u32 $0x28000, s1  }
0x6: {  	[smem:$0x7FF] =	sst s3;
	s6 =	sshll.u32 s1, $0xB;
	s16 =	smul.u32 $0x2800, s1  }
0x7: {  	s12 =	sadd.s32 $0x12C000, s2;
	p0 =	seq.s32 s1, $0xF;
	s29 =	smul.u32 $0x280000, s4  }
0x8: {  	s7 =	sshll.u32 s4, $0xF;
	_ =	strace $0x8000004A;
	s8 =	smul.u32 $0x27100, s4  }
0x9: {  	s9 =	ssub.s32 $0x2, s4;
	s4 =	sadd.s32 $0x2F400, s5;
	s6 =	sor.u32 s6, s7  }
0xa: {  	s10 =	sshrl.u32 s9, $0x1;
	s30 =	sshrl.u32 s11, $0x2;
	s6 =	sadd.s32 s6, s5  }
0xb: {  	s7 =	sadd.s32 s29, s5;
	s8 =	sadd.s32 s8, s5;
	s9 =	ssub.s32 s9, s10  }
0xc: {  	s11 =	sadd.s32 s30, s2;
	s10 =	sshll.u32 @!p0 s1, $0x6;
	s5 =	sadd.s32 $0x5600, s6  }
0xd: {  	s15 =	sadd.s32 $0x5E1000, s8;
	s7 =	sadd.s32 s31, s7;
	s6 =	smax.u32 s9, $0x1  }
0xe: {  	s8 =	simm.s32 $0x1;
	s9 =	sshrl.u32 @p0 s12, $0x3;
	s10 =	sor.u32 @!p0 $0x1C01, s10  }
0xf: {  	s11 =	sshrl.u32 @!p0 s11, $0x3;
	s12 =	simm.s32 $0x4000;
	s7 =	sadd.s32 $0x58E00, s7  }
0x10: {  	s14 =	sadd.s32 @p0 $0x25800, s15;
	s15 =	sadd.s32 @!p0 s16, s15;
	s16 =	simm.s32 $0x0  }
.LBB2_1:
0x11: {  	[tilespmem:s3], [sflag:$0x1] =	stream.linear.gather [hbm4b:s5+s3], $0x4000, $0x38;
	[tilespmem:$0x8F10] =	vst v63  }
0x12: {  	_ =	swait.ge [sflag:s8], $0x4000  }
0x13: {  	[sflag:s8] =	ssyncset.done $0x0  }
0x14: {  	s17 =	simm.s32 @p0 $0x1FC1;
	[sflag:s8] =	ssyncadd.s32 $0xFFFFC000  }
0x15: {  	[spmem:s9], [sflag:s17] =	dma.local @p0 [hbm:s4], $0x1900  }
0x16: {  	s17 =	simm.s32 @p0 $0x1  }
0x17: {  	_ =	swait.ge @p0 [sflag:s17], $0x1900  }
0x18: {  	[sflag:s17] =	ssyncset.done @p0 $0x0  }
0x19: {  	[sflag:s17] =	ssyncadd.s32 @p0 $0xFFFFE700;
	s17 =	simm.s32 @!p0 $0x1  }
0x1a: {  	[spmem:s11], [sflag:s10] =	dma.local @!p0 [hbm:s4], $0x2800  }
0x1b: {  	_ =	swait.ge @!p0 [sflag:s17], $0x2800  }
0x1c: {  	[sflag:s17] =	ssyncset.done @!p0 $0x0  }
0x1d: {  	[sflag:s17] =	ssyncadd.s32 @!p0 $0xFFFFD800  }
0x1e: {  	[bflag:$0x0] =	sbarrier.arrive $0xFFFF  }
0x1f: {  	[tilespmem:s12], [sflag:$0x1] =	stream.linear.gather [hbm4b:s7+s3], $0x2800, $0x38;
	[tilespmem:$0x8F10] =	vst v63  }
0x20: {  	_ =	swait.ge [sflag:s8], $0x2800  }
0x21: {  	[sflag:s8] =	ssyncset.done $0x0  }
0x22: {  	s31 =	simm.s32 $0x0;
	[sflag:s8] =	ssyncadd.s32 $0xFFFFD800  }
0x23: {  	[spmem:s2] =	stream.indirect.scatter.add.f32 [tilespmem:s12], [sflag:$0x1], $0x10, s31, s13, $0xb8;
	[tilespmem:$0x8F10] =	vst v63  }
0x24: {  	_ =	swait.ge [sflag:s8], $0x500  }
0x25: {  	s18 =	smov.u32 s7;
	s17 =	simm.s32 $0x200;
	[sflag:s8] =	ssyncset.done $0x0  }
.LBB2_2:
0x26: {  	p1 =	sne.s32 s17, $0xFE00;
	[sflag:s8] =	ssyncadd.s32 $0xFFFFFB00;
	s18 =	sadd.s32 $0x500, s18  }
0x27: {  	[tilespmem:s12], [sflag:$0x1] =	stream.linear.gather [hbm4b:s18+s3], $0x2800, $0x38;
	[tilespmem:$0x8F10] =	vst v63  }
0x28: {  	s19 =	smov.u32 s17;
	s17 =	sadd.s32 $0x200, s17;
	_ =	swait.ge [sflag:s8], $0x2800  }
.Ltmp0:
0x29: {  	[sflag:s8] =	ssyncset.done $0x0;
	(pc) =	sbr.rel @p1 .LBB2_2-.Ltmp0, $4  }
0x2a: {  	s19 =	sshra.s32 s19, $0x2;
	[sflag:s8] =	ssyncadd.s32 $0xFFFFD800  }
0x2b: {  	[spmem:s2] =	stream.indirect.scatter.add.f32 [tilespmem:s12], [sflag:$0x1], $0x10, s19, s13, $0xb8;
	[tilespmem:$0x8F10] =	vst v63  }
0x2c: {  	_ =	swait.ge [sflag:s8], $0x500  }
0x2d: {  	[sflag:s8] =	ssyncset.done $0x0  }
0x2e: {  	[sflag:s8] =	ssyncadd.s32 $0xFFFFFB00  }
0x2f: {  	s17 =	simm.s32 @p0 $0x1FC1;
	[bflag:$0x0] =	sbarrier.arrive $0xFFFF  }
0x30: {  	[hbm:s14], [sflag:s17] =	dma.local @p0 [spmem:s9], $0x1900  }
0x31: {  	s17 =	simm.s32 @p0 $0x1  }
0x32: {  	_ =	swait.ge @p0 [sflag:s17], $0x1900  }
0x33: {  	s16 =	sadd.s32 $0x1, s16;
	[sflag:s17] =	ssyncset.done @p0 $0x0  }
0x34: {  	p1 =	sne.s32 s16, s6;
	[sflag:s17] =	ssyncadd.s32 @p0 $0xFFFFE700;
	s17 =	simm.s32 @!p0 $0x1  }
0x35: {  	[hbm:s15], [sflag:s10] =	dma.local @!p0 [spmem:s11], $0x2800  }
.Ltmp1:
0x36: {  	_ =	swait.ge @!p0 [sflag:s17], $0x2800;
	(pc) =	sbr.rel @p1 .LBB2_1-.Ltmp1, $3  }
0x37: {  	[sflag:s17] =	ssyncset.done @!p0 $0x0  }
0x38: {  	[sflag:s17] =	ssyncadd.s32 @!p0 $0xFFFFD800  }
0x39: {  	[bflag:$0x0] =	sbarrier.arrive $0xFFFF;
	_ =	sdelay $0x1  }
0x3a: {  	_ =	sfence.sel $0x180000  }
0x3b: {  	[bflag:$0x0] =	sbarrier.arrive $0xFFFF  }
0x3c: {  	p0 =	sne.s32 s1, $0x0;
	_ =	strace $0x9000004A  }
0x3d: {  	s0 =	sadd.s32 @!p0 $0x100000, s0;
	[bflag:$0x2] =	sbarrier.arrive $0xFFFF  }
0x3e: {  	[sflag:s0] =	ssyncadd.tile.s32 @!p0 $0x1;
	_ =	shalt  }
.Lfunc_end2:
_tile_overlayer_lowered:
.L_overlay_start_2:
0x3f: {  	(tag) =	ssettag $0x2  }
0x40: {  	s0 =	rddreg [dreg:$0x0];
	s2 =	stileid.u32  }
0x41: {  	s1 =	rddreg [dreg:$0x1];
	p0 =	sne.s32 s2, $0x0  }
0x42: {  	s3 =	rddreg [dreg:$0x2];
	[bflag:$0x3] =	sbarrier.arrive $0xFFFF;
	s2 =	simm.s32 @!p0 $0x1C01  }
0x43: {  	[timem:s3], [sflag:s2] =	dma.local @!p0 [hbm:s0], s1  }
0x44: {  	s0 =	simm.s32 @!p0 $0x1  }
0x45: {  	_ =	swait.ge @!p0 [sflag:s0], s1  }
0x46: {  	s1 =	ssub.s32 @!p0 $0x0, s1;
	[sflag:s0] =	ssyncset.done @!p0 $0x0  }
0x47: {  	[sflag:s0] =	ssyncadd.s32 @!p0 s1  }
0x48: {  	[bflag:$0x3] =	sbarrier.arrive $0xFFFF  }
0x49: {  	_ =	shalt  }

// kernel: kernel.15.cloned.1.call-start
scs
__scs_entry_jumppad:
0x0: {  	(pc) =	sbr.rel $0x88, $3  }
0x1: {  	(tag) =	ssettag $0x0;
	lr =	simm.s32 $0x1  }
0x2: {  	[smem:$0x3F94] =	sst lr;
	_ =	strace $0xD0000000  }
0x3: {  	_ = 	snop  }
0x4: {  	_ = 	snop  }
0x5: {  	_ = 	snop  }
0x6: {  	_ = 	snop  }
0x7: {  	_ = 	snop  }
__scs_overlays_trampoline_lowered:
0x8: {  	[smem:$0x3FA3] =	sst s0  }
0x9: {  	[smem:$0x3FA4] =	sst s1  }
0xa: {  	[smem:$0x3FA5] =	sst s2  }
0xb: {  	[smem:$0x3FA6] =	sst s3  }
0xc: {  	[smem:$0x3FA7] =	sst s4  }
0xd: {  	[smem:$0x3FA8] =	sst s5  }
0xe: {  	[smem:$0x3FA9] =	sst s6  }
0xf: {  	[smem:$0x3FAA] =	sst s7  }
0x10: {  	[smem:$0x3FAB] =	sst s8  }
0x11: {  	[smem:$0x3FAC] =	sst s9;
	s0 =	simm.s32 @!p0 $0x0  }
0x12: {  	s1 =	sld [smem:$0x3F92];
	s0 =	simm.s32 @p0 $0x1  }
0x13: {  	[smem:$0x3FAD] =	sst s0;
	s0 =	simm.s32 @!p1 $0x0  }
0x14: {  	s2 =	sld [smem:$0x3F91];
	s0 =	simm.s32 @p1 $0x1  }
0x15: {  	[smem:$0x3FAE] =	sst s0;
	s0 =	simm.s32 @!p2 $0x0  }
0x16: {  	s3 =	sld [smem:$0x3FDB];
	s0 =	simm.s32 @p2 $0x1  }
0x17: {  	s4 =	simm.s32 $0x1BF5;
	[smem:$0x3FB0] =	sst s0  }
0x18: {  	s0 =	sld [smem:$0x3F93];
	_ =	swait.ge [sflag:s4], $0x0  }
0x19: {  	s7 =	sld [smem:$0x3F94]  }
0x1a: {  	s8 =	sadd.s32 $0xFFFFE003, lr  }
0x1b: {  	s9 =	sadd.s32 $0xFFFFFEF7, lr;
	s5 =	simm.s32 $0xFFFFFFFF;
	p2 =	slt.u32 s8, $0xFFFFF086  }
0x1c: {  	p1 =	slt.u32 s9, $0xF7A;
	s5 =	simm.s32 @!p2 $0x0  }
0x1d: {  	s5 =	simm.s32 @p1 $0x1;
	p0 =	seq.s32 s7, s2  }
0x1e: {  	s7 =	smul.u32 @!p0 $0xF7A, s2;
	p2 =	seq.s32 @!p0 s5, $0x0  }
0x1f: {  	s9 =	smul.u32 $0xF7A, s1;
	s8 =	simm.s32 @!p0 $0x1BF5;
	p2 =	por !p2, p0  }
0x20: {  	[sflag:s8] =	ssyncset.s32 @!p0 $0xFFFFF086;
	s6 =	sadd.s32 @!p0 s3, s7;
	s7 =	simm.s32 @!p0 $0x108  }
0x21: {  	s3 =	sadd.s32 s3, s9;
	s6 =	sadd.s32 @!p0 $0x88, s6;
	s7 =	simm.s32 @p2 $0x1082  }
0x22: {  	[simem:s7], [sflag:s8] =	dma.local @!p0 [hbm:s6], $0xF7A  }
0x23: {  	s9 =	sor.u32 $0xD0000000, s2;
	s6 =	simm.s32 $0x108;
	_ =	swait.ge @!p0 [sflag:s8], $0x0  }
0x24: {  	s3 =	sadd.s32 $0x88, s3;
	s6 =	simm.s32 @!p1 $0x1082;
	[sflag:s4] =	ssyncset.s32 $0xFFFFF086  }
0x25: {  	[simem:s6], [sflag:s4] =	dma.local [hbm:s3], $0xF7A  }
0x26: {  	[smem:$0x3F94] =	sst s1;
	(tag) =	ssettag s2;
	_ =	strace s9  }
0x27: {  	s1 =	sld [smem:$0x3FA4]  }
0x28: {  	s2 =	sld [smem:$0x3FA5]  }
0x29: {  	s4 =	sld [smem:$0x3FA7]  }
0x2a: {  	p0 =	seq.s32 s5, $0x0;
	s5 =	sld [smem:$0x3FA8]  }
0x2b: {  	s6 =	sld [smem:$0x3FA9]  }
0x2c: {  	s7 =	sld [smem:$0x3FAA]  }
0x2d: {  	s3 =	simm.s32 $0x108;
	s8 =	sld [smem:$0x3FAB]  }
0x2e: {  	s3 =	simm.s32 @!p0 $0x1082;
	s9 =	sld [smem:$0x3FAC]  }
0x2f: {  	lr =	sadd.s32 s0, s3;
	s0 =	sld [smem:$0x3FA3]  }
0x30: {  	s3 =	sld [smem:$0x3FA6]  }
0x31: {  	[smem:$0x3FAF] =	sst s10  }
0x32: {  	s10 =	sld [smem:$0x3FAD];
	_ =	sdelay $0x3  }
0x33: {  	p0 =	seq.s32 s10, $0x1;
	s10 =	sld [smem:$0x3FAF];
	_ =	sdelay $0x3  }
0x34: {  	[smem:$0x3FAF] =	sst s10  }
0x35: {  	s10 =	sld [smem:$0x3FAE];
	_ =	sdelay $0x3  }
0x36: {  	p1 =	seq.s32 s10, $0x1;
	s10 =	sld [smem:$0x3FAF];
	_ =	sdelay $0x3  }
0x37: {  	[smem:$0x3FAF] =	sst s10  }
0x38: {  	s10 =	sld [smem:$0x3FB0]  }
0x39: {  	_ = 	snop;
	(pc) =	sbr.ind lr, $3  }
0x3a: {  	_ = 	snop  }
0x3b: {  	_ = 	snop  }
0x3c: {  	p2 =	seq.s32 s10, $0x1;
	s10 =	sld [smem:$0x3FAF]  }
0x3d: {  	_ =	shalt  }
0x3e: {  	_ =	shalt  }
0x3f: {  	_ =	shalt  }
0x40: {  	_ =	shalt  }
0x41: {  	_ =	shalt  }
0x42: {  	_ =	shalt  }
0x43: {  	_ =	shalt  }
0x44: {  	_ =	shalt  }
0x45: {  	_ =	shalt  }
0x46: {  	_ =	shalt  }
0x47: {  	_ =	shalt  }
0x48: {  	_ =	shalt  }
0x49: {  	_ =	shalt  }
0x4a: {  	_ =	shalt  }
0x4b: {  	_ =	shalt  }
0x4c: {  	_ =	shalt  }
0x4d: {  	_ =	shalt  }
0x4e: {  	_ =	shalt  }
0x4f: {  	_ =	shalt  }
0x50: {  	_ =	shalt  }
0x51: {  	_ =	shalt  }
0x52: {  	_ =	shalt  }
0x53: {  	_ =	shalt  }
0x54: {  	_ =	shalt  }
0x55: {  	_ =	shalt  }
0x56: {  	_ =	shalt  }
0x57: {  	_ =	shalt  }
0x58: {  	_ =	shalt  }
0x59: {  	_ =	shalt  }
0x5a: {  	_ =	shalt  }
0x5b: {  	_ =	shalt  }
0x5c: {  	_ =	shalt  }
0x5d: {  	_ =	shalt  }
0x5e: {  	_ =	shalt  }
0x5f: {  	_ =	shalt  }
0x60: {  	_ =	shalt  }
0x61: {  	_ =	shalt  }
0x62: {  	_ =	shalt  }
0x63: {  	_ =	shalt  }
0x64: {  	_ =	shalt  }
0x65: {  	_ =	shalt  }
0x66: {  	_ =	shalt  }
0x67: {  	_ =	shalt  }
0x68: {  	_ =	shalt  }
0x69: {  	_ =	shalt  }
0x6a: {  	_ =	shalt  }
0x6b: {  	_ =	shalt  }
0x6c: {  	_ =	shalt  }
0x6d: {  	_ =	shalt  }
0x6e: {  	_ =	shalt  }
0x6f: {  	_ =	shalt  }
0x70: {  	_ =	shalt  }
0x71: {  	_ =	shalt  }
0x72: {  	_ =	shalt  }
0x73: {  	_ =	shalt  }
0x74: {  	_ =	shalt  }
0x75: {  	_ =	shalt  }
0x76: {  	_ =	shalt  }
0x77: {  	_ =	shalt  }
0x78: {  	_ =	shalt  }
0x79: {  	_ =	shalt  }
0x7a: {  	_ =	shalt  }
0x7b: {  	_ =	shalt  }
0x7c: {  	_ =	shalt  }
0x7d: {  	_ =	shalt  }
0x7e: {  	_ =	shalt  }
0x7f: {  	_ =	shalt  }
0x80: {  	_ =	shalt  }
0x81: {  	_ =	shalt  }
0x82: {  	_ =	shalt  }
0x83: {  	_ =	shalt  }
0x84: {  	_ =	shalt  }
0x85: {  	_ =	shalt  }
0x86: {  	_ =	shalt  }
0x87: {  	_ =	shalt  }
.Lfunc_end0:
.L_simem_size_0:
called_computation.2_lowered:
.L_overlay_start_0:
0x88: {  	s2 =	sld [smem:$0x3FD9]  }
0x89: {  	s3 =	sld [smem:$0x3FFE];
	_ =	sdelay $0x1  }
0x8a: {  	s1 =	srdreg.scid  }
0x8b: {  	s0 =	sand.u32 $0x1, s1  }
0x8c: {  	s16 =	sshll.u32 s0, $0xA;
	s2 =	sadd.s32 s3, s2  }
0x8d: {  	s2 =	sadd.s32 s2, s16  }
0x8e: {  	[smem:$0x3FBB] =	sst s2  }
0x8f: {  	_ = 	snop  }
0x90: {  	(tm) =	ssettm $0x1  }
0x91: {  	s17 =	sld [smem:$0x3FFB];
	_ =	sdelay $0x3  }
0x92: {  	_ =	strace s17  }
0x93: {  	s2 =	sld [smem:$0x3FFC];
	_ =	sdelay $0x3  }
0x94: {  	_ =	strace s2  }
0x95: {  	s2 =	sld [smem:$0x3FFD];
	_ =	sdelay $0x3  }
0x96: {  	_ =	strace s2  }
0x97: {  	_ =	strace $0x8FFFFFFF  }
0x98: {  	s18 =	sld [smem:$0x3FDB];
	_ =	sdelay $0x1  }
0x99: {  	s19 =	simm.s32 $_scs_section_size  }
0x9a: {  	s4 =	simm.s32 $_size__tile_overlayer_lowered;
	s5 =	simm.s32 $_tile_overlayer_lowered  }
0x9b: {  	s22 =	simm.s32 $0x1BFF;
	s21 =	sshll.u32 s5, $0x1;
	s2 =	sadd.s32 s19, s18  }
0x9c: {  	s6 =	simm.s32 $0x0;
	s20 =	sshll.u32 s4, $0x1;
	s4 =	sadd.s32 s21, s2  }
0x9d: {  	[timem:s6], [sflag:s22] =	dma.local [hbm:s4], s20  }
0x9e: {  	_ =	swait.ge [sflag:s22], s20  }
0x9f: {  	s3 =	ssub.s32 $0x0, s20;
	[sflag:s22] =	ssyncset.done $0x0  }
0xa0: {  	[sflag:s22] =	ssyncadd.s32 s3;
	_ =	sdelay $0x1  }
0xa1: {  	s23 =	simm.s32 $0x1B8B  }
0xa2: {  	_ =	swait.ge [sflag:s23], $0x1  }
0xa3: {  	[sflag:s23] =	ssyncset.done $0x0  }
0xa4: {  	s25 =	simm.s32 $0x1B8E;
	s24 =	sld [smem:$0x3FFE];
	[sflag:s23] =	ssyncadd.s32 $0xFFFFFFFF  }
0xa5: {  	s26 =	simm.s32 $execute0_lowered;
	[smem:$0x3FD2] =	sst s25  }
0xa6: {  	s4 =	sshll.u32 s26, $0x1;
	_ =	strace $0x8000004C;
	[dreg:$0x1] =	wrdreg $0xFFFFFFFF  }
0xa7: {  	s28 =	simm.s32 $_size_execute0_lowered;
	s2 =	sadd.s32 s2, s4;
	[dreg:$0x0] =	wrdreg $0x0  }
0xa8: {  	s4 =	sshll.u32 s28, $0x1;
	[dreg:$0x2] =	wrdreg s2  }
0xa9: {  	[dreg:$0x3] =	wrdreg s4  }
0xaa: {  	[dreg:$0x4] =	wrdreg $0xC0  }
0xab: {  	_ =	task [dreg:s6], $0x5FFFF  }
0xac: {  	[dreg:$0x1] =	wrdreg $0xFFFFFFFF  }
0xad: {  	[dreg:$0x0] =	wrdreg $0x60  }
0xae: {  	[dreg:$0x2] =	wrdreg s24  }
0xaf: {  	[dreg:$0x3] =	wrdreg $0x68000  }
0xb0: {  	[dreg:$0x4] =	wrdreg $0x9  }
0xb1: {  	_ =	task.clear_ibuf [dreg:s6], $0x5FFFF;
	_ =	strace $0x9000004C  }
0xb2: {  	s29 =	simm.s32 $0x9;
	_ =	strace $0x8000004E  }
0xb3: {  	_ =	swait.ge [sflag:s29], $0x1  }
0xb4: {  	[sflag:s29] =	ssyncadd.s32 $0xFFFFFFFF  }
0xb5: {  	_ =	strace $0x9000004E  }
0xb6: {  	_ =	sfence  }
0xb7: {  	s30 =	sld [smem:$0x0];
	_ =	sdelay $0x2  }
0xb8: {  	s31 =	sshll.u32 s1, $0xD;
	s1 =	sshrl.u32 s1, $0x2  }
0xb9: {  	s3 =	sand.u32 $0x4000, s31;
	s1 =	sadd.s32 s1, s30  }
0xba: {  	s0 =	sor.u32 s3, s0;
	s1 =	sshll.u32 s1, $0x11  }
0xbb: {  	s0 =	sor.u32 s1, s0  }
0xbc: {  	s0 =	sadd.s32 $0x8F2B, s0  }
0xbd: {  	[sflag:s0] =	ssyncadd.remote.s32 $0x1  }
0xbe: {  	_ =	sfence.sel $0xFFFF  }
0xbf: {  	[dreg:$0x0] =	wrdreg $0xFFFFFFFF;
	(pc) =	sbr.abs _section_cstart, $3  }
0xc0: {  	[dreg:$0x1] =	wrdreg $0xFFFFFFFF  }
0xc1: {  	_ =	task.clear_ibuf [dreg:s6], $0x2FFFF;
	_ =	strace $0x9FFFFFFF  }
0xc2: {  	(tm) =	ssettm $0x7FFFFFFF  }
0xc3: {  	_ =	shalt  }
tec
execute0_lowered:
.L_overlay_start_1:
0x0: {  	(tag) =	ssettag $0x1  }
0x1: {  	s5 =	rddreg [dreg:$0x0]  }
0x2: {  	s2 =	rddreg [dreg:$0x1];
	s3 =	srdreg.scid  }
0x3: {  	s0 =	rddreg [dreg:$0x2];
	s1 =	stileid.u32;
	s20 =	simm.s32 $0x1  }
0x4: {  	s24 =	simm.s32 $0x4000;
	s25 =	simm.s32 $0x50;
	s26 =	simm.s32 $0x0  }
0x5: {  	s4 =	sand.u32 $0x1, s3;
	s3 =	simm.s32 $0x0;
	s9 =	smul.u32 $0x50000, s1  }
0x6: {  	s6 =	sshll.u32 s1, $0xB;
	s21 =	sadd.s32 $0x12C000, s2;
	s15 =	smul.u32 $0x28000, s1  }
0x7: {  	p0 =	seq.s32 s1, $0xF;
	s7 =	sshll.u32 s4, $0xF;
	s29 =	smul.u32 $0x280000, s4  }
0x8: {  	[smem:$0x7FF] =	sst s3;
	s8 =	smul.u32 $0x27100, s4;
	s30 =	ssub.s32 $0x2, s4  }
0x9: {  	s4 =	sadd.s32 $0x8AC00, s5;
	s22 =	sshll.u32 @!p0 s1, $0x6;
	s21 =	sshrl.u32 @p0 s21, $0x3  }
0xa: {  	s6 =	sor.u32 s6, s7;
	_ =	strace $0x8000004D;
	s31 =	sshrl.u32 s30, $0x1  }
0xb: {  	s10 =	sshrl.u32 s9, $0x2;
	s7 =	smul.u32 $0x2800, s1;
	s22 =	sor.u32 @!p0 $0x1C01, s22  }
0xc: {  	s6 =	sadd.s32 s6, s5;
	s14 =	sadd.s32 s29, s5;
	s12 =	sadd.s32 s8, s5  }
0xd: {  	s5 =	sadd.s32 $0x5600, s6;
	s6 =	sadd.s32 $0x8D400, s12;
	s8 =	sadd.s32 $0xDB600, s12  }
0xe: {  	s23 =	sadd.s32 s10, s2;
	s9 =	sadd.s32 $0x129800, s12;
	s10 =	sadd.s32 $0x177A00, s12  }
0xf: {  	s13 =	ssub.s32 s30, s31;
	s11 =	sadd.s32 $0x1C5C00, s12;
	s12 =	sadd.s32 $0x213E00, s12  }
0x10: {  	s13 =	smax.u32 s13, $0x1;
	s19 =	sadd.s32 s15, s14;
	s23 =	sshrl.u32 @!p0 s23, $0x3  }
0x11: {  	s14 =	sadd.s32 $0x282F000, s19;
	s15 =	sadd.s32 $0x2D2F000, s19;
	s16 =	sadd.s32 $0xA6B000, s19  }
0x12: {  	s17 =	sadd.s32 $0xF6B000, s19;
	s18 =	sadd.s32 $0x146B000, s19;
	s19 =	sadd.s32 $0x196B000, s19  }
.LBB2_1:
0x13: {  	[tilespmem:s3], [sflag:$0x1] =	stream.linear.gather [hbm4b:s5+s3], $0x4000, $0x38;
	[tilespmem:$0x10440] =	vst v63  }
0x14: {  	_ =	swait.ge [sflag:s20], $0x4000  }
0x15: {  	[sflag:s20] =	ssyncset.done $0x0  }
0x16: {  	s28 =	simm.s32 @p0 $0x1FC1;
	[sflag:s20] =	ssyncadd.s32 $0xFFFFC000  }
0x17: {  	[spmem:s21], [sflag:s28] =	dma.local @p0 [hbm:s4], $0x1900  }
0x18: {  	s28 =	simm.s32 @p0 $0x1  }
0x19: {  	_ =	swait.ge @p0 [sflag:s28], $0x1900  }
0x1a: {  	[sflag:s28] =	ssyncset.done @p0 $0x0  }
0x1b: {  	[sflag:s28] =	ssyncadd.s32 @p0 $0xFFFFE700;
	s28 =	simm.s32 @!p0 $0x1  }
0x1c: {  	[spmem:s23], [sflag:s22] =	dma.local @!p0 [hbm:s4], $0x2800  }
0x1d: {  	_ =	swait.ge @!p0 [sflag:s28], $0x2800  }
0x1e: {  	[sflag:s28] =	ssyncset.done @!p0 $0x0  }
0x1f: {  	[sflag:s28] =	ssyncadd.s32 @!p0 $0xFFFFD800  }
0x20: {  	[bflag:$0x0] =	sbarrier.arrive $0xFFFF  }
0x21: {  	[tilespmem:s24], [sflag:$0x1] =	stream.linear.gather [hbm4b:s14+s3], $0x2800, $0x38;
	[tilespmem:$0x10440] =	vst v63  }
0x22: {  	_ =	swait.ge [sflag:s20], $0x2800  }
0x23: {  	[sflag:s20] =	ssyncset.done $0x0  }
0x24: {  	s28 =	simm.s32 $0x0;
	[sflag:s20] =	ssyncadd.s32 $0xFFFFD800  }
0x25: {  	[spmem:s2] =	stream.indirect.scatter.add.f32 [tilespmem:s24], [sflag:$0x1], $0x40, s28, s25, $0xb8;
	[tilespmem:$0x10440] =	vst v63  }
0x26: {  	_ =	swait.ge [sflag:s20], $0x1400  }
0x27: {  	s29 =	smov.u32 s14;
	s28 =	simm.s32 $0x200;
	[sflag:s20] =	ssyncset.done $0x0  }
.LBB2_2:
0x28: {  	p1 =	sne.s32 s28, $0xFE00;
	[sflag:s20] =	ssyncadd.s32 $0xFFFFEC00;
	s29 =	sadd.s32 $0x500, s29  }
0x29: {  	[tilespmem:s24], [sflag:$0x1] =	stream.linear.gather [hbm4b:s29+s3], $0x2800, $0x38;
	[tilespmem:$0x10440] =	vst v63  }
0x2a: {  	s30 =	smov.u32 s28;
	s28 =	sadd.s32 $0x200, s28;
	_ =	swait.ge [sflag:s20], $0x2800  }
.Ltmp0:
0x2b: {  	[sflag:s20] =	ssyncset.done $0x0;
	(pc) =	sbr.rel @p1 .LBB2_2-.Ltmp0, $4  }
0x2c: {  	s30 =	sshra.s32 s30, $0x2;
	[sflag:s20] =	ssyncadd.s32 $0xFFFFD800  }
0x2d: {  	[spmem:s2] =	stream.indirect.scatter.add.f32 [tilespmem:s24], [sflag:$0x1], $0x40, s30, s25, $0xb8;
	[tilespmem:$0x10440] =	vst v63  }
0x2e: {  	_ =	swait.ge [sflag:s20], $0x1400  }
0x2f: {  	[sflag:s20] =	ssyncset.done $0x0  }
0x30: {  	[sflag:s20] =	ssyncadd.s32 $0xFFFFEC00  }
0x31: {  	s28 =	sadd.s32 @p0 $0x25800, s6;
	s29 =	simm.s32 @p0 $0x1FC1;
	[bflag:$0x0] =	sbarrier.arrive $0xFFFF  }
0x32: {  	[hbm:s28], [sflag:s29] =	dma.local @p0 [spmem:s21], $0x1900  }
0x33: {  	s28 =	simm.s32 @p0 $0x1  }
0x34: {  	_ =	swait.ge @p0 [sflag:s28], $0x1900  }
0x35: {  	[sflag:s28] =	ssyncset.done @p0 $0x0  }
0x36: {  	[sflag:s28] =	ssyncadd.s32 @p0 $0xFFFFE700  }
0x37: {  	[bflag:$0x0] =	sbarrier.arrive @p0 $0xFFFF  }
0x38: {  	[spmem:s21], [sflag:s29] =	dma.local @p0 [hbm:s4], $0x1900  }
0x39: {  	_ =	swait.ge @p0 [sflag:s28], $0x1900  }
0x3a: {  	[sflag:s28] =	ssyncset.done @p0 $0x0  }
0x3b: {  	[sflag:s28] =	ssyncadd.s32 @p0 $0xFFFFE700;
	s28 =	sadd.s32 @!p0 s7, s6  }
0x3c: {  	[hbm:s28], [sflag:s22] =	dma.local @!p0 [spmem:s23], $0x2800  }
0x3d: {  	s28 =	simm.s32 @!p0 $0x1  }
0x3e: {  	_ =	swait.ge @!p0 [sflag:s28], $0x2800  }
0x3f: {  	[sflag:s28] =	ssyncset.done @!p0 $0x0  }
0x40: {  	[sflag:s28] =	ssyncadd.s32 @!p0 $0xFFFFD800  }
0x41: {  	[bflag:$0x0] =	sbarrier.arrive @!p0 $0xFFFF  }
0x42: {  	[spmem:s23], [sflag:s22] =	dma.local @!p0 [hbm:s4], $0x2800  }
0x43: {  	_ =	swait.ge @!p0 [sflag:s28], $0x2800  }
0x44: {  	[sflag:s28] =	ssyncset.done @!p0 $0x0  }
0x45: {  	[sflag:s28] =	ssyncadd.s32 @!p0 $0xFFFFD800  }
0x46: {  	[bflag:$0x0] =	sbarrier.arrive $0xFFFF  }
0x47: {  	[tilespmem:s24], [sflag:$0x1] =	stream.linear.gather [hbm4b:s15+s3], $0x2800, $0x38;
	[tilespmem:$0x10440] =	vst v63  }
0x48: {  	_ =	swait.ge [sflag:s20], $0x2800  }
0x49: {  	[sflag:s20] =	ssyncset.done $0x0  }
0x4a: {  	s28 =	simm.s32 $0x0;
	[sflag:s20] =	ssyncadd.s32 $0xFFFFD800  }
0x4b: {  	[spmem:s2] =	stream.indirect.scatter.add.f32 [tilespmem:s24], [sflag:$0x1], $0x40, s28, s25, $0xb8;
	[tilespmem:$0x10440] =	vst v63  }
0x4c: {  	_ =	swait.ge [sflag:s20], $0x1400  }
0x4d: {  	s29 =	smov.u32 s15;
	s28 =	simm.s32 $0x200;
	[sflag:s20] =	ssyncset.done $0x0  }
.LBB2_4:
0x4e: {  	p1 =	sne.s32 s28, $0xFE00;
	[sflag:s20] =	ssyncadd.s32 $0xFFFFEC00;
	s29 =	sadd.s32 $0x500, s29  }
0x4f: {  	[tilespmem:s24], [sflag:$0x1] =	stream.linear.gather [hbm4b:s29+s3], $0x2800, $0x38;
	[tilespmem:$0x10440] =	vst v63  }
0x50: {  	s30 =	smov.u32 s28;
	s28 =	sadd.s32 $0x200, s28;
	_ =	swait.ge [sflag:s20], $0x2800  }
.Ltmp1:
0x51: {  	[sflag:s20] =	ssyncset.done $0x0;
	(pc) =	sbr.rel @p1 .LBB2_4-.Ltmp1, $4  }
0x52: {  	s30 =	sshra.s32 s30, $0x2;
	[sflag:s20] =	ssyncadd.s32 $0xFFFFD800  }
0x53: {  	[spmem:s2] =	stream.indirect.scatter.add.f32 [tilespmem:s24], [sflag:$0x1], $0x40, s30, s25, $0xb8;
	[tilespmem:$0x10440] =	vst v63  }
0x54: {  	_ =	swait.ge [sflag:s20], $0x1400  }
0x55: {  	[sflag:s20] =	ssyncset.done $0x0  }
0x56: {  	[sflag:s20] =	ssyncadd.s32 $0xFFFFEC00  }
0x57: {  	s28 =	sadd.s32 @p0 $0x25800, s8;
	s29 =	simm.s32 @p0 $0x1FC1;
	[bflag:$0x0] =	sbarrier.arrive $0xFFFF  }
0x58: {  	[hbm:s28], [sflag:s29] =	dma.local @p0 [spmem:s21], $0x1900  }
0x59: {  	s28 =	simm.s32 @p0 $0x1  }
0x5a: {  	_ =	swait.ge @p0 [sflag:s28], $0x1900  }
0x5b: {  	[sflag:s28] =	ssyncset.done @p0 $0x0  }
0x5c: {  	[sflag:s28] =	ssyncadd.s32 @p0 $0xFFFFE700  }
0x5d: {  	[bflag:$0x0] =	sbarrier.arrive @p0 $0xFFFF  }
0x5e: {  	[spmem:s21], [sflag:s29] =	dma.local @p0 [hbm:s4], $0x1900  }
0x5f: {  	_ =	swait.ge @p0 [sflag:s28], $0x1900  }
0x60: {  	[sflag:s28] =	ssyncset.done @p0 $0x0  }
0x61: {  	[sflag:s28] =	ssyncadd.s32 @p0 $0xFFFFE700;
	s28 =	sadd.s32 @!p0 s7, s8  }
0x62: {  	[hbm:s28], [sflag:s22] =	dma.local @!p0 [spmem:s23], $0x2800  }
0x63: {  	s28 =	simm.s32 @!p0 $0x1  }
0x64: {  	_ =	swait.ge @!p0 [sflag:s28], $0x2800  }
0x65: {  	[sflag:s28] =	ssyncset.done @!p0 $0x0  }
0x66: {  	[sflag:s28] =	ssyncadd.s32 @!p0 $0xFFFFD800  }
0x67: {  	[bflag:$0x0] =	sbarrier.arrive @!p0 $0xFFFF  }
0x68: {  	[spmem:s23], [sflag:s22] =	dma.local @!p0 [hbm:s4], $0x2800  }
0x69: {  	_ =	swait.ge @!p0 [sflag:s28], $0x2800  }
0x6a: {  	[sflag:s28] =	ssyncset.done @!p0 $0x0  }
0x6b: {  	[sflag:s28] =	ssyncadd.s32 @!p0 $0xFFFFD800  }
0x6c: {  	[bflag:$0x0] =	sbarrier.arrive $0xFFFF  }
0x6d: {  	[tilespmem:s24], [sflag:$0x1] =	stream.linear.gather [hbm4b:s16+s3], $0x2800, $0x38;
	[tilespmem:$0x10440] =	vst v63  }
0x6e: {  	_ =	swait.ge [sflag:s20], $0x2800  }
0x6f: {  	[sflag:s20] =	ssyncset.done $0x0  }
0x70: {  	s28 =	simm.s32 $0x0;
	[sflag:s20] =	ssyncadd.s32 $0xFFFFD800  }
0x71: {  	[spmem:s2] =	stream.indirect.scatter.add.f32 [tilespmem:s24], [sflag:$0x1], $0x40, s28, s25, $0xb8;
	[tilespmem:$0x10440] =	vst v63  }
0x72: {  	_ =	swait.ge [sflag:s20], $0x1400  }
0x73: {  	s29 =	smov.u32 s16;
	s28 =	simm.s32 $0x200;
	[sflag:s20] =	ssyncset.done $0x0  }
.LBB2_6:
0x74: {  	p1 =	sne.s32 s28, $0xFE00;
	[sflag:s20] =	ssyncadd.s32 $0xFFFFEC00;
	s29 =	sadd.s32 $0x500, s29  }
0x75: {  	[tilespmem:s24], [sflag:$0x1] =	stream.linear.gather [hbm4b:s29+s3], $0x2800, $0x38;
	[tilespmem:$0x10440] =	vst v63  }
0x76: {  	s30 =	smov.u32 s28;
	s28 =	sadd.s32 $0x200, s28;
	_ =	swait.ge [sflag:s20], $0x2800  }
.Ltmp2:
0x77: {  	[sflag:s20] =	ssyncset.done $0x0;
	(pc) =	sbr.rel @p1 .LBB2_6-.Ltmp2, $4  }
0x78: {  	s30 =	sshra.s32 s30, $0x2;
	[sflag:s20] =	ssyncadd.s32 $0xFFFFD800  }
0x79: {  	[spmem:s2] =	stream.indirect.scatter.add.f32 [tilespmem:s24], [sflag:$0x1], $0x40, s30, s25, $0xb8;
	[tilespmem:$0x10440] =	vst v63  }
0x7a: {  	_ =	swait.ge [sflag:s20], $0x1400  }
0x7b: {  	[sflag:s20] =	ssyncset.done $0x0  }
0x7c: {  	[sflag:s20] =	ssyncadd.s32 $0xFFFFEC00  }
0x7d: {  	s28 =	sadd.s32 @p0 $0x25800, s9;
	s29 =	simm.s32 @p0 $0x1FC1;
	[bflag:$0x0] =	sbarrier.arrive $0xFFFF  }
0x7e: {  	[hbm:s28], [sflag:s29] =	dma.local @p0 [spmem:s21], $0x1900  }
0x7f: {  	s28 =	simm.s32 @p0 $0x1  }
0x80: {  	_ =	swait.ge @p0 [sflag:s28], $0x1900  }
0x81: {  	[sflag:s28] =	ssyncset.done @p0 $0x0  }
0x82: {  	[sflag:s28] =	ssyncadd.s32 @p0 $0xFFFFE700  }
0x83: {  	[bflag:$0x0] =	sbarrier.arrive @p0 $0xFFFF  }
0x84: {  	[spmem:s21], [sflag:s29] =	dma.local @p0 [hbm:s4], $0x1900  }
0x85: {  	_ =	swait.ge @p0 [sflag:s28], $0x1900  }
0x86: {  	[sflag:s28] =	ssyncset.done @p0 $0x0  }
0x87: {  	[sflag:s28] =	ssyncadd.s32 @p0 $0xFFFFE700;
	s28 =	sadd.s32 @!p0 s7, s9  }
0x88: {  	[hbm:s28], [sflag:s22] =	dma.local @!p0 [spmem:s23], $0x2800  }
0x89: {  	s28 =	simm.s32 @!p0 $0x1  }
0x8a: {  	_ =	swait.ge @!p0 [sflag:s28], $0x2800  }
0x8b: {  	[sflag:s28] =	ssyncset.done @!p0 $0x0  }
0x8c: {  	[sflag:s28] =	ssyncadd.s32 @!p0 $0xFFFFD800  }
0x8d: {  	[bflag:$0x0] =	sbarrier.arrive @!p0 $0xFFFF  }
0x8e: {  	[spmem:s23], [sflag:s22] =	dma.local @!p0 [hbm:s4], $0x2800  }
0x8f: {  	_ =	swait.ge @!p0 [sflag:s28], $0x2800  }
0x90: {  	[sflag:s28] =	ssyncset.done @!p0 $0x0  }
0x91: {  	[sflag:s28] =	ssyncadd.s32 @!p0 $0xFFFFD800  }
0x92: {  	[bflag:$0x0] =	sbarrier.arrive $0xFFFF  }
0x93: {  	[tilespmem:s24], [sflag:$0x1] =	stream.linear.gather [hbm4b:s17+s3], $0x2800, $0x38;
	[tilespmem:$0x10440] =	vst v63  }
0x94: {  	_ =	swait.ge [sflag:s20], $0x2800  }
0x95: {  	[sflag:s20] =	ssyncset.done $0x0  }
0x96: {  	s28 =	simm.s32 $0x0;
	[sflag:s20] =	ssyncadd.s32 $0xFFFFD800  }
0x97: {  	[spmem:s2] =	stream.indirect.scatter.add.f32 [tilespmem:s24], [sflag:$0x1], $0x40, s28, s25, $0xb8;
	[tilespmem:$0x10440] =	vst v63  }
0x98: {  	_ =	swait.ge [sflag:s20], $0x1400  }
0x99: {  	s29 =	smov.u32 s17;
	s28 =	simm.s32 $0x200;
	[sflag:s20] =	ssyncset.done $0x0  }
.LBB2_8:
0x9a: {  	p1 =	sne.s32 s28, $0xFE00;
	[sflag:s20] =	ssyncadd.s32 $0xFFFFEC00;
	s29 =	sadd.s32 $0x500, s29  }
0x9b: {  	[tilespmem:s24], [sflag:$0x1] =	stream.linear.gather [hbm4b:s29+s3], $0x2800, $0x38;
	[tilespmem:$0x10440] =	vst v63  }
0x9c: {  	s30 =	smov.u32 s28;
	s28 =	sadd.s32 $0x200, s28;
	_ =	swait.ge [sflag:s20], $0x2800  }
.Ltmp3:
0x9d: {  	[sflag:s20] =	ssyncset.done $0x0;
	(pc) =	sbr.rel @p1 .LBB2_8-.Ltmp3, $4  }
0x9e: {  	s30 =	sshra.s32 s30, $0x2;
	[sflag:s20] =	ssyncadd.s32 $0xFFFFD800  }
0x9f: {  	[spmem:s2] =	stream.indirect.scatter.add.f32 [tilespmem:s24], [sflag:$0x1], $0x40, s30, s25, $0xb8;
	[tilespmem:$0x10440] =	vst v63  }
0xa0: {  	_ =	swait.ge [sflag:s20], $0x1400  }
0xa1: {  	[sflag:s20] =	ssyncset.done $0x0  }
0xa2: {  	[sflag:s20] =	ssyncadd.s32 $0xFFFFEC00  }
0xa3: {  	s28 =	sadd.s32 @p0 $0x25800, s10;
	s29 =	simm.s32 @p0 $0x1FC1;
	[bflag:$0x0] =	sbarrier.arrive $0xFFFF  }
0xa4: {  	[hbm:s28], [sflag:s29] =	dma.local @p0 [spmem:s21], $0x1900  }
0xa5: {  	s28 =	simm.s32 @p0 $0x1  }
0xa6: {  	_ =	swait.ge @p0 [sflag:s28], $0x1900  }
0xa7: {  	[sflag:s28] =	ssyncset.done @p0 $0x0  }
0xa8: {  	[sflag:s28] =	ssyncadd.s32 @p0 $0xFFFFE700  }
0xa9: {  	[bflag:$0x0] =	sbarrier.arrive @p0 $0xFFFF  }
0xaa: {  	[spmem:s21], [sflag:s29] =	dma.local @p0 [hbm:s4], $0x1900  }
0xab: {  	_ =	swait.ge @p0 [sflag:s28], $0x1900  }
0xac: {  	[sflag:s28] =	ssyncset.done @p0 $0x0  }
0xad: {  	[sflag:s28] =	ssyncadd.s32 @p0 $0xFFFFE700;
	s28 =	sadd.s32 @!p0 s7, s10  }
0xae: {  	[hbm:s28], [sflag:s22] =	dma.local @!p0 [spmem:s23], $0x2800  }
0xaf: {  	s28 =	simm.s32 @!p0 $0x1  }
0xb0: {  	_ =	swait.ge @!p0 [sflag:s28], $0x2800  }
0xb1: {  	[sflag:s28] =	ssyncset.done @!p0 $0x0  }
0xb2: {  	[sflag:s28] =	ssyncadd.s32 @!p0 $0xFFFFD800  }
0xb3: {  	[bflag:$0x0] =	sbarrier.arrive @!p0 $0xFFFF  }
0xb4: {  	[spmem:s23], [sflag:s22] =	dma.local @!p0 [hbm:s4], $0x2800  }
0xb5: {  	_ =	swait.ge @!p0 [sflag:s28], $0x2800  }
0xb6: {  	[sflag:s28] =	ssyncset.done @!p0 $0x0  }
0xb7: {  	[sflag:s28] =	ssyncadd.s32 @!p0 $0xFFFFD800  }
0xb8: {  	[bflag:$0x0] =	sbarrier.arrive $0xFFFF  }
0xb9: {  	[tilespmem:s24], [sflag:$0x1] =	stream.linear.gather [hbm4b:s18+s3], $0x2800, $0x38;
	[tilespmem:$0x10440] =	vst v63  }
0xba: {  	_ =	swait.ge [sflag:s20], $0x2800  }
0xbb: {  	[sflag:s20] =	ssyncset.done $0x0  }
0xbc: {  	s28 =	simm.s32 $0x0;
	[sflag:s20] =	ssyncadd.s32 $0xFFFFD800  }
0xbd: {  	[spmem:s2] =	stream.indirect.scatter.add.f32 [tilespmem:s24], [sflag:$0x1], $0x40, s28, s25, $0xb8;
	[tilespmem:$0x10440] =	vst v63  }
0xbe: {  	_ =	swait.ge [sflag:s20], $0x1400  }
0xbf: {  	s29 =	smov.u32 s18;
	s28 =	simm.s32 $0x200;
	[sflag:s20] =	ssyncset.done $0x0  }
.LBB2_10:
0xc0: {  	p1 =	sne.s32 s28, $0xFE00;
	[sflag:s20] =	ssyncadd.s32 $0xFFFFEC00;
	s29 =	sadd.s32 $0x500, s29  }
0xc1: {  	[tilespmem:s24], [sflag:$0x1] =	stream.linear.gather [hbm4b:s29+s3], $0x2800, $0x38;
	[tilespmem:$0x10440] =	vst v63  }
0xc2: {  	s30 =	smov.u32 s28;
	s28 =	sadd.s32 $0x200, s28;
	_ =	swait.ge [sflag:s20], $0x2800  }
.Ltmp4:
0xc3: {  	[sflag:s20] =	ssyncset.done $0x0;
	(pc) =	sbr.rel @p1 .LBB2_10-.Ltmp4, $4  }
0xc4: {  	s30 =	sshra.s32 s30, $0x2;
	[sflag:s20] =	ssyncadd.s32 $0xFFFFD800  }
0xc5: {  	[spmem:s2] =	stream.indirect.scatter.add.f32 [tilespmem:s24], [sflag:$0x1], $0x40, s30, s25, $0xb8;
	[tilespmem:$0x10440] =	vst v63  }
0xc6: {  	_ =	swait.ge [sflag:s20], $0x1400  }
0xc7: {  	[sflag:s20] =	ssyncset.done $0x0  }
0xc8: {  	[sflag:s20] =	ssyncadd.s32 $0xFFFFEC00  }
0xc9: {  	s28 =	sadd.s32 @p0 $0x25800, s11;
	s29 =	simm.s32 @p0 $0x1FC1;
	[bflag:$0x0] =	sbarrier.arrive $0xFFFF  }
0xca: {  	[hbm:s28], [sflag:s29] =	dma.local @p0 [spmem:s21], $0x1900  }
0xcb: {  	s28 =	simm.s32 @p0 $0x1  }
0xcc: {  	_ =	swait.ge @p0 [sflag:s28], $0x1900  }
0xcd: {  	[sflag:s28] =	ssyncset.done @p0 $0x0  }
0xce: {  	[sflag:s28] =	ssyncadd.s32 @p0 $0xFFFFE700  }
0xcf: {  	[bflag:$0x0] =	sbarrier.arrive @p0 $0xFFFF  }
0xd0: {  	[spmem:s21], [sflag:s29] =	dma.local @p0 [hbm:s4], $0x1900  }
0xd1: {  	_ =	swait.ge @p0 [sflag:s28], $0x1900  }
0xd2: {  	[sflag:s28] =	ssyncset.done @p0 $0x0  }
0xd3: {  	[sflag:s28] =	ssyncadd.s32 @p0 $0xFFFFE700;
	s28 =	sadd.s32 @!p0 s7, s11  }
0xd4: {  	[hbm:s28], [sflag:s22] =	dma.local @!p0 [spmem:s23], $0x2800  }
0xd5: {  	s28 =	simm.s32 @!p0 $0x1  }
0xd6: {  	_ =	swait.ge @!p0 [sflag:s28], $0x2800  }
0xd7: {  	[sflag:s28] =	ssyncset.done @!p0 $0x0  }
0xd8: {  	[sflag:s28] =	ssyncadd.s32 @!p0 $0xFFFFD800  }
0xd9: {  	[bflag:$0x0] =	sbarrier.arrive @!p0 $0xFFFF  }
0xda: {  	[spmem:s23], [sflag:s22] =	dma.local @!p0 [hbm:s4], $0x2800  }
0xdb: {  	_ =	swait.ge @!p0 [sflag:s28], $0x2800  }
0xdc: {  	[sflag:s28] =	ssyncset.done @!p0 $0x0  }
0xdd: {  	[sflag:s28] =	ssyncadd.s32 @!p0 $0xFFFFD800  }
0xde: {  	[bflag:$0x0] =	sbarrier.arrive $0xFFFF  }
0xdf: {  	[tilespmem:s24], [sflag:$0x1] =	stream.linear.gather [hbm4b:s19+s3], $0x2800, $0x38;
	[tilespmem:$0x10440] =	vst v63  }
0xe0: {  	_ =	swait.ge [sflag:s20], $0x2800  }
0xe1: {  	[sflag:s20] =	ssyncset.done $0x0  }
0xe2: {  	s28 =	simm.s32 $0x0;
	[sflag:s20] =	ssyncadd.s32 $0xFFFFD800  }
0xe3: {  	[spmem:s2] =	stream.indirect.scatter.add.f32 [tilespmem:s24], [sflag:$0x1], $0x40, s28, s25, $0xb8;
	[tilespmem:$0x10440] =	vst v63  }
0xe4: {  	_ =	swait.ge [sflag:s20], $0x1400  }
0xe5: {  	s29 =	smov.u32 s19;
	s28 =	simm.s32 $0x200;
	[sflag:s20] =	ssyncset.done $0x0  }
.LBB2_12:
0xe6: {  	p1 =	sne.s32 s28, $0xFE00;
	[sflag:s20] =	ssyncadd.s32 $0xFFFFEC00;
	s29 =	sadd.s32 $0x500, s29  }
0xe7: {  	[tilespmem:s24], [sflag:$0x1] =	stream.linear.gather [hbm4b:s29+s3], $0x2800, $0x38;
	[tilespmem:$0x10440] =	vst v63  }
0xe8: {  	s30 =	smov.u32 s28;
	s28 =	sadd.s32 $0x200, s28;
	_ =	swait.ge [sflag:s20], $0x2800  }
.Ltmp5:
0xe9: {  	[sflag:s20] =	ssyncset.done $0x0;
	(pc) =	sbr.rel @p1 .LBB2_12-.Ltmp5, $4  }
0xea: {  	s30 =	sshra.s32 s30, $0x2;
	[sflag:s20] =	ssyncadd.s32 $0xFFFFD800  }
0xeb: {  	[spmem:s2] =	stream.indirect.scatter.add.f32 [tilespmem:s24], [sflag:$0x1], $0x40, s30, s25, $0xb8;
	[tilespmem:$0x10440] =	vst v63  }
0xec: {  	_ =	swait.ge [sflag:s20], $0x1400  }
0xed: {  	[sflag:s20] =	ssyncset.done $0x0  }
0xee: {  	[sflag:s20] =	ssyncadd.s32 $0xFFFFEC00  }
0xef: {  	s28 =	sadd.s32 @p0 $0x25800, s12;
	s29 =	simm.s32 @p0 $0x1FC1;
	[bflag:$0x0] =	sbarrier.arrive $0xFFFF  }
0xf0: {  	[hbm:s28], [sflag:s29] =	dma.local @p0 [spmem:s21], $0x1900  }
0xf1: {  	s28 =	simm.s32 @p0 $0x1  }
0xf2: {  	_ =	swait.ge @p0 [sflag:s28], $0x1900  }
0xf3: {  	[sflag:s28] =	ssyncset.done @p0 $0x0  }
0xf4: {  	s26 =	sadd.s32 $0x1, s26;
	[sflag:s28] =	ssyncadd.s32 @p0 $0xFFFFE700;
	s28 =	sadd.s32 @!p0 s7, s12  }
0xf5: {  	[hbm:s28], [sflag:s22] =	dma.local @!p0 [spmem:s23], $0x2800  }
0xf6: {  	p1 =	sne.s32 s26, s13;
	s28 =	simm.s32 @!p0 $0x1  }
.Ltmp6:
0xf7: {  	_ =	swait.ge @!p0 [sflag:s28], $0x2800;
	(pc) =	sbr.rel @p1 .LBB2_1-.Ltmp6, $3  }
0xf8: {  	[sflag:s28] =	ssyncset.done @!p0 $0x0  }
0xf9: {  	[sflag:s28] =	ssyncadd.s32 @!p0 $0xFFFFD800  }
0xfa: {  	[bflag:$0x0] =	sbarrier.arrive $0xFFFF;
	_ =	sdelay $0x1  }
0xfb: {  	_ =	sfence.sel $0x180000  }
0xfc: {  	[bflag:$0x0] =	sbarrier.arrive $0xFFFF  }
0xfd: {  	p0 =	sne.s32 s1, $0x0;
	_ =	strace $0x9000004D  }
0xfe: {  	s0 =	sadd.s32 @!p0 $0x100000, s0;
	[bflag:$0x2] =	sbarrier.arrive $0xFFFF  }
0xff: {  	[sflag:s0] =	ssyncadd.tile.s32 @!p0 $0x1;
	_ =	shalt  }
.Lfunc_end2:
_tile_overlayer_lowered:
.L_overlay_start_2:
0x100: {  	(tag) =	ssettag $0x2  }
0x101: {  	s0 =	rddreg [dreg:$0x0];
	s2 =	stileid.u32  }
0x102: {  	s1 =	rddreg [dreg:$0x1];
	p0 =	sne.s32 s2, $0x0  }
0x103: {  	s3 =	rddreg [dreg:$0x2];
	[bflag:$0x3] =	sbarrier.arrive $0xFFFF;
	s2 =	simm.s32 @!p0 $0x1C01  }
0x104: {  	[timem:s3], [sflag:s2] =	dma.local @!p0 [hbm:s0], s1  }
0x105: {  	s0 =	simm.s32 @!p0 $0x1  }
0x106: {  	_ =	swait.ge @!p0 [sflag:s0], s1  }
0x107: {  	s1 =	ssub.s32 @!p0 $0x0, s1;
	[sflag:s0] =	ssyncset.done @!p0 $0x0  }
0x108: {  	[sflag:s0] =	ssyncadd.s32 @!p0 s1  }
0x109: {  	[bflag:$0x3] =	sbarrier.arrive $0xFFFF  }
0x10a: {  	_ =	shalt  }

// kernel: kernel.9.cloned.1.call-start
scs
__scs_entry_jumppad:
0x0: {  	(pc) =	sbr.rel $0x88, $3  }
0x1: {  	(tag) =	ssettag $0x0;
	lr =	simm.s32 $0x1  }
0x2: {  	[smem:$0x3F94] =	sst lr;
	_ =	strace $0xD0000000  }
0x3: {  	_ = 	snop  }
0x4: {  	_ = 	snop  }
0x5: {  	_ = 	snop  }
0x6: {  	_ = 	snop  }
0x7: {  	_ = 	snop  }
__scs_overlays_trampoline_lowered:
0x8: {  	[smem:$0x3FA3] =	sst s0  }
0x9: {  	[smem:$0x3FA4] =	sst s1  }
0xa: {  	[smem:$0x3FA5] =	sst s2  }
0xb: {  	[smem:$0x3FA6] =	sst s3  }
0xc: {  	[smem:$0x3FA7] =	sst s4  }
0xd: {  	[smem:$0x3FA8] =	sst s5  }
0xe: {  	[smem:$0x3FA9] =	sst s6  }
0xf: {  	[smem:$0x3FAA] =	sst s7  }
0x10: {  	[smem:$0x3FAB] =	sst s8  }
0x11: {  	[smem:$0x3FAC] =	sst s9;
	s0 =	simm.s32 @!p0 $0x0  }
0x12: {  	s1 =	sld [smem:$0x3F92];
	s0 =	simm.s32 @p0 $0x1  }
0x13: {  	[smem:$0x3FAD] =	sst s0;
	s0 =	simm.s32 @!p1 $0x0  }
0x14: {  	s2 =	sld [smem:$0x3F91];
	s0 =	simm.s32 @p1 $0x1  }
0x15: {  	[smem:$0x3FAE] =	sst s0;
	s0 =	simm.s32 @!p2 $0x0  }
0x16: {  	s3 =	sld [smem:$0x3FDB];
	s0 =	simm.s32 @p2 $0x1  }
0x17: {  	s4 =	simm.s32 $0x1BF5;
	[smem:$0x3FB0] =	sst s0  }
0x18: {  	s0 =	sld [smem:$0x3F93];
	_ =	swait.ge [sflag:s4], $0x0  }
0x19: {  	s7 =	sld [smem:$0x3F94]  }
0x1a: {  	s8 =	sadd.s32 $0xFFFFE003, lr  }
0x1b: {  	s9 =	sadd.s32 $0xFFFFFEF7, lr;
	s5 =	simm.s32 $0xFFFFFFFF;
	p2 =	slt.u32 s8, $0xFFFFF086  }
0x1c: {  	p1 =	slt.u32 s9, $0xF7A;
	s5 =	simm.s32 @!p2 $0x0  }
0x1d: {  	s5 =	simm.s32 @p1 $0x1;
	p0 =	seq.s32 s7, s2  }
0x1e: {  	s7 =	smul.u32 @!p0 $0xF7A, s2;
	p2 =	seq.s32 @!p0 s5, $0x0  }
0x1f: {  	s9 =	smul.u32 $0xF7A, s1;
	s8 =	simm.s32 @!p0 $0x1BF5;
	p2 =	por !p2, p0  }
0x20: {  	[sflag:s8] =	ssyncset.s32 @!p0 $0xFFFFF086;
	s6 =	sadd.s32 @!p0 s3, s7;
	s7 =	simm.s32 @!p0 $0x108  }
0x21: {  	s3 =	sadd.s32 s3, s9;
	s6 =	sadd.s32 @!p0 $0x88, s6;
	s7 =	simm.s32 @p2 $0x1082  }
0x22: {  	[simem:s7], [sflag:s8] =	dma.local @!p0 [hbm:s6], $0xF7A  }
0x23: {  	s9 =	sor.u32 $0xD0000000, s2;
	s6 =	simm.s32 $0x108;
	_ =	swait.ge @!p0 [sflag:s8], $0x0  }
0x24: {  	s3 =	sadd.s32 $0x88, s3;
	s6 =	simm.s32 @!p1 $0x1082;
	[sflag:s4] =	ssyncset.s32 $0xFFFFF086  }
0x25: {  	[simem:s6], [sflag:s4] =	dma.local [hbm:s3], $0xF7A  }
0x26: {  	[smem:$0x3F94] =	sst s1;
	(tag) =	ssettag s2;
	_ =	strace s9  }
0x27: {  	s1 =	sld [smem:$0x3FA4]  }
0x28: {  	s2 =	sld [smem:$0x3FA5]  }
0x29: {  	s4 =	sld [smem:$0x3FA7]  }
0x2a: {  	p0 =	seq.s32 s5, $0x0;
	s5 =	sld [smem:$0x3FA8]  }
0x2b: {  	s6 =	sld [smem:$0x3FA9]  }
0x2c: {  	s7 =	sld [smem:$0x3FAA]  }
0x2d: {  	s3 =	simm.s32 $0x108;
	s8 =	sld [smem:$0x3FAB]  }
0x2e: {  	s3 =	simm.s32 @!p0 $0x1082;
	s9 =	sld [smem:$0x3FAC]  }
0x2f: {  	lr =	sadd.s32 s0, s3;
	s0 =	sld [smem:$0x3FA3]  }
0x30: {  	s3 =	sld [smem:$0x3FA6]  }
0x31: {  	[smem:$0x3FAF] =	sst s10  }
0x32: {  	s10 =	sld [smem:$0x3FAD];
	_ =	sdelay $0x3  }
0x33: {  	p0 =	seq.s32 s10, $0x1;
	s10 =	sld [smem:$0x3FAF];
	_ =	sdelay $0x3  }
0x34: {  	[smem:$0x3FAF] =	sst s10  }
0x35: {  	s10 =	sld [smem:$0x3FAE];
	_ =	sdelay $0x3  }
0x36: {  	p1 =	seq.s32 s10, $0x1;
	s10 =	sld [smem:$0x3FAF];
	_ =	sdelay $0x3  }
0x37: {  	[smem:$0x3FAF] =	sst s10  }
0x38: {  	s10 =	sld [smem:$0x3FB0]  }
0x39: {  	_ = 	snop;
	(pc) =	sbr.ind lr, $3  }
0x3a: {  	_ = 	snop  }
0x3b: {  	_ = 	snop  }
0x3c: {  	p2 =	seq.s32 s10, $0x1;
	s10 =	sld [smem:$0x3FAF]  }
0x3d: {  	_ =	shalt  }
0x3e: {  	_ =	shalt  }
0x3f: {  	_ =	shalt  }
0x40: {  	_ =	shalt  }
0x41: {  	_ =	shalt  }
0x42: {  	_ =	shalt  }
0x43: {  	_ =	shalt  }
0x44: {  	_ =	shalt  }
0x45: {  	_ =	shalt  }
0x46: {  	_ =	shalt  }
0x47: {  	_ =	shalt  }
0x48: {  	_ =	shalt  }
0x49: {  	_ =	shalt  }
0x4a: {  	_ =	shalt  }
0x4b: {  	_ =	shalt  }
0x4c: {  	_ =	shalt  }
0x4d: {  	_ =	shalt  }
0x4e: {  	_ =	shalt  }
0x4f: {  	_ =	shalt  }
0x50: {  	_ =	shalt  }
0x51: {  	_ =	shalt  }
0x52: {  	_ =	shalt  }
0x53: {  	_ =	shalt  }
0x54: {  	_ =	shalt  }
0x55: {  	_ =	shalt  }
0x56: {  	_ =	shalt  }
0x57: {  	_ =	shalt  }
0x58: {  	_ =	shalt  }
0x59: {  	_ =	shalt  }
0x5a: {  	_ =	shalt  }
0x5b: {  	_ =	shalt  }
0x5c: {  	_ =	shalt  }
0x5d: {  	_ =	shalt  }
0x5e: {  	_ =	shalt  }
0x5f: {  	_ =	shalt  }
0x60: {  	_ =	shalt  }
0x61: {  	_ =	shalt  }
0x62: {  	_ =	shalt  }
0x63: {  	_ =	shalt  }
0x64: {  	_ =	shalt  }
0x65: {  	_ =	shalt  }
0x66: {  	_ =	shalt  }
0x67: {  	_ =	shalt  }
0x68: {  	_ =	shalt  }
0x69: {  	_ =	shalt  }
0x6a: {  	_ =	shalt  }
0x6b: {  	_ =	shalt  }
0x6c: {  	_ =	shalt  }
0x6d: {  	_ =	shalt  }
0x6e: {  	_ =	shalt  }
0x6f: {  	_ =	shalt  }
0x70: {  	_ =	shalt  }
0x71: {  	_ =	shalt  }
0x72: {  	_ =	shalt  }
0x73: {  	_ =	shalt  }
0x74: {  	_ =	shalt  }
0x75: {  	_ =	shalt  }
0x76: {  	_ =	shalt  }
0x77: {  	_ =	shalt  }
0x78: {  	_ =	shalt  }
0x79: {  	_ =	shalt  }
0x7a: {  	_ =	shalt  }
0x7b: {  	_ =	shalt  }
0x7c: {  	_ =	shalt  }
0x7d: {  	_ =	shalt  }
0x7e: {  	_ =	shalt  }
0x7f: {  	_ =	shalt  }
0x80: {  	_ =	shalt  }
0x81: {  	_ =	shalt  }
0x82: {  	_ =	shalt  }
0x83: {  	_ =	shalt  }
0x84: {  	_ =	shalt  }
0x85: {  	_ =	shalt  }
0x86: {  	_ =	shalt  }
0x87: {  	_ =	shalt  }
.Lfunc_end0:
.L_simem_size_0:
called_computation_lowered:
.L_overlay_start_0:
0x88: {  	s2 =	sld [smem:$0x3FD9]  }
0x89: {  	s3 =	sld [smem:$0x3FFE];
	_ =	sdelay $0x1  }
0x8a: {  	s1 =	srdreg.scid  }
0x8b: {  	s0 =	sand.u32 $0x1, s1  }
0x8c: {  	s16 =	sshll.u32 s0, $0xA;
	s2 =	sadd.s32 s3, s2  }
0x8d: {  	s2 =	sadd.s32 s2, s16  }
0x8e: {  	[smem:$0x3FBB] =	sst s2  }
0x8f: {  	_ = 	snop  }
0x90: {  	(tm) =	ssettm $0x1  }
0x91: {  	s17 =	sld [smem:$0x3FFB];
	_ =	sdelay $0x3  }
0x92: {  	_ =	strace s17  }
0x93: {  	s2 =	sld [smem:$0x3FFC];
	_ =	sdelay $0x3  }
0x94: {  	_ =	strace s2  }
0x95: {  	s2 =	sld [smem:$0x3FFD];
	_ =	sdelay $0x3  }
0x96: {  	_ =	strace s2  }
0x97: {  	_ =	strace $0x8FFFFFFF  }
0x98: {  	s18 =	sld [smem:$0x3FDB];
	_ =	sdelay $0x1  }
0x99: {  	s19 =	simm.s32 $_scs_section_size  }
0x9a: {  	s4 =	simm.s32 $_size__tile_overlayer_lowered;
	s5 =	simm.s32 $_tile_overlayer_lowered  }
0x9b: {  	s22 =	simm.s32 $0x1BFF;
	s21 =	sshll.u32 s5, $0x1;
	s2 =	sadd.s32 s19, s18  }
0x9c: {  	s6 =	simm.s32 $0x0;
	s20 =	sshll.u32 s4, $0x1;
	s4 =	sadd.s32 s21, s2  }
0x9d: {  	[timem:s6], [sflag:s22] =	dma.local [hbm:s4], s20  }
0x9e: {  	_ =	swait.ge [sflag:s22], s20  }
0x9f: {  	s3 =	ssub.s32 $0x0, s20;
	[sflag:s22] =	ssyncset.done $0x0  }
0xa0: {  	[sflag:s22] =	ssyncadd.s32 s3;
	_ =	sdelay $0x1  }
0xa1: {  	s23 =	simm.s32 $0x1B8B  }
0xa2: {  	_ =	swait.ge [sflag:s23], $0x1  }
0xa3: {  	[sflag:s23] =	ssyncset.done $0x0  }
0xa4: {  	s25 =	simm.s32 $0x1B8E;
	s24 =	sld [smem:$0x3FFE];
	[sflag:s23] =	ssyncadd.s32 $0xFFFFFFFF  }
0xa5: {  	s26 =	simm.s32 $execute0_lowered;
	[smem:$0x3FD2] =	sst s25  }
0xa6: {  	s4 =	sshll.u32 s26, $0x1;
	_ =	strace $0x80000046;
	[dreg:$0x1] =	wrdreg $0xFFFFFFFF  }
0xa7: {  	s28 =	simm.s32 $_size_execute0_lowered;
	s2 =	sadd.s32 s2, s4;
	[dreg:$0x0] =	wrdreg $0x0  }
0xa8: {  	s4 =	sshll.u32 s28, $0x1;
	[dreg:$0x2] =	wrdreg s2  }
0xa9: {  	[dreg:$0x3] =	wrdreg s4  }
0xaa: {  	[dreg:$0x4] =	wrdreg $0xC0  }
0xab: {  	_ =	task [dreg:s6], $0x5FFFF  }
0xac: {  	[dreg:$0x1] =	wrdreg $0xFFFFFFFF  }
0xad: {  	[dreg:$0x0] =	wrdreg $0x60  }
0xae: {  	[dreg:$0x2] =	wrdreg s24  }
0xaf: {  	[dreg:$0x3] =	wrdreg $0xA8000  }
0xb0: {  	[dreg:$0x4] =	wrdreg $0x9  }
0xb1: {  	_ =	task.clear_ibuf [dreg:s6], $0x5FFFF;
	_ =	strace $0x90000046  }
0xb2: {  	s29 =	simm.s32 $0x9;
	_ =	strace $0x80000048  }
0xb3: {  	_ =	swait.ge [sflag:s29], $0x1  }
0xb4: {  	[sflag:s29] =	ssyncadd.s32 $0xFFFFFFFF  }
0xb5: {  	_ =	strace $0x90000048  }
0xb6: {  	_ =	sfence  }
0xb7: {  	s30 =	sld [smem:$0x0];
	_ =	sdelay $0x2  }
0xb8: {  	s31 =	sshll.u32 s1, $0xD;
	s1 =	sshrl.u32 s1, $0x2  }
0xb9: {  	s3 =	sand.u32 $0x4000, s31;
	s1 =	sadd.s32 s1, s30  }
0xba: {  	s0 =	sor.u32 s3, s0;
	s1 =	sshll.u32 s1, $0x11  }
0xbb: {  	s0 =	sor.u32 s1, s0  }
0xbc: {  	s0 =	sadd.s32 $0x8F2B, s0  }
0xbd: {  	[sflag:s0] =	ssyncadd.remote.s32 $0x1  }
0xbe: {  	_ =	sfence.sel $0xFFFF  }
0xbf: {  	[dreg:$0x0] =	wrdreg $0xFFFFFFFF;
	(pc) =	sbr.abs _section_cstart, $3  }
0xc0: {  	[dreg:$0x1] =	wrdreg $0xFFFFFFFF  }
0xc1: {  	_ =	task.clear_ibuf [dreg:s6], $0x2FFFF;
	_ =	strace $0x9FFFFFFF  }
0xc2: {  	(tm) =	ssettm $0x7FFFFFFF  }
0xc3: {  	_ =	shalt  }
tec
execute0_lowered:
.L_overlay_start_1:
0x0: {  	(tag) =	ssettag $0x1  }
0x1: {  	s5 =	rddreg [dreg:$0x0]  }
0x2: {  	s1 =	rddreg [dreg:$0x1]  }
0x3: {  	s0 =	rddreg [dreg:$0x2]  }
0x4: {  	s3 =	simm.s32 $0x0;
	s4 =	srdreg.scid;
	s2 =	stileid.u32  }
0x5: {  	s14 =	simm.s32 $0x50;
	s15 =	simm.s32 $0x8000;
	s17 =	simm.s32 $0x0  }
0x6: {  	[smem:$0x7FF] =	sst s3;
	s4 =	sand.u32 $0x1, s4;
	s9 =	smul.u32 $0x50000, s2  }
0x7: {  	s7 =	sshll.u32 s2, $0xB;
	s11 =	sadd.s32 $0x12C000, s1;
	s16 =	smul.u32 $0x2800, s2  }
0x8: {  	p0 =	seq.s32 s2, $0xF;
	_ =	strace $0x80000047;
	s6 =	sshll.u32 s4, $0xF  }
0x9: {  	s8 =	smul.u32 $0x27100, s4;
	s30 =	ssub.s32 $0x2, s4;
	s4 =	sadd.s32 $0x2F400, s5  }
0xa: {  	s11 =	sshrl.u32 @p0 s11, $0x3;
	s12 =	sshll.u32 @!p0 s2, $0x6;
	s6 =	sor.u32 s7, s6  }
0xb: {  	s10 =	sshrl.u32 s30, $0x1;
	s31 =	sshrl.u32 s9, $0x2;
	s9 =	simm.s32 $0x1  }
0xc: {  	s12 =	sor.u32 @!p0 $0x1C01, s12;
	s6 =	sadd.s32 s6, s5;
	s8 =	sadd.s32 s8, s5  }
0xd: {  	s10 =	ssub.s32 s30, s10;
	s13 =	sadd.s32 s31, s1;
	s5 =	sadd.s32 $0x5600, s6  }
0xe: {  	s6 =	sadd.s32 $0x1F400, s6;
	s7 =	sadd.s32 $0x31C00, s8;
	s8 =	smax.u32 s10, $0x1  }
0xf: {  	s10 =	simm.s32 $0x4000;
	s13 =	sshrl.u32 @!p0 s13, $0x3;
	s16 =	sadd.s32 @!p0 s16, s7  }
.LBB2_1:
0x10: {  	[tilespmem:s3], [sflag:$0x1] =	stream.linear.gather [hbm4b:s5+s3], $0x4000, $0x38;
	[tilespmem:$0xCF10] =	vst v63  }
0x11: {  	_ =	swait.ge [sflag:s9], $0x4000  }
0x12: {  	[sflag:s9] =	ssyncset.done $0x0  }
0x13: {  	[sflag:s9] =	ssyncadd.s32 $0xFFFFC000  }
0x14: {  	[tilespmem:s10], [sflag:$0x1] =	stream.linear.gather [hbm4b:s6+s3], $0x4000, $0x38;
	[tilespmem:$0xCF10] =	vst v63  }
0x15: {  	_ =	swait.ge [sflag:s9], $0x4000  }
0x16: {  	[sflag:s9] =	ssyncset.done $0x0  }
0x17: {  	s18 =	simm.s32 @p0 $0x1FC1;
	[sflag:s9] =	ssyncadd.s32 $0xFFFFC000  }
0x18: {  	[spmem:s11], [sflag:s18] =	dma.local @p0 [hbm:s4], $0x1900  }
0x19: {  	s18 =	simm.s32 @p0 $0x1  }
0x1a: {  	_ =	swait.ge @p0 [sflag:s18], $0x1900  }
0x1b: {  	[sflag:s18] =	ssyncset.done @p0 $0x0  }
0x1c: {  	[sflag:s18] =	ssyncadd.s32 @p0 $0xFFFFE700;
	s18 =	simm.s32 @!p0 $0x1  }
0x1d: {  	[spmem:s13], [sflag:s12] =	dma.local @!p0 [hbm:s4], $0x2800  }
0x1e: {  	_ =	swait.ge @!p0 [sflag:s18], $0x2800  }
0x1f: {  	[sflag:s18] =	ssyncset.done @!p0 $0x0  }
0x20: {  	[sflag:s18] =	ssyncadd.s32 @!p0 $0xFFFFD800  }
0x21: {  	s19 =	simm.s32 $0x0;
	s18 =	simm.s32 $0x4000;
	[bflag:$0x0] =	sbarrier.arrive $0xFFFF  }
.LBB2_2:
0x22: {  	v0 =	vmov s18;
	_ =	sdelay $0x3  }
0x23: {  	s20 =	simm.s32 $0x0  }
0x24: {  	v1 =	vld.idx.msk [tilespmem:v0+s20+$0x0 ss:$0x1], $0xffff;
	_ =	sdelay $0x4  }
0x25: {  	v2 =	vbroadcast v1, $0x0  }
0x26: {  	s21 =	simm.s32 $0x8400;
	v3 =	vbroadcast v1, $0x1  }
0x27: {  	v4 =	vbroadcast v1, $0x2;
	[tilespmem:s21+$0xFFFFFC00] =	vst v2  }
0x28: {  	v60 =	vbroadcast v1, $0x5;
	[tilespmem:s21+$0xFFFFFC80] =	vst v3  }
0x29: {  	v61 =	vbroadcast v1, $0x8;
	[tilespmem:s21+$0xFFFFFD00] =	vst v4  }
0x2a: {  	v62 =	vbroadcast v1, $0xB;
	[tilespmem:s21+$0xFFFFFE80] =	vst v60  }
0x2b: {  	v63 =	vbroadcast v1, $0xE;
	[tilespmem:s21+$0x0] =	vst v61  }
0x2c: {  	v2 =	vbroadcast v1, $0x3;
	[tilespmem:s21+$0x180] =	vst v62  }
0x2d: {  	v3 =	vbroadcast v1, $0x4;
	[tilespmem:s21+$0x300] =	vst v63  }
0x2e: {  	[tilespmem:s21+$0xFFFFFD80] =	vst v2;
	v2 =	vbroadcast v1, $0x6  }
0x2f: {  	[tilespmem:s21+$0xFFFFFE00] =	vst v3;
	v3 =	vbroadcast v1, $0x7  }
0x30: {  	[tilespmem:s21+$0xFFFFFF00] =	vst v2;
	v2 =	vbroadcast v1, $0x9  }
0x31: {  	[tilespmem:s21+$0xFFFFFF80] =	vst v3;
	v3 =	vbroadcast v1, $0xA  }
0x32: {  	[tilespmem:s21+$0x80] =	vst v2;
	v2 =	vbroadcast v1, $0xC  }
0x33: {  	[tilespmem:s21+$0x100] =	vst v3;
	v3 =	vbroadcast v1, $0xD  }
0x34: {  	v1 =	vbroadcast v1, $0xF;
	[tilespmem:s21+$0x200] =	vst v2  }
0x35: {  	[tilespmem:s21+$0x280] =	vst v3  }
0x36: {  	s23 =	simm.s32 $0x10;
	s22 =	simm.s32 $0x80;
	s20 =	sshll.u32 s19, $0x9;
	[tilespmem:s21+$0x380] =	vst v1  }
.LBB2_3:
0x37: {  	p1 =	sne.s32 s22, $0x100;
	v1 =	vld.idx.msk [tilespmem:v0+s23+$0x0 ss:$0x1], $0xffff;
	_ =	sdelay $0x5  }
0x38: {  	v2 =	vbroadcast v1, $0x0;
	v3 =	vbroadcast v1, $0x1  }
0x39: {  	s21 =	sadd.s32 $0x800, s21;
	v4 =	vbroadcast v1, $0x2;
	v5 =	vbroadcast v1, $0x3  }
0x3a: {  	v6 =	vbroadcast v1, $0x5;
	[tilespmem:s21+$0xFFFFFC00] =	vst v2;
	v2 =	vbroadcast v1, $0x4  }
0x3b: {  	v7 =	vbroadcast v1, $0x7;
	[tilespmem:s21+$0xFFFFFC80] =	vst v3;
	v3 =	vbroadcast v1, $0x6  }
0x3c: {  	v8 =	vbroadcast v1, $0x9;
	[tilespmem:s21+$0xFFFFFD00] =	vst v4;
	v4 =	vbroadcast v1, $0x8  }
0x3d: {  	v9 =	vbroadcast v1, $0xB;
	[tilespmem:s21+$0xFFFFFD80] =	vst v5;
	v5 =	vbroadcast v1, $0xA  }
0x3e: {  	v10 =	vbroadcast v1, $0xD;
	[tilespmem:s21+$0xFFFFFE00] =	vst v2;
	v2 =	vbroadcast v1, $0xC  }
0x3f: {  	[tilespmem:s21+$0xFFFFFE80] =	vst v6;
	v6 =	vbroadcast v1, $0xE;
	v1 =	vbroadcast v1, $0xF  }
0x40: {  	[tilespmem:s21+$0xFFFFFF00] =	vst v3  }
0x41: {  	[tilespmem:s21+$0xFFFFFF80] =	vst v7  }
0x42: {  	[tilespmem:s21+$0x0] =	vst v4  }
0x43: {  	[tilespmem:s21+$0x80] =	vst v8  }
0x44: {  	[tilespmem:s21+$0x100] =	vst v5  }
.Ltmp0:
0x45: {  	[tilespmem:s21+$0x180] =	vst v9;
	(pc) =	sbr.rel @p1 .LBB2_3-.Ltmp0, $4  }
0x46: {  	[tilespmem:s21+$0x200] =	vst v2  }
0x47: {  	[tilespmem:s21+$0x280] =	vst v10  }
0x48: {  	[tilespmem:s21+$0x300] =	vst v6  }
0x49: {  	s23 =	sshra.s32 s22, $0x2;
	s22 =	sadd.s32 $0x40, s22;
	[tilespmem:s21+$0x380] =	vst v1  }
0x4a: {  	_ =	sdelay $0x3  }
0x4b: {  	v0 =	vld.idx.msk [tilespmem:v0+s23+$0x0 ss:$0x1], $0xffff;
	_ =	sdelay $0x4  }
0x4c: {  	v1 =	vbroadcast v0, $0x0  }
0x4d: {  	s21 =	sadd.s32 $0x800, s21;
	v2 =	vbroadcast v0, $0x1  }
0x4e: {  	v3 =	vbroadcast v0, $0x2;
	[tilespmem:s21+$0xFFFFFC00] =	vst v1  }
0x4f: {  	v52 =	vbroadcast v0, $0x3;
	[tilespmem:s21+$0xFFFFFC80] =	vst v2  }
0x50: {  	v53 =	vbroadcast v0, $0x4;
	[tilespmem:s21+$0xFFFFFD00] =	vst v3  }
0x51: {  	v54 =	vbroadcast v0, $0x5;
	[tilespmem:s21+$0xFFFFFD80] =	vst v52  }
0x52: {  	v55 =	vbroadcast v0, $0x6;
	[tilespmem:s21+$0xFFFFFE00] =	vst v53  }
0x53: {  	v56 =	vbroadcast v0, $0x7;
	[tilespmem:s21+$0xFFFFFE80] =	vst v54  }
0x54: {  	v57 =	vbroadcast v0, $0x8;
	[tilespmem:s21+$0xFFFFFF00] =	vst v55  }
0x55: {  	v58 =	vbroadcast v0, $0x9;
	[tilespmem:s21+$0xFFFFFF80] =	vst v56  }
0x56: {  	v59 =	vbroadcast v0, $0xA;
	[tilespmem:s21+$0x0] =	vst v57  }
0x57: {  	v60 =	vbroadcast v0, $0xB;
	[tilespmem:s21+$0x80] =	vst v58  }
0x58: {  	v61 =	vbroadcast v0, $0xC;
	[tilespmem:s21+$0x100] =	vst v59  }
0x59: {  	v62 =	vbroadcast v0, $0xD;
	[tilespmem:s21+$0x180] =	vst v60  }
0x5a: {  	v63 =	vbroadcast v0, $0xE;
	[tilespmem:s21+$0x200] =	vst v61  }
0x5b: {  	s19 =	sadd.s32 $0x1, s19;
	v0 =	vbroadcast v0, $0xF;
	[tilespmem:s21+$0x280] =	vst v62  }
0x5c: {  	p1 =	sne.s32 s19, $0x80;
	[tilespmem:s21+$0x300] =	vst v63  }
.Ltmp1:
0x5d: {  	s20 =	sshrl.u32 s20, $0x2;
	[tilespmem:s21+$0x380] =	vst v0;
	(pc) =	sbr.rel @p1 .LBB2_2-.Ltmp1, $4  }
0x5e: {  	[spmem:s1] =	stream.indirect.scatter.add.f32 [tilespmem:s15], [sflag:$0x1], $0x10, s20, s14, $0xb8;
	[tilespmem:$0xCF10] =	vst v63  }
0x5f: {  	_ =	swait.ge [sflag:s9], $0x500  }
0x60: {  	[sflag:s9] =	ssyncset.done $0x0  }
0x61: {  	s18 =	sadd.s32 $0x80, s18;
	[sflag:s9] =	ssyncadd.s32 $0xFFFFFB00  }
0x62: {  	[bflag:$0x0] =	sbarrier.arrive $0xFFFF;
	s18 =	sadd.s32 @p0 $0x25800, s7;
	s19 =	simm.s32 @p0 $0x1FC1  }
0x63: {  	[hbm:s18], [sflag:s19] =	dma.local @p0 [spmem:s11], $0x1900  }
0x64: {  	s18 =	simm.s32 @p0 $0x1  }
0x65: {  	s17 =	sadd.s32 $0x1, s17;
	_ =	swait.ge @p0 [sflag:s18], $0x1900  }
0x66: {  	p1 =	sne.s32 s17, s8;
	[sflag:s18] =	ssyncset.done @p0 $0x0  }
.Ltmp2:
0x67: {  	[sflag:s18] =	ssyncadd.s32 @p0 $0xFFFFE700;
	s18 =	simm.s32 @!p0 $0x1;
	(pc) =	sbr.rel @p1 .LBB2_1-.Ltmp2, $4  }
0x68: {  	[hbm:s16], [sflag:s12] =	dma.local @!p0 [spmem:s13], $0x2800  }
0x69: {  	_ =	swait.ge @!p0 [sflag:s18], $0x2800  }
0x6a: {  	[sflag:s18] =	ssyncset.done @!p0 $0x0  }
0x6b: {  	[sflag:s18] =	ssyncadd.s32 @!p0 $0xFFFFD800  }
0x6c: {  	_ =	sfence.sel $0x180000  }
0x6d: {  	[bflag:$0x0] =	sbarrier.arrive $0xFFFF  }
0x6e: {  	p0 =	sne.s32 s2, $0x0;
	_ =	strace $0x90000047  }
0x6f: {  	s0 =	sadd.s32 @!p0 $0x100000, s0;
	[bflag:$0x2] =	sbarrier.arrive $0xFFFF  }
0x70: {  	[sflag:s0] =	ssyncadd.tile.s32 @!p0 $0x1;
	_ =	shalt  }
.Lfunc_end2:
_tile_overlayer_lowered:
.L_overlay_start_2:
0x71: {  	(tag) =	ssettag $0x2  }
0x72: {  	s0 =	rddreg [dreg:$0x0];
	s2 =	stileid.u32  }
0x73: {  	s1 =	rddreg [dreg:$0x1];
	p0 =	sne.s32 s2, $0x0  }
0x74: {  	s3 =	rddreg [dreg:$0x2];
	[bflag:$0x3] =	sbarrier.arrive $0xFFFF;
	s2 =	simm.s32 @!p0 $0x1C01  }
0x75: {  	[timem:s3], [sflag:s2] =	dma.local @!p0 [hbm:s0], s1  }
0x76: {  	s0 =	simm.s32 @!p0 $0x1  }
0x77: {  	_ =	swait.ge @!p0 [sflag:s0], s1  }
0x78: {  	s1 =	ssub.s32 @!p0 $0x0, s1;
	[sflag:s0] =	ssyncset.done @!p0 $0x0  }
0x79: {  	[sflag:s0] =	ssyncadd.s32 @!p0 s1  }
0x7a: {  	[bflag:$0x3] =	sbarrier.arrive $0xFFFF  }
0x7b: {  	_ =	shalt  }

</sc_bundles>
